<compile_context>
chip_gen: v7x
topology: tpu7x:2x2x1
jax: 0.10.2.dev20260603
libtpu: 0.0.44.dev20260713+nightly
codegen_flags: <defaults>
</compile_context>

<pallas_src>
import functools

import jax
import jax.numpy as jnp
from jax import lax
from jax.experimental import pallas as pl
from jax.experimental.pallas import tpu as pltpu
from jax.experimental.pallas import tpu_sc as plsc

NUM_EXPERTS = 64
TOP_K = 2
HIDDEN = 1024
D_FF = 512
TOKENS = 128

E_BLK = 2
PAD_COLS = 16

_NC = 1
_NS = 16
_NW = _NC * _NS
_TPW = TOKENS // _NW


def _routing_sc_body(logits_hbm, ids_hbm, vals_hbm, loc_v, ids_v, vals_v):
    wid = lax.axis_index("s") * _NC + lax.axis_index("c")
    base = wid * _TPW
    pltpu.sync_copy(logits_hbm.at[pl.ds(base, _TPW)], loc_v)
    iota = lax.iota(jnp.int32, 16)
    for j in range(_TPW):
        rows = [loc_v[j, pl.ds(k * 16, 16)] for k in range(NUM_EXPERTS // 16)]
        m1 = jnp.max(rows[0])
        for r in rows[1:]:
            m1 = jnp.maximum(m1, jnp.max(r))
        a1 = jnp.int32(NUM_EXPERTS)
        for k, r in enumerate(rows):
            cand = jnp.min(jnp.where(r == m1, iota + 16 * k, NUM_EXPERTS))
            a1 = jnp.minimum(a1, cand)
        m2 = jnp.float32(-1e30)
        masked = []
        for k, r in enumerate(rows):
            rm = jnp.where(iota + 16 * k == a1, -1e30, r)
            masked.append(rm)
            m2 = jnp.maximum(m2, jnp.max(rm))
        a2 = jnp.int32(NUM_EXPERTS)
        for k, rm in enumerate(masked):
            cand = jnp.min(jnp.where(rm == m2, iota + 16 * k, NUM_EXPERTS))
            a2 = jnp.minimum(a2, cand)
        ids_v[j, pl.ds(0, 16)] = jnp.where(
            iota == 0, a1, jnp.where(iota == 1, a2, 0))
        vals_v[j, pl.ds(0, 16)] = jnp.where(
            iota == 0, m1, jnp.where(iota == 1, m2, 0.0))
    pltpu.sync_copy(ids_v, ids_hbm.at[pl.ds(base, _TPW)])
    pltpu.sync_copy(vals_v, vals_hbm.at[pl.ds(base, _TPW)])


_routing_sc = functools.partial(
    pl.kernel,
    out_type=[
        jax.ShapeDtypeStruct((TOKENS, PAD_COLS), jnp.int32),
        jax.ShapeDtypeStruct((TOKENS, PAD_COLS), jnp.float32),
    ],
    mesh=plsc.VectorSubcoreMesh(core_axis_name="c", subcore_axis_name="s",
                                num_cores=_NC),
    compiler_params=pltpu.CompilerParams(needs_layout_passes=False),
    scratch_types=[
        pltpu.VMEM((_TPW, NUM_EXPERTS), jnp.float32),
        pltpu.VMEM((_TPW, PAD_COLS), jnp.int32),
        pltpu.VMEM((_TPW, PAD_COLS), jnp.float32),
    ],
)(_routing_sc_body)


def _swiglu(x, wg, wu, wd):
    gate = jnp.dot(x, wg, preferred_element_type=jnp.float32)
    up = jnp.dot(x, wu, preferred_element_type=jnp.float32)
    act = gate * jax.nn.sigmoid(gate) * up
    return jnp.dot(act, wd, preferred_element_type=jnp.float32)


def _moe_main_kernel(x_ref, ids_ref, vals_ref,
                     wg_ref, wu_ref, wd_ref, out_ref):
    g = pl.program_id(0)

    @pl.when(g == 0)
    def _init():
        out_ref[...] = jnp.zeros_like(out_ref)

    a1 = ids_ref[:, 0:1]
    a2 = ids_ref[:, 1:2]
    v1 = vals_ref[:, 0:1]
    v2 = vals_ref[:, 1:2]
    e2 = jnp.exp(v2 - v1)
    denom = 1.0 + e2
    w1 = 1.0 / denom
    w2 = e2 / denom

    x = x_ref[...]
    acc = jnp.zeros((TOKENS, HIDDEN), jnp.float32)
    for i in range(E_BLK):
        e = g * E_BLK + i
        y = _swiglu(x, wg_ref[i], wu_ref[i], wd_ref[i])
        w = (jnp.where(a1 == e, w1, 0.0)
             + jnp.where(a2 == e, w2, 0.0))
        acc = acc + y * w
    out_ref[...] += acc


@jax.jit
def kernel(hidden_states, router_logits, W_gate, W_up, W_down):
    topk_ids, topk_vals = _routing_sc(router_logits)

    return pl.pallas_call(
        _moe_main_kernel,
        grid=(NUM_EXPERTS // E_BLK,),
        in_specs=[
            pl.BlockSpec((TOKENS, HIDDEN), lambda g: (0, 0)),
            pl.BlockSpec((TOKENS, PAD_COLS), lambda g: (0, 0)),
            pl.BlockSpec((TOKENS, PAD_COLS), lambda g: (0, 0)),
            pl.BlockSpec((E_BLK, HIDDEN, D_FF), lambda g: (g, 0, 0)),
            pl.BlockSpec((E_BLK, HIDDEN, D_FF), lambda g: (g, 0, 0)),
            pl.BlockSpec((E_BLK, D_FF, HIDDEN), lambda g: (g, 0, 0)),
        ],
        out_specs=pl.BlockSpec((TOKENS, HIDDEN), lambda g: (0, 0)),
        out_shape=jax.ShapeDtypeStruct((TOKENS, HIDDEN), jnp.float32),
        compiler_params=pltpu.CompilerParams(
            dimension_semantics=("arbitrary",),
        ),
    )(hidden_states, topk_ids, topk_vals, W_gate, W_up, W_down)

# --- scband reference (transcript-rebuilt; emitter-appended) ---
"""Pipeline reference for scband-hybrid-mo-e-14826227106476 (READ-ONLY COPY).

The authoritative reference and input builder live on the scoring server;
editing this copy changes nothing except your own understanding.
"""

import jax, jax.numpy as jnp
import numpy as np

NUM_EXPERTS = 64
TOP_K = 2
HIDDEN = 1024
D_FF = 512
TOKENS = 128


def setup_inputs(seed: int = 0):
    key = jax.random.key(seed)
    k0, k1, k2, k3, k4 = jax.random.split(key, 5)
    hidden_states = jax.random.normal(k0, (TOKENS, HIDDEN), dtype=jnp.float32)
    router_logits = jax.random.normal(k1, (TOKENS, NUM_EXPERTS), dtype=jnp.float32)
    W_gate = jax.random.normal(k2, (NUM_EXPERTS, HIDDEN, D_FF), dtype=jnp.float32) * 0.02
    W_up = jax.random.normal(k3, (NUM_EXPERTS, HIDDEN, D_FF), dtype=jnp.float32) * 0.02
    W_down = jax.random.normal(k4, (NUM_EXPERTS, D_FF, HIDDEN), dtype=jnp.float32) * 0.02
    return {"hidden_states": hidden_states, "router_logits": router_logits,
            "W_gate": W_gate, "W_up": W_up, "W_down": W_down}


def reference(hidden_states, router_logits, W_gate, W_up, W_down):
    # router_use_softmax=False path: topk on raw logits, then softmax over topk values
    topk_weights, topk_ids = jax.lax.top_k(router_logits, TOP_K)
    topk_weights = jax.nn.softmax(topk_weights, axis=-1)
    # expert_mask: [tokens, num_experts] bool, True if token routed to expert
    expert_mask = jax.nn.one_hot(topk_ids, NUM_EXPERTS, dtype=jnp.int32).sum(axis=1) > 0
    out = jnp.zeros_like(hidden_states)
    for e in range(NUM_EXPERTS):
        # SwiGLU expert FFN: down( silu(x @ Wg) * (x @ Wu) )
        gate = jax.nn.silu(hidden_states @ W_gate[e])
        up = hidden_states @ W_up[e]
        expert_out = (gate * up) @ W_down[e]
        match = topk_ids == e  # [tokens, TOP_K], exactly one True per routed row
        w = jnp.sum(jnp.where(match, topk_weights, 0.0), axis=1)
        w = jnp.where(expert_mask[:, e], w, 0.0)
        out = out + expert_out * w[:, None]
    return out

if __name__ == "__main__":
    import jax
    _d = setup_inputs()
    print(jax.jit(kernel)(*tuple(_d.values())))

</pallas_src>

<mosaic_0001>
#map = affine_map<(d0, d1) -> (0, 0)>
module attributes {stable_mosaic.version = 14 : i64} {
  func.func @_routing_sc_body(%arg0: i32, %arg1: i32, %arg2: memref<128x64xf32, #tpu.memory_space<hbm>>, %arg3: memref<128x16xi32, #tpu.memory_space<hbm>>, %arg4: memref<128x16xf32, #tpu.memory_space<hbm>>, %arg5: memref<8x64xf32, #tpu.memory_space<vmem>>, %arg6: memref<8x16xi32, #tpu.memory_space<vmem>>, %arg7: memref<8x16xf32, #tpu.memory_space<vmem>>) attributes {dimension_semantics = [#tpu.dimension_semantics<core_parallel>, #tpu.dimension_semantics<subcore_parallel>], iteration_bounds = array<i64: 1, 16>, scalar_prefetch = 0 : i64, scratch_operands = 3 : i64, tpu.core_type = #tpu.core_type<sc_vector_subcore>, window_params = [{transform_indices = #map}, {transform_indices = #map}, {transform_indices = #map}]} {
    %mul3A = arith.constant 1 : i32
    %mul3A_0 = arith.muli %arg1, %mul3A : i32
    %add3A = arith.addi %mul3A_0, %arg0 : i32
    %mul3A_1 = arith.constant 8 : i32
    %mul3A_2 = arith.muli %add3A, %mul3A_1 : i32
    "tpu.region"() ({
      %run_scoped3A = tpu.sem_alloc : memref<!tpu.dma_semaphore, #tpu.memory_space<semaphore_mem>>
      %dma_start3A = arith.constant 0 : i32
      %dma_start3A_2057 = tpu.memref_slice %arg2[%mul3A_2, %dma_start3A] : memref<128x64xf32, #tpu.memory_space<hbm>> -> memref<8x64xf32, #tpu.memory_space<hbm>>
      %dma_start3A_2058 = arith.constant 0 : i32
      %dma_start3A_2059 = tpu.memref_slice %arg2[%mul3A_2, %dma_start3A_2058] : memref<128x64xf32, #tpu.memory_space<hbm>> -> memref<8x64xf32, #tpu.memory_space<hbm>>
      tpu.enqueue_dma source(%dma_start3A_2059 : memref<8x64xf32, #tpu.memory_space<hbm>>) target(%arg5 : memref<8x64xf32, #tpu.memory_space<vmem>>) target_semaphore(%run_scoped3A : memref<!tpu.dma_semaphore, #tpu.memory_space<semaphore_mem>>)
      %dma_wait3A = arith.constant 0 : i32
      %dma_wait3A_2060 = tpu.memref_slice %arg2[%mul3A_2, %dma_wait3A] : memref<128x64xf32, #tpu.memory_space<hbm>> -> memref<8x64xf32, #tpu.memory_space<hbm>>
      %dma_wait3A_2061 = arith.constant 0 : i32
      %dma_wait3A_2062 = tpu.memref_slice %arg2[%mul3A_2, %dma_wait3A_2061] : memref<128x64xf32, #tpu.memory_space<hbm>> -> memref<8x64xf32, #tpu.memory_space<hbm>>
      tpu.wait_dma2 semaphore(%run_scoped3A : memref<!tpu.dma_semaphore, #tpu.memory_space<semaphore_mem>>) src(%dma_wait3A_2062 : memref<8x64xf32, #tpu.memory_space<hbm>>) dst(%arg5 : memref<8x64xf32, #tpu.memory_space<vmem>>)
      tpu.yield
    }) : () -> ()
    %iota3A = tpu.iota {dimensions = array<i32: 0>} : vector<16xi32>
    %get3A = arith.constant 0 : i32
    %get3A_3 = arith.index_cast %get3A : i32 to index
    %get3A_4 = arith.constant 0 : index
    %get3A_5 = tpu.vector_load %arg5[%get3A_3, %get3A_4] {strides = array<i32>} : memref<8x64xf32, #tpu.memory_space<vmem>>, vector<16xf32>,
    %get3A_6 = arith.constant 0 : i32
    %get3A_7 = arith.index_cast %get3A_6 : i32 to index
    %get3A_8 = arith.constant 16 : index
    %get3A_9 = tpu.vector_load %arg5[%get3A_7, %get3A_8] {strides = array<i32>} : memref<8x64xf32, #tpu.memory_space<vmem>>, vector<16xf32>,
    %get3A_10 = arith.constant 0 : i32
    %get3A_11 = arith.index_cast %get3A_10 : i32 to index
    %get3A_12 = arith.constant 32 : index
    %get3A_13 = tpu.vector_load %arg5[%get3A_11, %get3A_12] {strides = array<i32>} : memref<8x64xf32, #tpu.memory_space<vmem>>, vector<16xf32>,
    %get3A_14 = arith.constant 0 : i32
    %get3A_15 = arith.index_cast %get3A_14 : i32 to index
    %get3A_16 = arith.constant 48 : index
    %get3A_17 = tpu.vector_load %arg5[%get3A_15, %get3A_16] {strides = array<i32>} : memref<8x64xf32, #tpu.memory_space<vmem>>, vector<16xf32>,
    %reduce_max3A = arith.constant true
    %reduce_max3A_18 = vector.broadcast %reduce_max3A : i1 to vector<16xi1>
    %reduce_max3A_19 = tpu.scan <max>, %get3A_5 masked %reduce_max3A_18 : vector<16xf32>, vector<16xi1> -> vector<16xf32>
    %reduce_max3A_20 = vector.extract %reduce_max3A_19[15] : f32 from vector<16xf32>
    %reduce_max3A_21 = arith.constant true
    %reduce_max3A_22 = vector.broadcast %reduce_max3A_21 : i1 to vector<16xi1>
    %reduce_max3A_23 = tpu.scan <max>, %get3A_9 masked %reduce_max3A_22 : vector<16xf32>, vector<16xi1> -> vector<16xf32>
    %reduce_max3A_24 = vector.extract %reduce_max3A_23[15] : f32 from vector<16xf32>
    %max3A = arith.maximumf %reduce_max3A_20, %reduce_max3A_24 : f32
    %reduce_max3A_25 = arith.constant true
    %reduce_max3A_26 = vector.broadcast %reduce_max3A_25 : i1 to vector<16xi1>
    %reduce_max3A_27 = tpu.scan <max>, %get3A_13 masked %reduce_max3A_26 : vector<16xf32>, vector<16xi1> -> vector<16xf32>
    %reduce_max3A_28 = vector.extract %reduce_max3A_27[15] : f32 from vector<16xf32>
    %max3A_29 = arith.maximumf %max3A, %reduce_max3A_28 : f32
    %reduce_max3A_30 = arith.constant true
    %reduce_max3A_31 = vector.broadcast %reduce_max3A_30 : i1 to vector<16xi1>
    %reduce_max3A_32 = tpu.scan <max>, %get3A_17 masked %reduce_max3A_31 : vector<16xf32>, vector<16xi1> -> vector<16xf32>
    %reduce_max3A_33 = vector.extract %reduce_max3A_32[15] : f32 from vector<16xf32>
    %max3A_34 = arith.maximumf %max3A_29, %reduce_max3A_33 : f32
    %eq3A = vector.broadcast %max3A_34 : f32 to vector<16xf32>
    %eq3A_35 = arith.cmpf oeq, %get3A_5, %eq3A : vector<16xf32>
    %add3A_36 = arith.constant 0 : i32
    %add3A_37 = vector.broadcast %add3A_36 : i32 to vector<16xi32>
    %add3A_38 = arith.addi %iota3A, %add3A_37 : vector<16xi32>
    %jit3A = arith.constant 64 : i32
    %broadcast_in_dim3A = vector.broadcast %jit3A : i32 to vector<16xi32>
    %select_n3A = arith.select %eq3A_35, %add3A_38, %broadcast_in_dim3A : vector<16xi1>, vector<16xi32>
    %reduce_min3A = arith.constant true
    %reduce_min3A_39 = vector.broadcast %reduce_min3A : i1 to vector<16xi1>
    %reduce_min3A_40 = arith.constant -2147483648 : i32
    %reduce_min3A_41 = vector.broadcast %reduce_min3A_40 : i32 to vector<16xi32>
    %reduce_min3A_42 = arith.xori %select_n3A, %reduce_min3A_41 : vector<16xi32>
    %reduce_min3A_43 = tpu.scan <min>, %reduce_min3A_42 masked %reduce_min3A_39 : vector<16xi32>, vector<16xi1> -> vector<16xi32>
    %reduce_min3A_44 = arith.xori %reduce_min3A_43, %reduce_min3A_41 : vector<16xi32>
    %reduce_min3A_45 = vector.extract %reduce_min3A_44[15] : i32 from vector<16xi32>
    %min3A = arith.constant 64 : i32
    %min3A_46 = arith.minsi %min3A, %reduce_min3A_45 : i32
    %eq3A_47 = vector.broadcast %max3A_34 : f32 to vector<16xf32>
    %eq3A_48 = arith.cmpf oeq, %get3A_9, %eq3A_47 : vector<16xf32>
    %add3A_49 = arith.constant 16 : i32
    %add3A_50 = vector.broadcast %add3A_49 : i32 to vector<16xi32>
    %add3A_51 = arith.addi %iota3A, %add3A_50 : vector<16xi32>
    %jit3A_52 = arith.constant 64 : i32
    %broadcast_in_dim3A_53 = vector.broadcast %jit3A_52 : i32 to vector<16xi32>
    %select_n3A_54 = arith.select %eq3A_48, %add3A_51, %broadcast_in_dim3A_53 : vector<16xi1>, vector<16xi32>
    %reduce_min3A_55 = arith.constant true
    %reduce_min3A_56 = vector.broadcast %reduce_min3A_55 : i1 to vector<16xi1>
    %reduce_min3A_57 = arith.constant -2147483648 : i32
    %reduce_min3A_58 = vector.broadcast %reduce_min3A_57 : i32 to vector<16xi32>
    %reduce_min3A_59 = arith.xori %select_n3A_54, %reduce_min3A_58 : vector<16xi32>
    %reduce_min3A_60 = tpu.scan <min>, %reduce_min3A_59 masked %reduce_min3A_56 : vector<16xi32>, vector<16xi1> -> vector<16xi32>
    %reduce_min3A_61 = arith.xori %reduce_min3A_60, %reduce_min3A_58 : vector<16xi32>
    %reduce_min3A_62 = vector.extract %reduce_min3A_61[15] : i32 from vector<16xi32>
    %min3A_63 = arith.minsi %min3A_46, %reduce_min3A_62 : i32
    %eq3A_64 = vector.broadcast %max3A_34 : f32 to vector<16xf32>
    %eq3A_65 = arith.cmpf oeq, %get3A_13, %eq3A_64 : vector<16xf32>
    %add3A_66 = arith.constant 32 : i32
    %add3A_67 = vector.broadcast %add3A_66 : i32 to vector<16xi32>
    %add3A_68 = arith.addi %iota3A, %add3A_67 : vector<16xi32>
    %jit3A_69 = arith.constant 64 : i32
    %broadcast_in_dim3A_70 = vector.broadcast %jit3A_69 : i32 to vector<16xi32>
    %select_n3A_71 = arith.select %eq3A_65, %add3A_68, %broadcast_in_dim3A_70 : vector<16xi1>, vector<16xi32>
    %reduce_min3A_72 = arith.constant true
    %reduce_min3A_73 = vector.broadcast %reduce_min3A_72 : i1 to vector<16xi1>
    %reduce_min3A_74 = arith.constant -2147483648 : i32
    %reduce_min3A_75 = vector.broadcast %reduce_min3A_74 : i32 to vector<16xi32>
    %reduce_min3A_76 = arith.xori %select_n3A_71, %reduce_min3A_75 : vector<16xi32>
    %reduce_min3A_77 = tpu.scan <min>, %reduce_min3A_76 masked %reduce_min3A_73 : vector<16xi32>, vector<16xi1> -> vector<16xi32>
    %reduce_min3A_78 = arith.xori %reduce_min3A_77, %reduce_min3A_75 : vector<16xi32>
    %reduce_min3A_79 = vector.extract %reduce_min3A_78[15] : i32 from vector<16xi32>
    %min3A_80 = arith.minsi %min3A_63, %reduce_min3A_79 : i32
    %eq3A_81 = vector.broadcast %max3A_34 : f32 to vector<16xf32>
    %eq3A_82 = arith.cmpf oeq, %get3A_17, %eq3A_81 : vector<16xf32>
    %add3A_83 = arith.constant 48 : i32
    %add3A_84 = vector.broadcast %add3A_83 : i32 to vector<16xi32>
    %add3A_85 = arith.addi %iota3A, %add3A_84 : vector<16xi32>
    %jit3A_86 = arith.constant 64 : i32
    %broadcast_in_dim3A_87 = vector.broadcast %jit3A_86 : i32 to vector<16xi32>
    %select_n3A_88 = arith.select %eq3A_82, %add3A_85, %broadcast_in_dim3A_87 : vector<16xi1>, vector<16xi32>
    %reduce_min3A_89 = arith.constant true
    %reduce_min3A_90 = vector.broadcast %reduce_min3A_89 : i1 to vector<16xi1>
    %reduce_min3A_91 = arith.constant -2147483648 : i32
    %reduce_min3A_92 = vector.broadcast %reduce_min3A_91 : i32 to vector<16xi32>
    %reduce_min3A_93 = arith.xori %select_n3A_88, %reduce_min3A_92 : vector<16xi32>
    %reduce_min3A_94 = tpu.scan <min>, %reduce_min3A_93 masked %reduce_min3A_90 : vector<16xi32>, vector<16xi1> -> vector<16xi32>
    %reduce_min3A_95 = arith.xori %reduce_min3A_94, %reduce_min3A_92 : vector<16xi32>
    %reduce_min3A_96 = vector.extract %reduce_min3A_95[15] : i32 from vector<16xi32>
    %min3A_97 = arith.minsi %min3A_80, %reduce_min3A_96 : i32
    %add3A_98 = arith.constant 0 : i32
    %add3A_99 = vector.broadcast %add3A_98 : i32 to vector<16xi32>
    %add3A_100 = arith.addi %iota3A, %add3A_99 : vector<16xi32>
    %eq3A_101 = vector.broadcast %min3A_97 : i32 to vector<16xi32>
    %eq3A_102 = arith.cmpi eq, %add3A_100, %eq3A_101 : vector<16xi32>
    %jit3A_103 = arith.constant -1.000000e+30 : f32
    %broadcast_in_dim3A_104 = vector.broadcast %jit3A_103 : f32 to vector<16xf32>
    %select_n3A_105 = arith.select %eq3A_102, %broadcast_in_dim3A_104, %get3A_5 : vector<16xi1>, vector<16xf32>
    %reduce_max3A_106 = arith.constant true
    %reduce_max3A_107 = vector.broadcast %reduce_max3A_106 : i1 to vector<16xi1>
    %reduce_max3A_108 = tpu.scan <max>, %select_n3A_105 masked %reduce_max3A_107 : vector<16xf32>, vector<16xi1> -> vector<16xf32>
    %reduce_max3A_109 = vector.extract %reduce_max3A_108[15] : f32 from vector<16xf32>
    %max3A_110 = arith.constant -1.000000e+30 : f32
    %max3A_111 = arith.maximumf %max3A_110, %reduce_max3A_109 : f32
    %add3A_112 = arith.constant 16 : i32
    %add3A_113 = vector.broadcast %add3A_112 : i32 to vector<16xi32>
    %add3A_114 = arith.addi %iota3A, %add3A_113 : vector<16xi32>
    %eq3A_115 = vector.broadcast %min3A_97 : i32 to vector<16xi32>
    %eq3A_116 = arith.cmpi eq, %add3A_114, %eq3A_115 : vector<16xi32>
    %jit3A_117 = arith.constant -1.000000e+30 : f32
    %broadcast_in_dim3A_118 = vector.broadcast %jit3A_117 : f32 to vector<16xf32>
    %select_n3A_119 = arith.select %eq3A_116, %broadcast_in_dim3A_118, %get3A_9 : vector<16xi1>, vector<16xf32>
    %reduce_max3A_120 = arith.constant true
    %reduce_max3A_121 = vector.broadcast %reduce_max3A_120 : i1 to vector<16xi1>
    %reduce_max3A_122 = tpu.scan <max>, %select_n3A_119 masked %reduce_max3A_121 : vector<16xf32>, vector<16xi1> -> vector<16xf32>
    %reduce_max3A_123 = vector.extract %reduce_max3A_122[15] : f32 from vector<16xf32>
    %max3A_124 = arith.maximumf %max3A_111, %reduce_max3A_123 : f32
    %add3A_125 = arith.constant 32 : i32
    %add3A_126 = vector.broadcast %add3A_125 : i32 to vector<16xi32>
    %add3A_127 = arith.addi %iota3A, %add3A_126 : vector<16xi32>
    %eq3A_128 = vector.broadcast %min3A_97 : i32 to vector<16xi32>
    %eq3A_129 = arith.cmpi eq, %add3A_127, %eq3A_128 : vector<16xi32>
    %jit3A_130 = arith.constant -1.000000e+30 : f32
    %broadcast_in_dim3A_131 = vector.broadcast %jit3A_130 : f32 to vector<16xf32>
    %select_n3A_132 = arith.select %eq3A_129, %broadcast_in_dim3A_131, %get3A_13 : vector<16xi1>, vector<16xf32>
    %reduce_max3A_133 = arith.constant true
    %reduce_max3A_134 = vector.broadcast %reduce_max3A_133 : i1 to vector<16xi1>
    %reduce_max3A_135 = tpu.scan <max>, %select_n3A_132 masked %reduce_max3A_134 : vector<16xf32>, vector<16xi1> -> vector<16xf32>
    %reduce_max3A_136 = vector.extract %reduce_max3A_135[15] : f32 from vector<16xf32>
    %max3A_137 = arith.maximumf %max3A_124, %reduce_max3A_136 : f32
    %add3A_138 = arith.constant 48 : i32
    %add3A_139 = vector.broadcast %add3A_138 : i32 to vector<16xi32>
    %add3A_140 = arith.addi %iota3A, %add3A_139 : vector<16xi32>
    %eq3A_141 = vector.broadcast %min3A_97 : i32 to vector<16xi32>
    %eq3A_142 = arith.cmpi eq, %add3A_140, %eq3A_141 : vector<16xi32>
    %jit3A_143 = arith.constant -1.000000e+30 : f32
    %broadcast_in_dim3A_144 = vector.broadcast %jit3A_143 : f32 to vector<16xf32>
    %select_n3A_145 = arith.select %eq3A_142, %broadcast_in_dim3A_144, %get3A_17 : vector<16xi1>, vector<16xf32>
    %reduce_max3A_146 = arith.constant true
    %reduce_max3A_147 = vector.broadcast %reduce_max3A_146 : i1 to vector<16xi1>
    %reduce_max3A_148 = tpu.scan <max>, %select_n3A_145 masked %reduce_max3A_147 : vector<16xf32>, vector<16xi1> -> vector<16xf32>
    %reduce_max3A_149 = vector.extract %reduce_max3A_148[15] : f32 from vector<16xf32>
    %max3A_150 = arith.maximumf %max3A_137, %reduce_max3A_149 : f32
    %eq3A_151 = vector.broadcast %max3A_150 : f32 to vector<16xf32>
    %eq3A_152 = arith.cmpf oeq, %select_n3A_105, %eq3A_151 : vector<16xf32>
    %add3A_153 = arith.constant 0 : i32
    %add3A_154 = vector.broadcast %add3A_153 : i32 to vector<16xi32>
    %add3A_155 = arith.addi %iota3A, %add3A_154 : vector<16xi32>
    %jit3A_156 = arith.constant 64 : i32
    %broadcast_in_dim3A_157 = vector.broadcast %jit3A_156 : i32 to vector<16xi32>
    %select_n3A_158 = arith.select %eq3A_152, %add3A_155, %broadcast_in_dim3A_157 : vector<16xi1>, vector<16xi32>
    %reduce_min3A_159 = arith.constant true
    %reduce_min3A_160 = vector.broadcast %reduce_min3A_159 : i1 to vector<16xi1>
    %reduce_min3A_161 = arith.constant -2147483648 : i32
    %reduce_min3A_162 = vector.broadcast %reduce_min3A_161 : i32 to vector<16xi32>
    %reduce_min3A_163 = arith.xori %select_n3A_158, %reduce_min3A_162 : vector<16xi32>
    %reduce_min3A_164 = tpu.scan <min>, %reduce_min3A_163 masked %reduce_min3A_160 : vector<16xi32>, vector<16xi1> -> vector<16xi32>
    %reduce_min3A_165 = arith.xori %reduce_min3A_164, %reduce_min3A_162 : vector<16xi32>
    %reduce_min3A_166 = vector.extract %reduce_min3A_165[15] : i32 from vector<16xi32>
    %min3A_167 = arith.constant 64 : i32
    %min3A_168 = arith.minsi %min3A_167, %reduce_min3A_166 : i32
    %eq3A_169 = vector.broadcast %max3A_150 : f32 to vector<16xf32>
    %eq3A_170 = arith.cmpf oeq, %select_n3A_119, %eq3A_169 : vector<16xf32>
    %add3A_171 = arith.constant 16 : i32
    %add3A_172 = vector.broadcast %add3A_171 : i32 to vector<16xi32>
    %add3A_173 = arith.addi %iota3A, %add3A_172 : vector<16xi32>
    %jit3A_174 = arith.constant 64 : i32
    %broadcast_in_dim3A_175 = vector.broadcast %jit3A_174 : i32 to vector<16xi32>
    %select_n3A_176 = arith.select %eq3A_170, %add3A_173, %broadcast_in_dim3A_175 : vector<16xi1>, vector<16xi32>
    %reduce_min3A_177 = arith.constant true
    %reduce_min3A_178 = vector.broadcast %reduce_min3A_177 : i1 to vector<16xi1>
    %reduce_min3A_179 = arith.constant -2147483648 : i32
    %reduce_min3A_180 = vector.broadcast %reduce_min3A_179 : i32 to vector<16xi32>
    %reduce_min3A_181 = arith.xori %select_n3A_176, %reduce_min3A_180 : vector<16xi32>
    %reduce_min3A_182 = tpu.scan <min>, %reduce_min3A_181 masked %reduce_min3A_178 : vector<16xi32>, vector<16xi1> -> vector<16xi32>
    %reduce_min3A_183 = arith.xori %reduce_min3A_182, %reduce_min3A_180 : vector<16xi32>
    %reduce_min3A_184 = vector.extract %reduce_min3A_183[15] : i32 from vector<16xi32>
    %min3A_185 = arith.minsi %min3A_168, %reduce_min3A_184 : i32
    %eq3A_186 = vector.broadcast %max3A_150 : f32 to vector<16xf32>
    %eq3A_187 = arith.cmpf oeq, %select_n3A_132, %eq3A_186 : vector<16xf32>
    %add3A_188 = arith.constant 32 : i32
    %add3A_189 = vector.broadcast %add3A_188 : i32 to vector<16xi32>
    %add3A_190 = arith.addi %iota3A, %add3A_189 : vector<16xi32>
    %jit3A_191 = arith.constant 64 : i32
    %broadcast_in_dim3A_192 = vector.broadcast %jit3A_191 : i32 to vector<16xi32>
    %select_n3A_193 = arith.select %eq3A_187, %add3A_190, %broadcast_in_dim3A_192 : vector<16xi1>, vector<16xi32>
    %reduce_min3A_194 = arith.constant true
    %reduce_min3A_195 = vector.broadcast %reduce_min3A_194 : i1 to vector<16xi1>
    %reduce_min3A_196 = arith.constant -2147483648 : i32
    %reduce_min3A_197 = vector.broadcast %reduce_min3A_196 : i32 to vector<16xi32>
    %reduce_min3A_198 = arith.xori %select_n3A_193, %reduce_min3A_197 : vector<16xi32>
    %reduce_min3A_199 = tpu.scan <min>, %reduce_min3A_198 masked %reduce_min3A_195 : vector<16xi32>, vector<16xi1> -> vector<16xi32>
    %reduce_min3A_200 = arith.xori %reduce_min3A_199, %reduce_min3A_197 : vector<16xi32>
    %reduce_min3A_201 = vector.extract %reduce_min3A_200[15] : i32 from vector<16xi32>
    %min3A_202 = arith.minsi %min3A_185, %reduce_min3A_201 : i32
    %eq3A_203 = vector.broadcast %max3A_150 : f32 to vector<16xf32>
    %eq3A_204 = arith.cmpf oeq, %select_n3A_145, %eq3A_203 : vector<16xf32>
    %add3A_205 = arith.constant 48 : i32
    %add3A_206 = vector.broadcast %add3A_205 : i32 to vector<16xi32>
    %add3A_207 = arith.addi %iota3A, %add3A_206 : vector<16xi32>
    %jit3A_208 = arith.constant 64 : i32
    %broadcast_in_dim3A_209 = vector.broadcast %jit3A_208 : i32 to vector<16xi32>
    %select_n3A_210 = arith.select %eq3A_204, %add3A_207, %broadcast_in_dim3A_209 : vector<16xi1>, vector<16xi32>
    %reduce_min3A_211 = arith.constant true
    %reduce_min3A_212 = vector.broadcast %reduce_min3A_211 : i1 to vector<16xi1>
    %reduce_min3A_213 = arith.constant -2147483648 : i32
    %reduce_min3A_214 = vector.broadcast %reduce_min3A_213 : i32 to vector<16xi32>
    %reduce_min3A_215 = arith.xori %select_n3A_210, %reduce_min3A_214 : vector<16xi32>
    %reduce_min3A_216 = tpu.scan <min>, %reduce_min3A_215 masked %reduce_min3A_212 : vector<16xi32>, vector<16xi1> -> vector<16xi32>
    %reduce_min3A_217 = arith.xori %reduce_min3A_216, %reduce_min3A_214 : vector<16xi32>
    %reduce_min3A_218 = vector.extract %reduce_min3A_217[15] : i32 from vector<16xi32>
    %min3A_219 = arith.minsi %min3A_202, %reduce_min3A_218 : i32
    %eq3A_220 = arith.constant 0 : i32
    %eq3A_221 = vector.broadcast %eq3A_220 : i32 to vector<16xi32>
    %eq3A_222 = arith.cmpi eq, %iota3A, %eq3A_221 : vector<16xi32>
    %eq3A_223 = arith.constant 1 : i32
    %eq3A_224 = vector.broadcast %eq3A_223 : i32 to vector<16xi32>
    %eq3A_225 = arith.cmpi eq, %iota3A, %eq3A_224 : vector<16xi32>
    %jit3A_226 = arith.constant 0 : i32
    %broadcast_in_dim3A_227 = vector.broadcast %min3A_219 : i32 to vector<16xi32>
    %broadcast_in_dim3A_228 = vector.broadcast %jit3A_226 : i32 to vector<16xi32>
    %select_n3A_229 = arith.select %eq3A_225, %broadcast_in_dim3A_227, %broadcast_in_dim3A_228 : vector<16xi1>, vector<16xi32>
    %broadcast_in_dim3A_230 = vector.broadcast %min3A_97 : i32 to vector<16xi32>
    %select_n3A_231 = arith.select %eq3A_222, %broadcast_in_dim3A_230, %select_n3A_229 : vector<16xi1>, vector<16xi32>
    %swap3A = arith.constant 0 : i32
    %swap3A_232 = arith.index_cast %swap3A : i32 to index
    %swap3A_233 = arith.constant 0 : index
    %swap3A_234 = tpu.vector_load %arg6[%swap3A_232, %swap3A_233] {strides = array<i32>} : memref<8x16xi32, #tpu.memory_space<vmem>>, vector<16xi32>,
    tpu.vector_store %arg6[%swap3A_232, %swap3A_233], %select_n3A_231 {strides = array<i32>} : memref<8x16xi32, #tpu.memory_space<vmem>>, vector<16xi32>,
    %eq3A_235 = arith.constant 0 : i32
    %eq3A_236 = vector.broadcast %eq3A_235 : i32 to vector<16xi32>
    %eq3A_237 = arith.cmpi eq, %iota3A, %eq3A_236 : vector<16xi32>
    %eq3A_238 = arith.constant 1 : i32
    %eq3A_239 = vector.broadcast %eq3A_238 : i32 to vector<16xi32>
    %eq3A_240 = arith.cmpi eq, %iota3A, %eq3A_239 : vector<16xi32>
    %jit3A_241 = arith.constant 0.000000e+00 : f32
    %broadcast_in_dim3A_242 = vector.broadcast %max3A_150 : f32 to vector<16xf32>
    %broadcast_in_dim3A_243 = vector.broadcast %jit3A_241 : f32 to vector<16xf32>
    %select_n3A_244 = arith.select %eq3A_240, %broadcast_in_dim3A_242, %broadcast_in_dim3A_243 : vector<16xi1>, vector<16xf32>
    %broadcast_in_dim3A_245 = vector.broadcast %max3A_34 : f32 to vector<16xf32>
    %select_n3A_246 = arith.select %eq3A_237, %broadcast_in_dim3A_245, %select_n3A_244 : vector<16xi1>, vector<16xf32>
    %swap3A_247 = arith.constant 0 : i32
    %swap3A_248 = arith.index_cast %swap3A_247 : i32 to index
    %swap3A_249 = arith.constant 0 : index
    %swap3A_250 = tpu.vector_load %arg7[%swap3A_248, %swap3A_249] {strides = array<i32>} : memref<8x16xf32, #tpu.memory_space<vmem>>, vector<16xf32>,
    tpu.vector_store %arg7[%swap3A_248, %swap3A_249], %select_n3A_246 {strides = array<i32>} : memref<8x16xf32, #tpu.memory_space<vmem>>, vector<16xf32>,
    %get3A_251 = arith.constant 1 : i32
    %get3A_252 = arith.index_cast %get3A_251 : i32 to index
    %get3A_253 = arith.constant 0 : index
    %get3A_254 = tpu.vector_load %arg5[%get3A_252, %get3A_253] {strides = array<i32>} : memref<8x64xf32, #tpu.memory_space<vmem>>, vector<16xf32>,
    %get3A_255 = arith.constant 1 : i32
    %get3A_256 = arith.index_cast %get3A_255 : i32 to index
    %get3A_257 = arith.constant 16 : index
    %get3A_258 = tpu.vector_load %arg5[%get3A_256, %get3A_257] {strides = array<i32>} : memref<8x64xf32, #tpu.memory_space<vmem>>, vector<16xf32>,
    %get3A_259 = arith.constant 1 : i32
    %get3A_260 = arith.index_cast %get3A_259 : i32 to index
    %get3A_261 = arith.constant 32 : index
    %get3A_262 = tpu.vector_load %arg5[%get3A_260, %get3A_261] {strides = array<i32>} : memref<8x64xf32, #tpu.memory_space<vmem>>, vector<16xf32>,
    %get3A_263 = arith.constant 1 : i32
    %get3A_264 = arith.index_cast %get3A_263 : i32 to index
    %get3A_265 = arith.constant 48 : index
    %get3A_266 = tpu.vector_load %arg5[%get3A_264, %get3A_265] {strides = array<i32>} : memref<8x64xf32, #tpu.memory_space<vmem>>, vector<16xf32>,
    %reduce_max3A_267 = arith.constant true
    %reduce_max3A_268 = vector.broadcast %reduce_max3A_267 : i1 to vector<16xi1>
    %reduce_max3A_269 = tpu.scan <max>, %get3A_254 masked %reduce_max3A_268 : vector<16xf32>, vector<16xi1> -> vector<16xf32>
    %reduce_max3A_270 = vector.extract %reduce_max3A_269[15] : f32 from vector<16xf32>
    %reduce_max3A_271 = arith.constant true
    %reduce_max3A_272 = vector.broadcast %reduce_max3A_271 : i1 to vector<16xi1>
    %reduce_max3A_273 = tpu.scan <max>, %get3A_258 masked %reduce_max3A_272 : vector<16xf32>, vector<16xi1> -> vector<16xf32>
    %reduce_max3A_274 = vector.extract %reduce_max3A_273[15] : f32 from vector<16xf32>
    %max3A_275 = arith.maximumf %reduce_max3A_270, %reduce_max3A_274 : f32
    %reduce_max3A_276 = arith.constant true
    %reduce_max3A_277 = vector.broadcast %reduce_max3A_276 : i1 to vector<16xi1>
    %reduce_max3A_278 = tpu.scan <max>, %get3A_262 masked %reduce_max3A_277 : vector<16xf32>, vector<16xi1> -> vector<16xf32>
    %reduce_max3A_279 = vector.extract %reduce_max3A_278[15] : f32 from vector<16xf32>
    %max3A_280 = arith.maximumf %max3A_275, %reduce_max3A_279 : f32
    %reduce_max3A_281 = arith.constant true
    %reduce_max3A_282 = vector.broadcast %reduce_max3A_281 : i1 to vector<16xi1>
    %reduce_max3A_283 = tpu.scan <max>, %get3A_266 masked %reduce_max3A_282 : vector<16xf32>, vector<16xi1> -> vector<16xf32>
    %reduce_max3A_284 = vector.extract %reduce_max3A_283[15] : f32 from vector<16xf32>
    %max3A_285 = arith.maximumf %max3A_280, %reduce_max3A_284 : f32
    %eq3A_286 = vector.broadcast %max3A_285 : f32 to vector<16xf32>
    %eq3A_287 = arith.cmpf oeq, %get3A_254, %eq3A_286 : vector<16xf32>
    %add3A_288 = arith.constant 0 : i32
    %add3A_289 = vector.broadcast %add3A_288 : i32 to vector<16xi32>
    %add3A_290 = arith.addi %iota3A, %add3A_289 : vector<16xi32>
    %jit3A_291 = arith.constant 64 : i32
    %broadcast_in_dim3A_292 = vector.broadcast %jit3A_291 : i32 to vector<16xi32>
    %select_n3A_293 = arith.select %eq3A_287, %add3A_290, %broadcast_in_dim3A_292 : vector<16xi1>, vector<16xi32>
    %reduce_min3A_294 = arith.constant true
    %reduce_min3A_295 = vector.broadcast %reduce_min3A_294 : i1 to vector<16xi1>
    %reduce_min3A_296 = arith.constant -2147483648 : i32
    %reduce_min3A_297 = vector.broadcast %reduce_min3A_296 : i32 to vector<16xi32>
    %reduce_min3A_298 = arith.xori %select_n3A_293, %reduce_min3A_297 : vector<16xi32>
    %reduce_min3A_299 = tpu.scan <min>, %reduce_min3A_298 masked %reduce_min3A_295 : vector<16xi32>, vector<16xi1> -> vector<16xi32>
    %reduce_min3A_300 = arith.xori %reduce_min3A_299, %reduce_min3A_297 : vector<16xi32>
    %reduce_min3A_301 = vector.extract %reduce_min3A_300[15] : i32 from vector<16xi32>
    %min3A_302 = arith.constant 64 : i32
    %min3A_303 = arith.minsi %min3A_302, %reduce_min3A_301 : i32
    %eq3A_304 = vector.broadcast %max3A_285 : f32 to vector<16xf32>
    %eq3A_305 = arith.cmpf oeq, %get3A_258, %eq3A_304 : vector<16xf32>
    %add3A_306 = arith.constant 16 : i32
    %add3A_307 = vector.broadcast %add3A_306 : i32 to vector<16xi32>
    %add3A_308 = arith.addi %iota3A, %add3A_307 : vector<16xi32>
    %jit3A_309 = arith.constant 64 : i32
    %broadcast_in_dim3A_310 = vector.broadcast %jit3A_309 : i32 to vector<16xi32>
    %select_n3A_311 = arith.select %eq3A_305, %add3A_308, %broadcast_in_dim3A_310 : vector<16xi1>, vector<16xi32>
    %reduce_min3A_312 = arith.constant true
    %reduce_min3A_313 = vector.broadcast %reduce_min3A_312 : i1 to vector<16xi1>
    %reduce_min3A_314 = arith.constant -2147483648 : i32
    %reduce_min3A_315 = vector.broadcast %reduce_min3A_314 : i32 to vector<16xi32>
    %reduce_min3A_316 = arith.xori %select_n3A_311, %reduce_min3A_315 : vector<16xi32>
    %reduce_min3A_317 = tpu.scan <min>, %reduce_min3A_316 masked %reduce_min3A_313 : vector<16xi32>, vector<16xi1> -> vector<16xi32>
    %reduce_min3A_318 = arith.xori %reduce_min3A_317, %reduce_min3A_315 : vector<16xi32>
    %reduce_min3A_319 = vector.extract %reduce_min3A_318[15] : i32 from vector<16xi32>
    %min3A_320 = arith.minsi %min3A_303, %reduce_min3A_319 : i32
    %eq3A_321 = vector.broadcast %max3A_285 : f32 to vector<16xf32>
    %eq3A_322 = arith.cmpf oeq, %get3A_262, %eq3A_321 : vector<16xf32>
    %add3A_323 = arith.constant 32 : i32
    %add3A_324 = vector.broadcast %add3A_323 : i32 to vector<16xi32>
    %add3A_325 = arith.addi %iota3A, %add3A_324 : vector<16xi32>
    %jit3A_326 = arith.constant 64 : i32
    %broadcast_in_dim3A_327 = vector.broadcast %jit3A_326 : i32 to vector<16xi32>
    %select_n3A_328 = arith.select %eq3A_322, %add3A_325, %broadcast_in_dim3A_327 : vector<16xi1>, vector<16xi32>
    %reduce_min3A_329 = arith.constant true
    %reduce_min3A_330 = vector.broadcast %reduce_min3A_329 : i1 to vector<16xi1>
    %reduce_min3A_331 = arith.constant -2147483648 : i32
    %reduce_min3A_332 = vector.broadcast %reduce_min3A_331 : i32 to vector<16xi32>
    %reduce_min3A_333 = arith.xori %select_n3A_328, %reduce_min3A_332 : vector<16xi32>
    %reduce_min3A_334 = tpu.scan <min>, %reduce_min3A_333 masked %reduce_min3A_330 : vector<16xi32>, vector<16xi1> -> vector<16xi32>
    %reduce_min3A_335 = arith.xori %reduce_min3A_334, %reduce_min3A_332 : vector<16xi32>
    %reduce_min3A_336 = vector.extract %reduce_min3A_335[15] : i32 from vector<16xi32>
    %min3A_337 = arith.minsi %min3A_320, %reduce_min3A_336 : i32
    %eq3A_338 = vector.broadcast %max3A_285 : f32 to vector<16xf32>
    %eq3A_339 = arith.cmpf oeq, %get3A_266, %eq3A_338 : vector<16xf32>
    %add3A_340 = arith.constant 48 : i32
    %add3A_341 = vector.broadcast %add3A_340 : i32 to vector<16xi32>
    %add3A_342 = arith.addi %iota3A, %add3A_341 : vector<16xi32>
    %jit3A_343 = arith.constant 64 : i32
    %broadcast_in_dim3A_344 = vector.broadcast %jit3A_343 : i32 to vector<16xi32>
    %select_n3A_345 = arith.select %eq3A_339, %add3A_342, %broadcast_in_dim3A_344 : vector<16xi1>, vector<16xi32>
    %reduce_min3A_346 = arith.constant true
    %reduce_min3A_347 = vector.broadcast %reduce_min3A_346 : i1 to vector<16xi1>
    %reduce_min3A_348 = arith.constant -2147483648 : i32
    %reduce_min3A_349 = vector.broadcast %reduce_min3A_348 : i32 to vector<16xi32>
    %reduce_min3A_350 = arith.xori %select_n3A_345, %reduce_min3A_349 : vector<16xi32>
    %reduce_min3A_351 = tpu.scan <min>, %reduce_min3A_350 masked %reduce_min3A_347 : vector<16xi32>, vector<16xi1> -> vector<16xi32>
    %reduce_min3A_352 = arith.xori %reduce_min3A_351, %reduce_min3A_349 : vector<16xi32>
    %reduce_min3A_353 = vector.extract %reduce_min3A_352[15] : i32 from vector<16xi32>
    %min3A_354 = arith.minsi %min3A_337, %reduce_min3A_353 : i32
    %add3A_355 = arith.constant 0 : i32
    %add3A_356 = vector.broadcast %add3A_355 : i32 to vector<16xi32>
    %add3A_357 = arith.addi %iota3A, %add3A_356 : vector<16xi32>
    %eq3A_358 = vector.broadcast %min3A_354 : i32 to vector<16xi32>
    %eq3A_359 = arith.cmpi eq, %add3A_357, %eq3A_358 : vector<16xi32>
    %jit3A_360 = arith.constant -1.000000e+30 : f32
    %broadcast_in_dim3A_361 = vector.broadcast %jit3A_360 : f32 to vector<16xf32>
    %select_n3A_362 = arith.select %eq3A_359, %broadcast_in_dim3A_361, %get3A_254 : vector<16xi1>, vector<16xf32>
    %reduce_max3A_363 = arith.constant true
    %reduce_max3A_364 = vector.broadcast %reduce_max3A_363 : i1 to vector<16xi1>
    %reduce_max3A_365 = tpu.scan <max>, %select_n3A_362 masked %reduce_max3A_364 : vector<16xf32>, vector<16xi1> -> vector<16xf32>
    %reduce_max3A_366 = vector.extract %reduce_max3A_365[15] : f32 from vector<16xf32>
    %max3A_367 = arith.constant -1.000000e+30 : f32
    %max3A_368 = arith.maximumf %max3A_367, %reduce_max3A_366 : f32
    %add3A_369 = arith.constant 16 : i32
    %add3A_370 = vector.broadcast %add3A_369 : i32 to vector<16xi32>
    %add3A_371 = arith.addi %iota3A, %add3A_370 : vector<16xi32>
    %eq3A_372 = vector.broadcast %min3A_354 : i32 to vector<16xi32>
    %eq3A_373 = arith.cmpi eq, %add3A_371, %eq3A_372 : vector<16xi32>
    %jit3A_374 = arith.constant -1.000000e+30 : f32
    %broadcast_in_dim3A_375 = vector.broadcast %jit3A_374 : f32 to vector<16xf32>
    %select_n3A_376 = arith.select %eq3A_373, %broadcast_in_dim3A_375, %get3A_258 : vector<16xi1>, vector<16xf32>
    %reduce_max3A_377 = arith.constant true
    %reduce_max3A_378 = vector.broadcast %reduce_max3A_377 : i1 to vector<16xi1>
    %reduce_max3A_379 = tpu.scan <max>, %select_n3A_376 masked %reduce_max3A_378 : vector<16xf32>, vector<16xi1> -> vector<16xf32>
    %reduce_max3A_380 = vector.extract %reduce_max3A_379[15] : f32 from vector<16xf32>
    %max3A_381 = arith.maximumf %max3A_368, %reduce_max3A_380 : f32
    %add3A_382 = arith.constant 32 : i32
    %add3A_383 = vector.broadcast %add3A_382 : i32 to vector<16xi32>
    %add3A_384 = arith.addi %iota3A, %add3A_383 : vector<16xi32>
    %eq3A_385 = vector.broadcast %min3A_354 : i32 to vector<16xi32>
    %eq3A_386 = arith.cmpi eq, %add3A_384, %eq3A_385 : vector<16xi32>
    %jit3A_387 = arith.constant -1.000000e+30 : f32
    %broadcast_in_dim3A_388 = vector.broadcast %jit3A_387 : f32 to vector<16xf32>
    %select_n3A_389 = arith.select %eq3A_386, %broadcast_in_dim3A_388, %get3A_262 : vector<16xi1>, vector<16xf32>
    %reduce_max3A_390 = arith.constant true
    %reduce_max3A_391 = vector.broadcast %reduce_max3A_390 : i1 to vector<16xi1>
    %reduce_max3A_392 = tpu.scan <max>, %select_n3A_389 masked %reduce_max3A_391 : vector<16xf32>, vector<16xi1> -> vector<16xf32>
    %reduce_max3A_393 = vector.extract %reduce_max3A_392[15] : f32 from vector<16xf32>
    %max3A_394 = arith.maximumf %max3A_381, %reduce_max3A_393 : f32
    %add3A_395 = arith.constant 48 : i32
    %add3A_396 = vector.broadcast %add3A_395 : i32 to vector<16xi32>
    %add3A_397 = arith.addi %iota3A, %add3A_396 : vector<16xi32>
    %eq3A_398 = vector.broadcast %min3A_354 : i32 to vector<16xi32>
    %eq3A_399 = arith.cmpi eq, %add3A_397, %eq3A_398 : vector<16xi32>
    %jit3A_400 = arith.constant -1.000000e+30 : f32
    %broadcast_in_dim3A_401 = vector.broadcast %jit3A_400 : f32 to vector<16xf32>
    %select_n3A_402 = arith.select %eq3A_399, %broadcast_in_dim3A_401, %get3A_266 : vector<16xi1>, vector<16xf32>
    %reduce_max3A_403 = arith.constant true
    %reduce_max3A_404 = vector.broadcast %reduce_max3A_403 : i1 to vector<16xi1>
    %reduce_max3A_405 = tpu.scan <max>, %select_n3A_402 masked %reduce_max3A_404 : vector<16xf32>, vector<16xi1> -> vector<16xf32>
    %reduce_max3A_406 = vector.extract %reduce_max3A_405[15] : f32 from vector<16xf32>
    %max3A_407 = arith.maximumf %max3A_394, %reduce_max3A_406 : f32
    %eq3A_408 = vector.broadcast %max3A_407 : f32 to vector<16xf32>
    %eq3A_409 = arith.cmpf oeq, %select_n3A_362, %eq3A_408 : vector<16xf32>
    %add3A_410 = arith.constant 0 : i32
    %add3A_411 = vector.broadcast %add3A_410 : i32 to vector<16xi32>
    %add3A_412 = arith.addi %iota3A, %add3A_411 : vector<16xi32>
    %jit3A_413 = arith.constant 64 : i32
    %broadcast_in_dim3A_414 = vector.broadcast %jit3A_413 : i32 to vector<16xi32>
    %select_n3A_415 = arith.select %eq3A_409, %add3A_412, %broadcast_in_dim3A_414 : vector<16xi1>, vector<16xi32>
    %reduce_min3A_416 = arith.constant true
    %reduce_min3A_417 = vector.broadcast %reduce_min3A_416 : i1 to vector<16xi1>
    %reduce_min3A_418 = arith.constant -2147483648 : i32
    %reduce_min3A_419 = vector.broadcast %reduce_min3A_418 : i32 to vector<16xi32>
    %reduce_min3A_420 = arith.xori %select_n3A_415, %reduce_min3A_419 : vector<16xi32>
    %reduce_min3A_421 = tpu.scan <min>, %reduce_min3A_420 masked %reduce_min3A_417 : vector<16xi32>, vector<16xi1> -> vector<16xi32>
    %reduce_min3A_422 = arith.xori %reduce_min3A_421, %reduce_min3A_419 : vector<16xi32>
    %reduce_min3A_423 = vector.extract %reduce_min3A_422[15] : i32 from vector<16xi32>
    %min3A_424 = arith.constant 64 : i32
    %min3A_425 = arith.minsi %min3A_424, %reduce_min3A_423 : i32
    %eq3A_426 = vector.broadcast %max3A_407 : f32 to vector<16xf32>
    %eq3A_427 = arith.cmpf oeq, %select_n3A_376, %eq3A_426 : vector<16xf32>
    %add3A_428 = arith.constant 16 : i32
    %add3A_429 = vector.broadcast %add3A_428 : i32 to vector<16xi32>
    %add3A_430 = arith.addi %iota3A, %add3A_429 : vector<16xi32>
    %jit3A_431 = arith.constant 64 : i32
    %broadcast_in_dim3A_432 = vector.broadcast %jit3A_431 : i32 to vector<16xi32>
    %select_n3A_433 = arith.select %eq3A_427, %add3A_430, %broadcast_in_dim3A_432 : vector<16xi1>, vector<16xi32>
    %reduce_min3A_434 = arith.constant true
    %reduce_min3A_435 = vector.broadcast %reduce_min3A_434 : i1 to vector<16xi1>
    %reduce_min3A_436 = arith.constant -2147483648 : i32
    %reduce_min3A_437 = vector.broadcast %reduce_min3A_436 : i32 to vector<16xi32>
    %reduce_min3A_438 = arith.xori %select_n3A_433, %reduce_min3A_437 : vector<16xi32>
    %reduce_min3A_439 = tpu.scan <min>, %reduce_min3A_438 masked %reduce_min3A_435 : vector<16xi32>, vector<16xi1> -> vector<16xi32>
    %reduce_min3A_440 = arith.xori %reduce_min3A_439, %reduce_min3A_437 : vector<16xi32>
    %reduce_min3A_441 = vector.extract %reduce_min3A_440[15] : i32 from vector<16xi32>
    %min3A_442 = arith.minsi %min3A_425, %reduce_min3A_441 : i32
    %eq3A_443 = vector.broadcast %max3A_407 : f32 to vector<16xf32>
    %eq3A_444 = arith.cmpf oeq, %select_n3A_389, %eq3A_443 : vector<16xf32>
    %add3A_445 = arith.constant 32 : i32
    %add3A_446 = vector.broadcast %add3A_445 : i32 to vector<16xi32>
    %add3A_447 = arith.addi %iota3A, %add3A_446 : vector<16xi32>
    %jit3A_448 = arith.constant 64 : i32
    %broadcast_in_dim3A_449 = vector.broadcast %jit3A_448 : i32 to vector<16xi32>
    %select_n3A_450 = arith.select %eq3A_444, %add3A_447, %broadcast_in_dim3A_449 : vector<16xi1>, vector<16xi32>
    %reduce_min3A_451 = arith.constant true
    %reduce_min3A_452 = vector.broadcast %reduce_min3A_451 : i1 to vector<16xi1>
    %reduce_min3A_453 = arith.constant -2147483648 : i32
    %reduce_min3A_454 = vector.broadcast %reduce_min3A_453 : i32 to vector<16xi32>
    %reduce_min3A_455 = arith.xori %select_n3A_450, %reduce_min3A_454 : vector<16xi32>
    %reduce_min3A_456 = tpu.scan <min>, %reduce_min3A_455 masked %reduce_min3A_452 : vector<16xi32>, vector<16xi1> -> vector<16xi32>
    %reduce_min3A_457 = arith.xori %reduce_min3A_456, %reduce_min3A_454 : vector<16xi32>
    %reduce_min3A_458 = vector.extract %reduce_min3A_457[15] : i32 from vector<16xi32>
    %min3A_459 = arith.minsi %min3A_442, %reduce_min3A_458 : i32
    %eq3A_460 = vector.broadcast %max3A_407 : f32 to vector<16xf32>
    %eq3A_461 = arith.cmpf oeq, %select_n3A_402, %eq3A_460 : vector<16xf32>
    %add3A_462 = arith.constant 48 : i32
    %add3A_463 = vector.broadcast %add3A_462 : i32 to vector<16xi32>
    %add3A_464 = arith.addi %iota3A, %add3A_463 : vector<16xi32>
    %jit3A_465 = arith.constant 64 : i32
    %broadcast_in_dim3A_466 = vector.broadcast %jit3A_465 : i32 to vector<16xi32>
    %select_n3A_467 = arith.select %eq3A_461, %add3A_464, %broadcast_in_dim3A_466 : vector<16xi1>, vector<16xi32>
    %reduce_min3A_468 = arith.constant true
    %reduce_min3A_469 = vector.broadcast %reduce_min3A_468 : i1 to vector<16xi1>
    %reduce_min3A_470 = arith.constant -2147483648 : i32
    %reduce_min3A_471 = vector.broadcast %reduce_min3A_470 : i32 to vector<16xi32>
    %reduce_min3A_472 = arith.xori %select_n3A_467, %reduce_min3A_471 : vector<16xi32>
    %reduce_min3A_473 = tpu.scan <min>, %reduce_min3A_472 masked %reduce_min3A_469 : vector<16xi32>, vector<16xi1> -> vector<16xi32>
    %reduce_min3A_474 = arith.xori %reduce_min3A_473, %reduce_min3A_471 : vector<16xi32>
    %reduce_min3A_475 = vector.extract %reduce_min3A_474[15] : i32 from vector<16xi32>
    %min3A_476 = arith.minsi %min3A_459, %reduce_min3A_475 : i32
    %eq3A_477 = arith.constant 0 : i32
    %eq3A_478 = vector.broadcast %eq3A_477 : i32 to vector<16xi32>
    %eq3A_479 = arith.cmpi eq, %iota3A, %eq3A_478 : vector<16xi32>
    %eq3A_480 = arith.constant 1 : i32
    %eq3A_481 = vector.broadcast %eq3A_480 : i32 to vector<16xi32>
    %eq3A_482 = arith.cmpi eq, %iota3A, %eq3A_481 : vector<16xi32>
    %jit3A_483 = arith.constant 0 : i32
    %broadcast_in_dim3A_484 = vector.broadcast %min3A_476 : i32 to vector<16xi32>
    %broadcast_in_dim3A_485 = vector.broadcast %jit3A_483 : i32 to vector<16xi32>
    %select_n3A_486 = arith.select %eq3A_482, %broadcast_in_dim3A_484, %broadcast_in_dim3A_485 : vector<16xi1>, vector<16xi32>
    %broadcast_in_dim3A_487 = vector.broadcast %min3A_354 : i32 to vector<16xi32>
    %select_n3A_488 = arith.select %eq3A_479, %broadcast_in_dim3A_487, %select_n3A_486 : vector<16xi1>, vector<16xi32>
    %swap3A_489 = arith.constant 1 : i32
    %swap3A_490 = arith.index_cast %swap3A_489 : i32 to index
    %swap3A_491 = arith.constant 0 : index
    %swap3A_492 = tpu.vector_load %arg6[%swap3A_490, %swap3A_491] {strides = array<i32>} : memref<8x16xi32, #tpu.memory_space<vmem>>, vector<16xi32>,
    tpu.vector_store %arg6[%swap3A_490, %swap3A_491], %select_n3A_488 {strides = array<i32>} : memref<8x16xi32, #tpu.memory_space<vmem>>, vector<16xi32>,
    %eq3A_493 = arith.constant 0 : i32
    %eq3A_494 = vector.broadcast %eq3A_493 : i32 to vector<16xi32>
    %eq3A_495 = arith.cmpi eq, %iota3A, %eq3A_494 : vector<16xi32>
    %eq3A_496 = arith.constant 1 : i32
    %eq3A_497 = vector.broadcast %eq3A_496 : i32 to vector<16xi32>
    %eq3A_498 = arith.cmpi eq, %iota3A, %eq3A_497 : vector<16xi32>
    %jit3A_499 = arith.constant 0.000000e+00 : f32
    %broadcast_in_dim3A_500 = vector.broadcast %max3A_407 : f32 to vector<16xf32>
    %broadcast_in_dim3A_501 = vector.broadcast %jit3A_499 : f32 to vector<16xf32>
    %select_n3A_502 = arith.select %eq3A_498, %broadcast_in_dim3A_500, %broadcast_in_dim3A_501 : vector<16xi1>, vector<16xf32>
    %broadcast_in_dim3A_503 = vector.broadcast %max3A_285 : f32 to vector<16xf32>
    %select_n3A_504 = arith.select %eq3A_495, %broadcast_in_dim3A_503, %select_n3A_502 : vector<16xi1>, vector<16xf32>
    %swap3A_505 = arith.constant 1 : i32
    %swap3A_506 = arith.index_cast %swap3A_505 : i32 to index
    %swap3A_507 = arith.constant 0 : index
    %swap3A_508 = tpu.vector_load %arg7[%swap3A_506, %swap3A_507] {strides = array<i32>} : memref<8x16xf32, #tpu.memory_space<vmem>>, vector<16xf32>,
    tpu.vector_store %arg7[%swap3A_506, %swap3A_507], %select_n3A_504 {strides = array<i32>} : memref<8x16xf32, #tpu.memory_space<vmem>>, vector<16xf32>,
    %get3A_509 = arith.constant 2 : i32
    %get3A_510 = arith.index_cast %get3A_509 : i32 to index
    %get3A_511 = arith.constant 0 : index
    %get3A_512 = tpu.vector_load %arg5[%get3A_510, %get3A_511] {strides = array<i32>} : memref<8x64xf32, #tpu.memory_space<vmem>>, vector<16xf32>,
    %get3A_513 = arith.constant 2 : i32
    %get3A_514 = arith.index_cast %get3A_513 : i32 to index
    %get3A_515 = arith.constant 16 : index
    %get3A_516 = tpu.vector_load %arg5[%get3A_514, %get3A_515] {strides = array<i32>} : memref<8x64xf32, #tpu.memory_space<vmem>>, vector<16xf32>,
    %get3A_517 = arith.constant 2 : i32
    %get3A_518 = arith.index_cast %get3A_517 : i32 to index
    %get3A_519 = arith.constant 32 : index
    %get3A_520 = tpu.vector_load %arg5[%get3A_518, %get3A_519] {strides = array<i32>} : memref<8x64xf32, #tpu.memory_space<vmem>>, vector<16xf32>,
    %get3A_521 = arith.constant 2 : i32
    %get3A_522 = arith.index_cast %get3A_521 : i32 to index
    %get3A_523 = arith.constant 48 : index
    %get3A_524 = tpu.vector_load %arg5[%get3A_522, %get3A_523] {strides = array<i32>} : memref<8x64xf32, #tpu.memory_space<vmem>>, vector<16xf32>,
    %reduce_max3A_525 = arith.constant true
    %reduce_max3A_526 = vector.broadcast %reduce_max3A_525 : i1 to vector<16xi1>
    %reduce_max3A_527 = tpu.scan <max>, %get3A_512 masked %reduce_max3A_526 : vector<16xf32>, vector<16xi1> -> vector<16xf32>
    %reduce_max3A_528 = vector.extract %reduce_max3A_527[15] : f32 from vector<16xf32>
    %reduce_max3A_529 = arith.constant true
    %reduce_max3A_530 = vector.broadcast %reduce_max3A_529 : i1 to vector<16xi1>
    %reduce_max3A_531 = tpu.scan <max>, %get3A_516 masked %reduce_max3A_530 : vector<16xf32>, vector<16xi1> -> vector<16xf32>
    %reduce_max3A_532 = vector.extract %reduce_max3A_531[15] : f32 from vector<16xf32>
    %max3A_533 = arith.maximumf %reduce_max3A_528, %reduce_max3A_532 : f32
    %reduce_max3A_534 = arith.constant true
    %reduce_max3A_535 = vector.broadcast %reduce_max3A_534 : i1 to vector<16xi1>
    %reduce_max3A_536 = tpu.scan <max>, %get3A_520 masked %reduce_max3A_535 : vector<16xf32>, vector<16xi1> -> vector<16xf32>
    %reduce_max3A_537 = vector.extract %reduce_max3A_536[15] : f32 from vector<16xf32>
    %max3A_538 = arith.maximumf %max3A_533, %reduce_max3A_537 : f32
    %reduce_max3A_539 = arith.constant true
    %reduce_max3A_540 = vector.broadcast %reduce_max3A_539 : i1 to vector<16xi1>
    %reduce_max3A_541 = tpu.scan <max>, %get3A_524 masked %reduce_max3A_540 : vector<16xf32>, vector<16xi1> -> vector<16xf32>
    %reduce_max3A_542 = vector.extract %reduce_max3A_541[15] : f32 from vector<16xf32>
    %max3A_543 = arith.maximumf %max3A_538, %reduce_max3A_542 : f32
    %eq3A_544 = vector.broadcast %max3A_543 : f32 to vector<16xf32>
    %eq3A_545 = arith.cmpf oeq, %get3A_512, %eq3A_544 : vector<16xf32>
    %add3A_546 = arith.constant 0 : i32
    %add3A_547 = vector.broadcast %add3A_546 : i32 to vector<16xi32>
    %add3A_548 = arith.addi %iota3A, %add3A_547 : vector<16xi32>
    %jit3A_549 = arith.constant 64 : i32
    %broadcast_in_dim3A_550 = vector.broadcast %jit3A_549 : i32 to vector<16xi32>
    %select_n3A_551 = arith.select %eq3A_545, %add3A_548, %broadcast_in_dim3A_550 : vector<16xi1>, vector<16xi32>
    %reduce_min3A_552 = arith.constant true
    %reduce_min3A_553 = vector.broadcast %reduce_min3A_552 : i1 to vector<16xi1>
    %reduce_min3A_554 = arith.constant -2147483648 : i32
    %reduce_min3A_555 = vector.broadcast %reduce_min3A_554 : i32 to vector<16xi32>
    %reduce_min3A_556 = arith.xori %select_n3A_551, %reduce_min3A_555 : vector<16xi32>
    %reduce_min3A_557 = tpu.scan <min>, %reduce_min3A_556 masked %reduce_min3A_553 : vector<16xi32>, vector<16xi1> -> vector<16xi32>
    %reduce_min3A_558 = arith.xori %reduce_min3A_557, %reduce_min3A_555 : vector<16xi32>
    %reduce_min3A_559 = vector.extract %reduce_min3A_558[15] : i32 from vector<16xi32>
    %min3A_560 = arith.constant 64 : i32
    %min3A_561 = arith.minsi %min3A_560, %reduce_min3A_559 : i32
    %eq3A_562 = vector.broadcast %max3A_543 : f32 to vector<16xf32>
    %eq3A_563 = arith.cmpf oeq, %get3A_516, %eq3A_562 : vector<16xf32>
    %add3A_564 = arith.constant 16 : i32
    %add3A_565 = vector.broadcast %add3A_564 : i32 to vector<16xi32>
    %add3A_566 = arith.addi %iota3A, %add3A_565 : vector<16xi32>
    %jit3A_567 = arith.constant 64 : i32
    %broadcast_in_dim3A_568 = vector.broadcast %jit3A_567 : i32 to vector<16xi32>
    %select_n3A_569 = arith.select %eq3A_563, %add3A_566, %broadcast_in_dim3A_568 : vector<16xi1>, vector<16xi32>
    %reduce_min3A_570 = arith.constant true
    %reduce_min3A_571 = vector.broadcast %reduce_min3A_570 : i1 to vector<16xi1>
    %reduce_min3A_572 = arith.constant -2147483648 : i32
    %reduce_min3A_573 = vector.broadcast %reduce_min3A_572 : i32 to vector<16xi32>
    %reduce_min3A_574 = arith.xori %select_n3A_569, %reduce_min3A_573 : vector<16xi32>
    %reduce_min3A_575 = tpu.scan <min>, %reduce_min3A_574 masked %reduce_min3A_571 : vector<16xi32>, vector<16xi1> -> vector<16xi32>
    %reduce_min3A_576 = arith.xori %reduce_min3A_575, %reduce_min3A_573 : vector<16xi32>
    %reduce_min3A_577 = vector.extract %reduce_min3A_576[15] : i32 from vector<16xi32>
    %min3A_578 = arith.minsi %min3A_561, %reduce_min3A_577 : i32
    %eq3A_579 = vector.broadcast %max3A_543 : f32 to vector<16xf32>
    %eq3A_580 = arith.cmpf oeq, %get3A_520, %eq3A_579 : vector<16xf32>
    %add3A_581 = arith.constant 32 : i32
    %add3A_582 = vector.broadcast %add3A_581 : i32 to vector<16xi32>
    %add3A_583 = arith.addi %iota3A, %add3A_582 : vector<16xi32>
    %jit3A_584 = arith.constant 64 : i32
    %broadcast_in_dim3A_585 = vector.broadcast %jit3A_584 : i32 to vector<16xi32>
    %select_n3A_586 = arith.select %eq3A_580, %add3A_583, %broadcast_in_dim3A_585 : vector<16xi1>, vector<16xi32>
    %reduce_min3A_587 = arith.constant true
    %reduce_min3A_588 = vector.broadcast %reduce_min3A_587 : i1 to vector<16xi1>
    %reduce_min3A_589 = arith.constant -2147483648 : i32
    %reduce_min3A_590 = vector.broadcast %reduce_min3A_589 : i32 to vector<16xi32>
    %reduce_min3A_591 = arith.xori %select_n3A_586, %reduce_min3A_590 : vector<16xi32>
    %reduce_min3A_592 = tpu.scan <min>, %reduce_min3A_591 masked %reduce_min3A_588 : vector<16xi32>, vector<16xi1> -> vector<16xi32>
    %reduce_min3A_593 = arith.xori %reduce_min3A_592, %reduce_min3A_590 : vector<16xi32>
    %reduce_min3A_594 = vector.extract %reduce_min3A_593[15] : i32 from vector<16xi32>
    %min3A_595 = arith.minsi %min3A_578, %reduce_min3A_594 : i32
    %eq3A_596 = vector.broadcast %max3A_543 : f32 to vector<16xf32>
    %eq3A_597 = arith.cmpf oeq, %get3A_524, %eq3A_596 : vector<16xf32>
    %add3A_598 = arith.constant 48 : i32
    %add3A_599 = vector.broadcast %add3A_598 : i32 to vector<16xi32>
    %add3A_600 = arith.addi %iota3A, %add3A_599 : vector<16xi32>
    %jit3A_601 = arith.constant 64 : i32
    %broadcast_in_dim3A_602 = vector.broadcast %jit3A_601 : i32 to vector<16xi32>
    %select_n3A_603 = arith.select %eq3A_597, %add3A_600, %broadcast_in_dim3A_602 : vector<16xi1>, vector<16xi32>
    %reduce_min3A_604 = arith.constant true
    %reduce_min3A_605 = vector.broadcast %reduce_min3A_604 : i1 to vector<16xi1>
    %reduce_min3A_606 = arith.constant -2147483648 : i32
    %reduce_min3A_607 = vector.broadcast %reduce_min3A_606 : i32 to vector<16xi32>
    %reduce_min3A_608 = arith.xori %select_n3A_603, %reduce_min3A_607 : vector<16xi32>
    %reduce_min3A_609 = tpu.scan <min>, %reduce_min3A_608 masked %reduce_min3A_605 : vector<16xi32>, vector<16xi1> -> vector<16xi32>
    %reduce_min3A_610 = arith.xori %reduce_min3A_609, %reduce_min3A_607 : vector<16xi32>
    %reduce_min3A_611 = vector.extract %reduce_min3A_610[15] : i32 from vector<16xi32>
    %min3A_612 = arith.minsi %min3A_595, %reduce_min3A_611 : i32
    %add3A_613 = arith.constant 0 : i32
    %add3A_614 = vector.broadcast %add3A_613 : i32 to vector<16xi32>
    %add3A_615 = arith.addi %iota3A, %add3A_614 : vector<16xi32>
    %eq3A_616 = vector.broadcast %min3A_612 : i32 to vector<16xi32>
    %eq3A_617 = arith.cmpi eq, %add3A_615, %eq3A_616 : vector<16xi32>
    %jit3A_618 = arith.constant -1.000000e+30 : f32
    %broadcast_in_dim3A_619 = vector.broadcast %jit3A_618 : f32 to vector<16xf32>
    %select_n3A_620 = arith.select %eq3A_617, %broadcast_in_dim3A_619, %get3A_512 : vector<16xi1>, vector<16xf32>
    %reduce_max3A_621 = arith.constant true
    %reduce_max3A_622 = vector.broadcast %reduce_max3A_621 : i1 to vector<16xi1>
    %reduce_max3A_623 = tpu.scan <max>, %select_n3A_620 masked %reduce_max3A_622 : vector<16xf32>, vector<16xi1> -> vector<16xf32>
    %reduce_max3A_624 = vector.extract %reduce_max3A_623[15] : f32 from vector<16xf32>
    %max3A_625 = arith.constant -1.000000e+30 : f32
    %max3A_626 = arith.maximumf %max3A_625, %reduce_max3A_624 : f32
    %add3A_627 = arith.constant 16 : i32
    %add3A_628 = vector.broadcast %add3A_627 : i32 to vector<16xi32>
    %add3A_629 = arith.addi %iota3A, %add3A_628 : vector<16xi32>
    %eq3A_630 = vector.broadcast %min3A_612 : i32 to vector<16xi32>
    %eq3A_631 = arith.cmpi eq, %add3A_629, %eq3A_630 : vector<16xi32>
    %jit3A_632 = arith.constant -1.000000e+30 : f32
    %broadcast_in_dim3A_633 = vector.broadcast %jit3A_632 : f32 to vector<16xf32>
    %select_n3A_634 = arith.select %eq3A_631, %broadcast_in_dim3A_633, %get3A_516 : vector<16xi1>, vector<16xf32>
    %reduce_max3A_635 = arith.constant true
    %reduce_max3A_636 = vector.broadcast %reduce_max3A_635 : i1 to vector<16xi1>
    %reduce_max3A_637 = tpu.scan <max>, %select_n3A_634 masked %reduce_max3A_636 : vector<16xf32>, vector<16xi1> -> vector<16xf32>
    %reduce_max3A_638 = vector.extract %reduce_max3A_637[15] : f32 from vector<16xf32>
    %max3A_639 = arith.maximumf %max3A_626, %reduce_max3A_638 : f32
    %add3A_640 = arith.constant 32 : i32
    %add3A_641 = vector.broadcast %add3A_640 : i32 to vector<16xi32>
    %add3A_642 = arith.addi %iota3A, %add3A_641 : vector<16xi32>
    %eq3A_643 = vector.broadcast %min3A_612 : i32 to vector<16xi32>
    %eq3A_644 = arith.cmpi eq, %add3A_642, %eq3A_643 : vector<16xi32>
    %jit3A_645 = arith.constant -1.000000e+30 : f32
    %broadcast_in_dim3A_646 = vector.broadcast %jit3A_645 : f32 to vector<16xf32>
    %select_n3A_647 = arith.select %eq3A_644, %broadcast_in_dim3A_646, %get3A_520 : vector<16xi1>, vector<16xf32>
    %reduce_max3A_648 = arith.constant true
    %reduce_max3A_649 = vector.broadcast %reduce_max3A_648 : i1 to vector<16xi1>
    %reduce_max3A_650 = tpu.scan <max>, %select_n3A_647 masked %reduce_max3A_649 : vector<16xf32>, vector<16xi1> -> vector<16xf32>
    %reduce_max3A_651 = vector.extract %reduce_max3A_650[15] : f32 from vector<16xf32>
    %max3A_652 = arith.maximumf %max3A_639, %reduce_max3A_651 : f32
    %add3A_653 = arith.constant 48 : i32
    %add3A_654 = vector.broadcast %add3A_653 : i32 to vector<16xi32>
    %add3A_655 = arith.addi %iota3A, %add3A_654 : vector<16xi32>
    %eq3A_656 = vector.broadcast %min3A_612 : i32 to vector<16xi32>
    %eq3A_657 = arith.cmpi eq, %add3A_655, %eq3A_656 : vector<16xi32>
    %jit3A_658 = arith.constant -1.000000e+30 : f32
    %broadcast_in_dim3A_659 = vector.broadcast %jit3A_658 : f32 to vector<16xf32>
    %select_n3A_660 = arith.select %eq3A_657, %broadcast_in_dim3A_659, %get3A_524 : vector<16xi1>, vector<16xf32>
    %reduce_max3A_661 = arith.constant true
    %reduce_max3A_662 = vector.broadcast %reduce_max3A_661 : i1 to vector<16xi1>
    %reduce_max3A_663 = tpu.scan <max>, %select_n3A_660 masked %reduce_max3A_662 : vector<16xf32>, vector<16xi1> -> vector<16xf32>
    %reduce_max3A_664 = vector.extract %reduce_max3A_663[15] : f32 from vector<16xf32>
    %max3A_665 = arith.maximumf %max3A_652, %reduce_max3A_664 : f32
    %eq3A_666 = vector.broadcast %max3A_665 : f32 to vector<16xf32>
    %eq3A_667 = arith.cmpf oeq, %select_n3A_620, %eq3A_666 : vector<16xf32>
    %add3A_668 = arith.constant 0 : i32
    %add3A_669 = vector.broadcast %add3A_668 : i32 to vector<16xi32>
    %add3A_670 = arith.addi %iota3A, %add3A_669 : vector<16xi32>
    %jit3A_671 = arith.constant 64 : i32
    %broadcast_in_dim3A_672 = vector.broadcast %jit3A_671 : i32 to vector<16xi32>
    %select_n3A_673 = arith.select %eq3A_667, %add3A_670, %broadcast_in_dim3A_672 : vector<16xi1>, vector<16xi32>
    %reduce_min3A_674 = arith.constant true
    %reduce_min3A_675 = vector.broadcast %reduce_min3A_674 : i1 to vector<16xi1>
    %reduce_min3A_676 = arith.constant -2147483648 : i32
    %reduce_min3A_677 = vector.broadcast %reduce_min3A_676 : i32 to vector<16xi32>
    %reduce_min3A_678 = arith.xori %select_n3A_673, %reduce_min3A_677 : vector<16xi32>
    %reduce_min3A_679 = tpu.scan <min>, %reduce_min3A_678 masked %reduce_min3A_675 : vector<16xi32>, vector<16xi1> -> vector<16xi32>
    %reduce_min3A_680 = arith.xori %reduce_min3A_679, %reduce_min3A_677 : vector<16xi32>
    %reduce_min3A_681 = vector.extract %reduce_min3A_680[15] : i32 from vector<16xi32>
    %min3A_682 = arith.constant 64 : i32
    %min3A_683 = arith.minsi %min3A_682, %reduce_min3A_681 : i32
    %eq3A_684 = vector.broadcast %max3A_665 : f32 to vector<16xf32>
    %eq3A_685 = arith.cmpf oeq, %select_n3A_634, %eq3A_684 : vector<16xf32>
    %add3A_686 = arith.constant 16 : i32
    %add3A_687 = vector.broadcast %add3A_686 : i32 to vector<16xi32>
    %add3A_688 = arith.addi %iota3A, %add3A_687 : vector<16xi32>
    %jit3A_689 = arith.constant 64 : i32
    %broadcast_in_dim3A_690 = vector.broadcast %jit3A_689 : i32 to vector<16xi32>
    %select_n3A_691 = arith.select %eq3A_685, %add3A_688, %broadcast_in_dim3A_690 : vector<16xi1>, vector<16xi32>
    %reduce_min3A_692 = arith.constant true
    %reduce_min3A_693 = vector.broadcast %reduce_min3A_692 : i1 to vector<16xi1>
    %reduce_min3A_694 = arith.constant -2147483648 : i32
    %reduce_min3A_695 = vector.broadcast %reduce_min3A_694 : i32 to vector<16xi32>
    %reduce_min3A_696 = arith.xori %select_n3A_691, %reduce_min3A_695 : vector<16xi32>
    %reduce_min3A_697 = tpu.scan <min>, %reduce_min3A_696 masked %reduce_min3A_693 : vector<16xi32>, vector<16xi1> -> vector<16xi32>
    %reduce_min3A_698 = arith.xori %reduce_min3A_697, %reduce_min3A_695 : vector<16xi32>
    %reduce_min3A_699 = vector.extract %reduce_min3A_698[15] : i32 from vector<16xi32>
    %min3A_700 = arith.minsi %min3A_683, %reduce_min3A_699 : i32
    %eq3A_701 = vector.broadcast %max3A_665 : f32 to vector<16xf32>
    %eq3A_702 = arith.cmpf oeq, %select_n3A_647, %eq3A_701 : vector<16xf32>
    %add3A_703 = arith.constant 32 : i32
    %add3A_704 = vector.broadcast %add3A_703 : i32 to vector<16xi32>
    %add3A_705 = arith.addi %iota3A, %add3A_704 : vector<16xi32>
    %jit3A_706 = arith.constant 64 : i32
    %broadcast_in_dim3A_707 = vector.broadcast %jit3A_706 : i32 to vector<16xi32>
    %select_n3A_708 = arith.select %eq3A_702, %add3A_705, %broadcast_in_dim3A_707 : vector<16xi1>, vector<16xi32>
    %reduce_min3A_709 = arith.constant true
    %reduce_min3A_710 = vector.broadcast %reduce_min3A_709 : i1 to vector<16xi1>
    %reduce_min3A_711 = arith.constant -2147483648 : i32
    %reduce_min3A_712 = vector.broadcast %reduce_min3A_711 : i32 to vector<16xi32>
    %reduce_min3A_713 = arith.xori %select_n3A_708, %reduce_min3A_712 : vector<16xi32>
    %reduce_min3A_714 = tpu.scan <min>, %reduce_min3A_713 masked %reduce_min3A_710 : vector<16xi32>, vector<16xi1> -> vector<16xi32>
    %reduce_min3A_715 = arith.xori %reduce_min3A_714, %reduce_min3A_712 : vector<16xi32>
    %reduce_min3A_716 = vector.extract %reduce_min3A_715[15] : i32 from vector<16xi32>
    %min3A_717 = arith.minsi %min3A_700, %reduce_min3A_716 : i32
    %eq3A_718 = vector.broadcast %max3A_665 : f32 to vector<16xf32>
    %eq3A_719 = arith.cmpf oeq, %select_n3A_660, %eq3A_718 : vector<16xf32>
    %add3A_720 = arith.constant 48 : i32
    %add3A_721 = vector.broadcast %add3A_720 : i32 to vector<16xi32>
    %add3A_722 = arith.addi %iota3A, %add3A_721 : vector<16xi32>
    %jit3A_723 = arith.constant 64 : i32
    %broadcast_in_dim3A_724 = vector.broadcast %jit3A_723 : i32 to vector<16xi32>
    %select_n3A_725 = arith.select %eq3A_719, %add3A_722, %broadcast_in_dim3A_724 : vector<16xi1>, vector<16xi32>
    %reduce_min3A_726 = arith.constant true
    %reduce_min3A_727 = vector.broadcast %reduce_min3A_726 : i1 to vector<16xi1>
    %reduce_min3A_728 = arith.constant -2147483648 : i32
    %reduce_min3A_729 = vector.broadcast %reduce_min3A_728 : i32 to vector<16xi32>
    %reduce_min3A_730 = arith.xori %select_n3A_725, %reduce_min3A_729 : vector<16xi32>
    %reduce_min3A_731 = tpu.scan <min>, %reduce_min3A_730 masked %reduce_min3A_727 : vector<16xi32>, vector<16xi1> -> vector<16xi32>
    %reduce_min3A_732 = arith.xori %reduce_min3A_731, %reduce_min3A_729 : vector<16xi32>
    %reduce_min3A_733 = vector.extract %reduce_min3A_732[15] : i32 from vector<16xi32>
    %min3A_734 = arith.minsi %min3A_717, %reduce_min3A_733 : i32
    %eq3A_735 = arith.constant 0 : i32
    %eq3A_736 = vector.broadcast %eq3A_735 : i32 to vector<16xi32>
    %eq3A_737 = arith.cmpi eq, %iota3A, %eq3A_736 : vector<16xi32>
    %eq3A_738 = arith.constant 1 : i32
    %eq3A_739 = vector.broadcast %eq3A_738 : i32 to vector<16xi32>
    %eq3A_740 = arith.cmpi eq, %iota3A, %eq3A_739 : vector<16xi32>
    %jit3A_741 = arith.constant 0 : i32
    %broadcast_in_dim3A_742 = vector.broadcast %min3A_734 : i32 to vector<16xi32>
    %broadcast_in_dim3A_743 = vector.broadcast %jit3A_741 : i32 to vector<16xi32>
    %select_n3A_744 = arith.select %eq3A_740, %broadcast_in_dim3A_742, %broadcast_in_dim3A_743 : vector<16xi1>, vector<16xi32>
    %broadcast_in_dim3A_745 = vector.broadcast %min3A_612 : i32 to vector<16xi32>
    %select_n3A_746 = arith.select %eq3A_737, %broadcast_in_dim3A_745, %select_n3A_744 : vector<16xi1>, vector<16xi32>
    %swap3A_747 = arith.constant 2 : i32
    %swap3A_748 = arith.index_cast %swap3A_747 : i32 to index
    %swap3A_749 = arith.constant 0 : index
    %swap3A_750 = tpu.vector_load %arg6[%swap3A_748, %swap3A_749] {strides = array<i32>} : memref<8x16xi32, #tpu.memory_space<vmem>>, vector<16xi32>,
    tpu.vector_store %arg6[%swap3A_748, %swap3A_749], %select_n3A_746 {strides = array<i32>} : memref<8x16xi32, #tpu.memory_space<vmem>>, vector<16xi32>,
    %eq3A_751 = arith.constant 0 : i32
    %eq3A_752 = vector.broadcast %eq3A_751 : i32 to vector<16xi32>
    %eq3A_753 = arith.cmpi eq, %iota3A, %eq3A_752 : vector<16xi32>
    %eq3A_754 = arith.constant 1 : i32
    %eq3A_755 = vector.broadcast %eq3A_754 : i32 to vector<16xi32>
    %eq3A_756 = arith.cmpi eq, %iota3A, %eq3A_755 : vector<16xi32>
    %jit3A_757 = arith.constant 0.000000e+00 : f32
    %broadcast_in_dim3A_758 = vector.broadcast %max3A_665 : f32 to vector<16xf32>
    %broadcast_in_dim3A_759 = vector.broadcast %jit3A_757 : f32 to vector<16xf32>
    %select_n3A_760 = arith.select %eq3A_756, %broadcast_in_dim3A_758, %broadcast_in_dim3A_759 : vector<16xi1>, vector<16xf32>
    %broadcast_in_dim3A_761 = vector.broadcast %max3A_543 : f32 to vector<16xf32>
    %select_n3A_762 = arith.select %eq3A_753, %broadcast_in_dim3A_761, %select_n3A_760 : vector<16xi1>, vector<16xf32>
    %swap3A_763 = arith.constant 2 : i32
    %swap3A_764 = arith.index_cast %swap3A_763 : i32 to index
    %swap3A_765 = arith.constant 0 : index
    %swap3A_766 = tpu.vector_load %arg7[%swap3A_764, %swap3A_765] {strides = array<i32>} : memref<8x16xf32, #tpu.memory_space<vmem>>, vector<16xf32>,
    tpu.vector_store %arg7[%swap3A_764, %swap3A_765], %select_n3A_762 {strides = array<i32>} : memref<8x16xf32, #tpu.memory_space<vmem>>, vector<16xf32>,
    %get3A_767 = arith.constant 3 : i32
    %get3A_768 = arith.index_cast %get3A_767 : i32 to index
    %get3A_769 = arith.constant 0 : index
    %get3A_770 = tpu.vector_load %arg5[%get3A_768, %get3A_769] {strides = array<i32>} : memref<8x64xf32, #tpu.memory_space<vmem>>, vector<16xf32>,
    %get3A_771 = arith.constant 3 : i32
    %get3A_772 = arith.index_cast %get3A_771 : i32 to index
    %get3A_773 = arith.constant 16 : index
    %get3A_774 = tpu.vector_load %arg5[%get3A_772, %get3A_773] {strides = array<i32>} : memref<8x64xf32, #tpu.memory_space<vmem>>, vector<16xf32>,
    %get3A_775 = arith.constant 3 : i32
    %get3A_776 = arith.index_cast %get3A_775 : i32 to index
    %get3A_777 = arith.constant 32 : index
    %get3A_778 = tpu.vector_load %arg5[%get3A_776, %get3A_777] {strides = array<i32>} : memref<8x64xf32, #tpu.memory_space<vmem>>, vector<16xf32>,
    %get3A_779 = arith.constant 3 : i32
    %get3A_780 = arith.index_cast %get3A_779 : i32 to index
    %get3A_781 = arith.constant 48 : index
    %get3A_782 = tpu.vector_load %arg5[%get3A_780, %get3A_781] {strides = array<i32>} : memref<8x64xf32, #tpu.memory_space<vmem>>, vector<16xf32>,
    %reduce_max3A_783 = arith.constant true
    %reduce_max3A_784 = vector.broadcast %reduce_max3A_783 : i1 to vector<16xi1>
    %reduce_max3A_785 = tpu.scan <max>, %get3A_770 masked %reduce_max3A_784 : vector<16xf32>, vector<16xi1> -> vector<16xf32>
    %reduce_max3A_786 = vector.extract %reduce_max3A_785[15] : f32 from vector<16xf32>
    %reduce_max3A_787 = arith.constant true
    %reduce_max3A_788 = vector.broadcast %reduce_max3A_787 : i1 to vector<16xi1>
    %reduce_max3A_789 = tpu.scan <max>, %get3A_774 masked %reduce_max3A_788 : vector<16xf32>, vector<16xi1> -> vector<16xf32>
    %reduce_max3A_790 = vector.extract %reduce_max3A_789[15] : f32 from vector<16xf32>
    %max3A_791 = arith.maximumf %reduce_max3A_786, %reduce_max3A_790 : f32
    %reduce_max3A_792 = arith.constant true
    %reduce_max3A_793 = vector.broadcast %reduce_max3A_792 : i1 to vector<16xi1>
    %reduce_max3A_794 = tpu.scan <max>, %get3A_778 masked %reduce_max3A_793 : vector<16xf32>, vector<16xi1> -> vector<16xf32>
    %reduce_max3A_795 = vector.extract %reduce_max3A_794[15] : f32 from vector<16xf32>
    %max3A_796 = arith.maximumf %max3A_791, %reduce_max3A_795 : f32
    %reduce_max3A_797 = arith.constant true
    %reduce_max3A_798 = vector.broadcast %reduce_max3A_797 : i1 to vector<16xi1>
    %reduce_max3A_799 = tpu.scan <max>, %get3A_782 masked %reduce_max3A_798 : vector<16xf32>, vector<16xi1> -> vector<16xf32>
    %reduce_max3A_800 = vector.extract %reduce_max3A_799[15] : f32 from vector<16xf32>
    %max3A_801 = arith.maximumf %max3A_796, %reduce_max3A_800 : f32
    %eq3A_802 = vector.broadcast %max3A_801 : f32 to vector<16xf32>
    %eq3A_803 = arith.cmpf oeq, %get3A_770, %eq3A_802 : vector<16xf32>
    %add3A_804 = arith.constant 0 : i32
    %add3A_805 = vector.broadcast %add3A_804 : i32 to vector<16xi32>
    %add3A_806 = arith.addi %iota3A, %add3A_805 : vector<16xi32>
    %jit3A_807 = arith.constant 64 : i32
    %broadcast_in_dim3A_808 = vector.broadcast %jit3A_807 : i32 to vector<16xi32>
    %select_n3A_809 = arith.select %eq3A_803, %add3A_806, %broadcast_in_dim3A_808 : vector<16xi1>, vector<16xi32>
    %reduce_min3A_810 = arith.constant true
    %reduce_min3A_811 = vector.broadcast %reduce_min3A_810 : i1 to vector<16xi1>
    %reduce_min3A_812 = arith.constant -2147483648 : i32
    %reduce_min3A_813 = vector.broadcast %reduce_min3A_812 : i32 to vector<16xi32>
    %reduce_min3A_814 = arith.xori %select_n3A_809, %reduce_min3A_813 : vector<16xi32>
    %reduce_min3A_815 = tpu.scan <min>, %reduce_min3A_814 masked %reduce_min3A_811 : vector<16xi32>, vector<16xi1> -> vector<16xi32>
    %reduce_min3A_816 = arith.xori %reduce_min3A_815, %reduce_min3A_813 : vector<16xi32>
    %reduce_min3A_817 = vector.extract %reduce_min3A_816[15] : i32 from vector<16xi32>
    %min3A_818 = arith.constant 64 : i32
    %min3A_819 = arith.minsi %min3A_818, %reduce_min3A_817 : i32
    %eq3A_820 = vector.broadcast %max3A_801 : f32 to vector<16xf32>
    %eq3A_821 = arith.cmpf oeq, %get3A_774, %eq3A_820 : vector<16xf32>
    %add3A_822 = arith.constant 16 : i32
    %add3A_823 = vector.broadcast %add3A_822 : i32 to vector<16xi32>
    %add3A_824 = arith.addi %iota3A, %add3A_823 : vector<16xi32>
    %jit3A_825 = arith.constant 64 : i32
    %broadcast_in_dim3A_826 = vector.broadcast %jit3A_825 : i32 to vector<16xi32>
    %select_n3A_827 = arith.select %eq3A_821, %add3A_824, %broadcast_in_dim3A_826 : vector<16xi1>, vector<16xi32>
    %reduce_min3A_828 = arith.constant true
    %reduce_min3A_829 = vector.broadcast %reduce_min3A_828 : i1 to vector<16xi1>
    %reduce_min3A_830 = arith.constant -2147483648 : i32
    %reduce_min3A_831 = vector.broadcast %reduce_min3A_830 : i32 to vector<16xi32>
    %reduce_min3A_832 = arith.xori %select_n3A_827, %reduce_min3A_831 : vector<16xi32>
    %reduce_min3A_833 = tpu.scan <min>, %reduce_min3A_832 masked %reduce_min3A_829 : vector<16xi32>, vector<16xi1> -> vector<16xi32>
    %reduce_min3A_834 = arith.xori %reduce_min3A_833, %reduce_min3A_831 : vector<16xi32>
    %reduce_min3A_835 = vector.extract %reduce_min3A_834[15] : i32 from vector<16xi32>
    %min3A_836 = arith.minsi %min3A_819, %reduce_min3A_835 : i32
    %eq3A_837 = vector.broadcast %max3A_801 : f32 to vector<16xf32>
    %eq3A_838 = arith.cmpf oeq, %get3A_778, %eq3A_837 : vector<16xf32>
    %add3A_839 = arith.constant 32 : i32
    %add3A_840 = vector.broadcast %add3A_839 : i32 to vector<16xi32>
    %add3A_841 = arith.addi %iota3A, %add3A_840 : vector<16xi32>
    %jit3A_842 = arith.constant 64 : i32
    %broadcast_in_dim3A_843 = vector.broadcast %jit3A_842 : i32 to vector<16xi32>
    %select_n3A_844 = arith.select %eq3A_838, %add3A_841, %broadcast_in_dim3A_843 : vector<16xi1>, vector<16xi32>
    %reduce_min3A_845 = arith.constant true
    %reduce_min3A_846 = vector.broadcast %reduce_min3A_845 : i1 to vector<16xi1>
    %reduce_min3A_847 = arith.constant -2147483648 : i32
    %reduce_min3A_848 = vector.broadcast %reduce_min3A_847 : i32 to vector<16xi32>
    %reduce_min3A_849 = arith.xori %select_n3A_844, %reduce_min3A_848 : vector<16xi32>
    %reduce_min3A_850 = tpu.scan <min>, %reduce_min3A_849 masked %reduce_min3A_846 : vector<16xi32>, vector<16xi1> -> vector<16xi32>
    %reduce_min3A_851 = arith.xori %reduce_min3A_850, %reduce_min3A_848 : vector<16xi32>
    %reduce_min3A_852 = vector.extract %reduce_min3A_851[15] : i32 from vector<16xi32>
    %min3A_853 = arith.minsi %min3A_836, %reduce_min3A_852 : i32
    %eq3A_854 = vector.broadcast %max3A_801 : f32 to vector<16xf32>
    %eq3A_855 = arith.cmpf oeq, %get3A_782, %eq3A_854 : vector<16xf32>
    %add3A_856 = arith.constant 48 : i32
    %add3A_857 = vector.broadcast %add3A_856 : i32 to vector<16xi32>
    %add3A_858 = arith.addi %iota3A, %add3A_857 : vector<16xi32>
    %jit3A_859 = arith.constant 64 : i32
    %broadcast_in_dim3A_860 = vector.broadcast %jit3A_859 : i32 to vector<16xi32>
    %select_n3A_861 = arith.select %eq3A_855, %add3A_858, %broadcast_in_dim3A_860 : vector<16xi1>, vector<16xi32>
    %reduce_min3A_862 = arith.constant true
    %reduce_min3A_863 = vector.broadcast %reduce_min3A_862 : i1 to vector<16xi1>
    %reduce_min3A_864 = arith.constant -2147483648 : i32
    %reduce_min3A_865 = vector.broadcast %reduce_min3A_864 : i32 to vector<16xi32>
    %reduce_min3A_866 = arith.xori %select_n3A_861, %reduce_min3A_865 : vector<16xi32>
    %reduce_min3A_867 = tpu.scan <min>, %reduce_min3A_866 masked %reduce_min3A_863 : vector<16xi32>, vector<16xi1> -> vector<16xi32>
    %reduce_min3A_868 = arith.xori %reduce_min3A_867, %reduce_min3A_865 : vector<16xi32>
    %reduce_min3A_869 = vector.extract %reduce_min3A_868[15] : i32 from vector<16xi32>
    %min3A_870 = arith.minsi %min3A_853, %reduce_min3A_869 : i32
    %add3A_871 = arith.constant 0 : i32
    %add3A_872 = vector.broadcast %add3A_871 : i32 to vector<16xi32>
    %add3A_873 = arith.addi %iota3A, %add3A_872 : vector<16xi32>
    %eq3A_874 = vector.broadcast %min3A_870 : i32 to vector<16xi32>
    %eq3A_875 = arith.cmpi eq, %add3A_873, %eq3A_874 : vector<16xi32>
    %jit3A_876 = arith.constant -1.000000e+30 : f32
    %broadcast_in_dim3A_877 = vector.broadcast %jit3A_876 : f32 to vector<16xf32>
    %select_n3A_878 = arith.select %eq3A_875, %broadcast_in_dim3A_877, %get3A_770 : vector<16xi1>, vector<16xf32>
    %reduce_max3A_879 = arith.constant true
    %reduce_max3A_880 = vector.broadcast %reduce_max3A_879 : i1 to vector<16xi1>
    %reduce_max3A_881 = tpu.scan <max>, %select_n3A_878 masked %reduce_max3A_880 : vector<16xf32>, vector<16xi1> -> vector<16xf32>
    %reduce_max3A_882 = vector.extract %reduce_max3A_881[15] : f32 from vector<16xf32>
    %max3A_883 = arith.constant -1.000000e+30 : f32
    %max3A_884 = arith.maximumf %max3A_883, %reduce_max3A_882 : f32
    %add3A_885 = arith.constant 16 : i32
    %add3A_886 = vector.broadcast %add3A_885 : i32 to vector<16xi32>
    %add3A_887 = arith.addi %iota3A, %add3A_886 : vector<16xi32>
    %eq3A_888 = vector.broadcast %min3A_870 : i32 to vector<16xi32>
    %eq3A_889 = arith.cmpi eq, %add3A_887, %eq3A_888 : vector<16xi32>
    %jit3A_890 = arith.constant -1.000000e+30 : f32
    %broadcast_in_dim3A_891 = vector.broadcast %jit3A_890 : f32 to vector<16xf32>
    %select_n3A_892 = arith.select %eq3A_889, %broadcast_in_dim3A_891, %get3A_774 : vector<16xi1>, vector<16xf32>
    %reduce_max3A_893 = arith.constant true
    %reduce_max3A_894 = vector.broadcast %reduce_max3A_893 : i1 to vector<16xi1>
    %reduce_max3A_895 = tpu.scan <max>, %select_n3A_892 masked %reduce_max3A_894 : vector<16xf32>, vector<16xi1> -> vector<16xf32>
    %reduce_max3A_896 = vector.extract %reduce_max3A_895[15] : f32 from vector<16xf32>
    %max3A_897 = arith.maximumf %max3A_884, %reduce_max3A_896 : f32
    %add3A_898 = arith.constant 32 : i32
    %add3A_899 = vector.broadcast %add3A_898 : i32 to vector<16xi32>
    %add3A_900 = arith.addi %iota3A, %add3A_899 : vector<16xi32>
    %eq3A_901 = vector.broadcast %min3A_870 : i32 to vector<16xi32>
    %eq3A_902 = arith.cmpi eq, %add3A_900, %eq3A_901 : vector<16xi32>
    %jit3A_903 = arith.constant -1.000000e+30 : f32
    %broadcast_in_dim3A_904 = vector.broadcast %jit3A_903 : f32 to vector<16xf32>
    %select_n3A_905 = arith.select %eq3A_902, %broadcast_in_dim3A_904, %get3A_778 : vector<16xi1>, vector<16xf32>
    %reduce_max3A_906 = arith.constant true
    %reduce_max3A_907 = vector.broadcast %reduce_max3A_906 : i1 to vector<16xi1>
    %reduce_max3A_908 = tpu.scan <max>, %select_n3A_905 masked %reduce_max3A_907 : vector<16xf32>, vector<16xi1> -> vector<16xf32>
    %reduce_max3A_909 = vector.extract %reduce_max3A_908[15] : f32 from vector<16xf32>
    %max3A_910 = arith.maximumf %max3A_897, %reduce_max3A_909 : f32
    %add3A_911 = arith.constant 48 : i32
    %add3A_912 = vector.broadcast %add3A_911 : i32 to vector<16xi32>
    %add3A_913 = arith.addi %iota3A, %add3A_912 : vector<16xi32>
    %eq3A_914 = vector.broadcast %min3A_870 : i32 to vector<16xi32>
    %eq3A_915 = arith.cmpi eq, %add3A_913, %eq3A_914 : vector<16xi32>
    %jit3A_916 = arith.constant -1.000000e+30 : f32
    %broadcast_in_dim3A_917 = vector.broadcast %jit3A_916 : f32 to vector<16xf32>
    %select_n3A_918 = arith.select %eq3A_915, %broadcast_in_dim3A_917, %get3A_782 : vector<16xi1>, vector<16xf32>
    %reduce_max3A_919 = arith.constant true
    %reduce_max3A_920 = vector.broadcast %reduce_max3A_919 : i1 to vector<16xi1>
    %reduce_max3A_921 = tpu.scan <max>, %select_n3A_918 masked %reduce_max3A_920 : vector<16xf32>, vector<16xi1> -> vector<16xf32>
    %reduce_max3A_922 = vector.extract %reduce_max3A_921[15] : f32 from vector<16xf32>
    %max3A_923 = arith.maximumf %max3A_910, %reduce_max3A_922 : f32
    %eq3A_924 = vector.broadcast %max3A_923 : f32 to vector<16xf32>
    %eq3A_925 = arith.cmpf oeq, %select_n3A_878, %eq3A_924 : vector<16xf32>
    %add3A_926 = arith.constant 0 : i32
    %add3A_927 = vector.broadcast %add3A_926 : i32 to vector<16xi32>
    %add3A_928 = arith.addi %iota3A, %add3A_927 : vector<16xi32>
    %jit3A_929 = arith.constant 64 : i32
    %broadcast_in_dim3A_930 = vector.broadcast %jit3A_929 : i32 to vector<16xi32>
    %select_n3A_931 = arith.select %eq3A_925, %add3A_928, %broadcast_in_dim3A_930 : vector<16xi1>, vector<16xi32>
    %reduce_min3A_932 = arith.constant true
    %reduce_min3A_933 = vector.broadcast %reduce_min3A_932 : i1 to vector<16xi1>
    %reduce_min3A_934 = arith.constant -2147483648 : i32
    %reduce_min3A_935 = vector.broadcast %reduce_min3A_934 : i32 to vector<16xi32>
    %reduce_min3A_936 = arith.xori %select_n3A_931, %reduce_min3A_935 : vector<16xi32>
    %reduce_min3A_937 = tpu.scan <min>, %reduce_min3A_936 masked %reduce_min3A_933 : vector<16xi32>, vector<16xi1> -> vector<16xi32>
    %reduce_min3A_938 = arith.xori %reduce_min3A_937, %reduce_min3A_935 : vector<16xi32>
    %reduce_min3A_939 = vector.extract %reduce_min3A_938[15] : i32 from vector<16xi32>
    %min3A_940 = arith.constant 64 : i32
    %min3A_941 = arith.minsi %min3A_940, %reduce_min3A_939 : i32
    %eq3A_942 = vector.broadcast %max3A_923 : f32 to vector<16xf32>
    %eq3A_943 = arith.cmpf oeq, %select_n3A_892, %eq3A_942 : vector<16xf32>
    %add3A_944 = arith.constant 16 : i32
    %add3A_945 = vector.broadcast %add3A_944 : i32 to vector<16xi32>
    %add3A_946 = arith.addi %iota3A, %add3A_945 : vector<16xi32>
    %jit3A_947 = arith.constant 64 : i32
    %broadcast_in_dim3A_948 = vector.broadcast %jit3A_947 : i32 to vector<16xi32>
    %select_n3A_949 = arith.select %eq3A_943, %add3A_946, %broadcast_in_dim3A_948 : vector<16xi1>, vector<16xi32>
    %reduce_min3A_950 = arith.constant true
    %reduce_min3A_951 = vector.broadcast %reduce_min3A_950 : i1 to vector<16xi1>
    %reduce_min3A_952 = arith.constant -2147483648 : i32
    %reduce_min3A_953 = vector.broadcast %reduce_min3A_952 : i32 to vector<16xi32>
    %reduce_min3A_954 = arith.xori %select_n3A_949, %reduce_min3A_953 : vector<16xi32>
    %reduce_min3A_955 = tpu.scan <min>, %reduce_min3A_954 masked %reduce_min3A_951 : vector<16xi32>, vector<16xi1> -> vector<16xi32>
    %reduce_min3A_956 = arith.xori %reduce_min3A_955, %reduce_min3A_953 : vector<16xi32>
    %reduce_min3A_957 = vector.extract %reduce_min3A_956[15] : i32 from vector<16xi32>
    %min3A_958 = arith.minsi %min3A_941, %reduce_min3A_957 : i32
    %eq3A_959 = vector.broadcast %max3A_923 : f32 to vector<16xf32>
    %eq3A_960 = arith.cmpf oeq, %select_n3A_905, %eq3A_959 : vector<16xf32>
    %add3A_961 = arith.constant 32 : i32
    %add3A_962 = vector.broadcast %add3A_961 : i32 to vector<16xi32>
    %add3A_963 = arith.addi %iota3A, %add3A_962 : vector<16xi32>
    %jit3A_964 = arith.constant 64 : i32
    %broadcast_in_dim3A_965 = vector.broadcast %jit3A_964 : i32 to vector<16xi32>
    %select_n3A_966 = arith.select %eq3A_960, %add3A_963, %broadcast_in_dim3A_965 : vector<16xi1>, vector<16xi32>
    %reduce_min3A_967 = arith.constant true
    %reduce_min3A_968 = vector.broadcast %reduce_min3A_967 : i1 to vector<16xi1>
    %reduce_min3A_969 = arith.constant -2147483648 : i32
    %reduce_min3A_970 = vector.broadcast %reduce_min3A_969 : i32 to vector<16xi32>
    %reduce_min3A_971 = arith.xori %select_n3A_966, %reduce_min3A_970 : vector<16xi32>
    %reduce_min3A_972 = tpu.scan <min>, %reduce_min3A_971 masked %reduce_min3A_968 : vector<16xi32>, vector<16xi1> -> vector<16xi32>
    %reduce_min3A_973 = arith.xori %reduce_min3A_972, %reduce_min3A_970 : vector<16xi32>
    %reduce_min3A_974 = vector.extract %reduce_min3A_973[15] : i32 from vector<16xi32>
    %min3A_975 = arith.minsi %min3A_958, %reduce_min3A_974 : i32
    %eq3A_976 = vector.broadcast %max3A_923 : f32 to vector<16xf32>
    %eq3A_977 = arith.cmpf oeq, %select_n3A_918, %eq3A_976 : vector<16xf32>
    %add3A_978 = arith.constant 48 : i32
    %add3A_979 = vector.broadcast %add3A_978 : i32 to vector<16xi32>
    %add3A_980 = arith.addi %iota3A, %add3A_979 : vector<16xi32>
    %jit3A_981 = arith.constant 64 : i32
    %broadcast_in_dim3A_982 = vector.broadcast %jit3A_981 : i32 to vector<16xi32>
    %select_n3A_983 = arith.select %eq3A_977, %add3A_980, %broadcast_in_dim3A_982 : vector<16xi1>, vector<16xi32>
    %reduce_min3A_984 = arith.constant true
    %reduce_min3A_985 = vector.broadcast %reduce_min3A_984 : i1 to vector<16xi1>
    %reduce_min3A_986 = arith.constant -2147483648 : i32
    %reduce_min3A_987 = vector.broadcast %reduce_min3A_986 : i32 to vector<16xi32>
    %reduce_min3A_988 = arith.xori %select_n3A_983, %reduce_min3A_987 : vector<16xi32>
    %reduce_min3A_989 = tpu.scan <min>, %reduce_min3A_988 masked %reduce_min3A_985 : vector<16xi32>, vector<16xi1> -> vector<16xi32>
    %reduce_min3A_990 = arith.xori %reduce_min3A_989, %reduce_min3A_987 : vector<16xi32>
    %reduce_min3A_991 = vector.extract %reduce_min3A_990[15] : i32 from vector<16xi32>
    %min3A_992 = arith.minsi %min3A_975, %reduce_min3A_991 : i32
    %eq3A_993 = arith.constant 0 : i32
    %eq3A_994 = vector.broadcast %eq3A_993 : i32 to vector<16xi32>
    %eq3A_995 = arith.cmpi eq, %iota3A, %eq3A_994 : vector<16xi32>
    %eq3A_996 = arith.constant 1 : i32
    %eq3A_997 = vector.broadcast %eq3A_996 : i32 to vector<16xi32>
    %eq3A_998 = arith.cmpi eq, %iota3A, %eq3A_997 : vector<16xi32>
    %jit3A_999 = arith.constant 0 : i32
    %broadcast_in_dim3A_1000 = vector.broadcast %min3A_992 : i32 to vector<16xi32>
    %broadcast_in_dim3A_1001 = vector.broadcast %jit3A_999 : i32 to vector<16xi32>
    %select_n3A_1002 = arith.select %eq3A_998, %broadcast_in_dim3A_1000, %broadcast_in_dim3A_1001 : vector<16xi1>, vector<16xi32>
    %broadcast_in_dim3A_1003 = vector.broadcast %min3A_870 : i32 to vector<16xi32>
    %select_n3A_1004 = arith.select %eq3A_995, %broadcast_in_dim3A_1003, %select_n3A_1002 : vector<16xi1>, vector<16xi32>
    %swap3A_1005 = arith.constant 3 : i32
    %swap3A_1006 = arith.index_cast %swap3A_1005 : i32 to index
    %swap3A_1007 = arith.constant 0 : index
    %swap3A_1008 = tpu.vector_load %arg6[%swap3A_1006, %swap3A_1007] {strides = array<i32>} : memref<8x16xi32, #tpu.memory_space<vmem>>, vector<16xi32>,
    tpu.vector_store %arg6[%swap3A_1006, %swap3A_1007], %select_n3A_1004 {strides = array<i32>} : memref<8x16xi32, #tpu.memory_space<vmem>>, vector<16xi32>,
    %eq3A_1009 = arith.constant 0 : i32
    %eq3A_1010 = vector.broadcast %eq3A_1009 : i32 to vector<16xi32>
    %eq3A_1011 = arith.cmpi eq, %iota3A, %eq3A_1010 : vector<16xi32>
    %eq3A_1012 = arith.constant 1 : i32
    %eq3A_1013 = vector.broadcast %eq3A_1012 : i32 to vector<16xi32>
    %eq3A_1014 = arith.cmpi eq, %iota3A, %eq3A_1013 : vector<16xi32>
    %jit3A_1015 = arith.constant 0.000000e+00 : f32
    %broadcast_in_dim3A_1016 = vector.broadcast %max3A_923 : f32 to vector<16xf32>
    %broadcast_in_dim3A_1017 = vector.broadcast %jit3A_1015 : f32 to vector<16xf32>
    %select_n3A_1018 = arith.select %eq3A_1014, %broadcast_in_dim3A_1016, %broadcast_in_dim3A_1017 : vector<16xi1>, vector<16xf32>
    %broadcast_in_dim3A_1019 = vector.broadcast %max3A_801 : f32 to vector<16xf32>
    %select_n3A_1020 = arith.select %eq3A_1011, %broadcast_in_dim3A_1019, %select_n3A_1018 : vector<16xi1>, vector<16xf32>
    %swap3A_1021 = arith.constant 3 : i32
    %swap3A_1022 = arith.index_cast %swap3A_1021 : i32 to index
    %swap3A_1023 = arith.constant 0 : index
    %swap3A_1024 = tpu.vector_load %arg7[%swap3A_1022, %swap3A_1023] {strides = array<i32>} : memref<8x16xf32, #tpu.memory_space<vmem>>, vector<16xf32>,
    tpu.vector_store %arg7[%swap3A_1022, %swap3A_1023], %select_n3A_1020 {strides = array<i32>} : memref<8x16xf32, #tpu.memory_space<vmem>>, vector<16xf32>,
    %get3A_1025 = arith.constant 4 : i32
    %get3A_1026 = arith.index_cast %get3A_1025 : i32 to index
    %get3A_1027 = arith.constant 0 : index
    %get3A_1028 = tpu.vector_load %arg5[%get3A_1026, %get3A_1027] {strides = array<i32>} : memref<8x64xf32, #tpu.memory_space<vmem>>, vector<16xf32>,
    %get3A_1029 = arith.constant 4 : i32
    %get3A_1030 = arith.index_cast %get3A_1029 : i32 to index
    %get3A_1031 = arith.constant 16 : index
    %get3A_1032 = tpu.vector_load %arg5[%get3A_1030, %get3A_1031] {strides = array<i32>} : memref<8x64xf32, #tpu.memory_space<vmem>>, vector<16xf32>,
    %get3A_1033 = arith.constant 4 : i32
    %get3A_1034 = arith.index_cast %get3A_1033 : i32 to index
    %get3A_1035 = arith.constant 32 : index
    %get3A_1036 = tpu.vector_load %arg5[%get3A_1034, %get3A_1035] {strides = array<i32>} : memref<8x64xf32, #tpu.memory_space<vmem>>, vector<16xf32>,
    %get3A_1037 = arith.constant 4 : i32
    %get3A_1038 = arith.index_cast %get3A_1037 : i32 to index
    %get3A_1039 = arith.constant 48 : index
    %get3A_1040 = tpu.vector_load %arg5[%get3A_1038, %get3A_1039] {strides = array<i32>} : memref<8x64xf32, #tpu.memory_space<vmem>>, vector<16xf32>,
    %reduce_max3A_1041 = arith.constant true
    %reduce_max3A_1042 = vector.broadcast %reduce_max3A_1041 : i1 to vector<16xi1>
    %reduce_max3A_1043 = tpu.scan <max>, %get3A_1028 masked %reduce_max3A_1042 : vector<16xf32>, vector<16xi1> -> vector<16xf32>
    %reduce_max3A_1044 = vector.extract %reduce_max3A_1043[15] : f32 from vector<16xf32>
    %reduce_max3A_1045 = arith.constant true
    %reduce_max3A_1046 = vector.broadcast %reduce_max3A_1045 : i1 to vector<16xi1>
    %reduce_max3A_1047 = tpu.scan <max>, %get3A_1032 masked %reduce_max3A_1046 : vector<16xf32>, vector<16xi1> -> vector<16xf32>
    %reduce_max3A_1048 = vector.extract %reduce_max3A_1047[15] : f32 from vector<16xf32>
    %max3A_1049 = arith.maximumf %reduce_max3A_1044, %reduce_max3A_1048 : f32
    %reduce_max3A_1050 = arith.constant true
    %reduce_max3A_1051 = vector.broadcast %reduce_max3A_1050 : i1 to vector<16xi1>
    %reduce_max3A_1052 = tpu.scan <max>, %get3A_1036 masked %reduce_max3A_1051 : vector<16xf32>, vector<16xi1> -> vector<16xf32>
    %reduce_max3A_1053 = vector.extract %reduce_max3A_1052[15] : f32 from vector<16xf32>
    %max3A_1054 = arith.maximumf %max3A_1049, %reduce_max3A_1053 : f32
    %reduce_max3A_1055 = arith.constant true
    %reduce_max3A_1056 = vector.broadcast %reduce_max3A_1055 : i1 to vector<16xi1>
    %reduce_max3A_1057 = tpu.scan <max>, %get3A_1040 masked %reduce_max3A_1056 : vector<16xf32>, vector<16xi1> -> vector<16xf32>
    %reduce_max3A_1058 = vector.extract %reduce_max3A_1057[15] : f32 from vector<16xf32>
    %max3A_1059 = arith.maximumf %max3A_1054, %reduce_max3A_1058 : f32
    %eq3A_1060 = vector.broadcast %max3A_1059 : f32 to vector<16xf32>
    %eq3A_1061 = arith.cmpf oeq, %get3A_1028, %eq3A_1060 : vector<16xf32>
    %add3A_1062 = arith.constant 0 : i32
    %add3A_1063 = vector.broadcast %add3A_1062 : i32 to vector<16xi32>
    %add3A_1064 = arith.addi %iota3A, %add3A_1063 : vector<16xi32>
    %jit3A_1065 = arith.constant 64 : i32
    %broadcast_in_dim3A_1066 = vector.broadcast %jit3A_1065 : i32 to vector<16xi32>
    %select_n3A_1067 = arith.select %eq3A_1061, %add3A_1064, %broadcast_in_dim3A_1066 : vector<16xi1>, vector<16xi32>
    %reduce_min3A_1068 = arith.constant true
    %reduce_min3A_1069 = vector.broadcast %reduce_min3A_1068 : i1 to vector<16xi1>
    %reduce_min3A_1070 = arith.constant -2147483648 : i32
    %reduce_min3A_1071 = vector.broadcast %reduce_min3A_1070 : i32 to vector<16xi32>
    %reduce_min3A_1072 = arith.xori %select_n3A_1067, %reduce_min3A_1071 : vector<16xi32>
    %reduce_min3A_1073 = tpu.scan <min>, %reduce_min3A_1072 masked %reduce_min3A_1069 : vector<16xi32>, vector<16xi1> -> vector<16xi32>
    %reduce_min3A_1074 = arith.xori %reduce_min3A_1073, %reduce_min3A_1071 : vector<16xi32>
    %reduce_min3A_1075 = vector.extract %reduce_min3A_1074[15] : i32 from vector<16xi32>
    %min3A_1076 = arith.constant 64 : i32
    %min3A_1077 = arith.minsi %min3A_1076, %reduce_min3A_1075 : i32
    %eq3A_1078 = vector.broadcast %max3A_1059 : f32 to vector<16xf32>
    %eq3A_1079 = arith.cmpf oeq, %get3A_1032, %eq3A_1078 : vector<16xf32>
    %add3A_1080 = arith.constant 16 : i32
    %add3A_1081 = vector.broadcast %add3A_1080 : i32 to vector<16xi32>
    %add3A_1082 = arith.addi %iota3A, %add3A_1081 : vector<16xi32>
    %jit3A_1083 = arith.constant 64 : i32
    %broadcast_in_dim3A_1084 = vector.broadcast %jit3A_1083 : i32 to vector<16xi32>
    %select_n3A_1085 = arith.select %eq3A_1079, %add3A_1082, %broadcast_in_dim3A_1084 : vector<16xi1>, vector<16xi32>
    %reduce_min3A_1086 = arith.constant true
    %reduce_min3A_1087 = vector.broadcast %reduce_min3A_1086 : i1 to vector<16xi1>
    %reduce_min3A_1088 = arith.constant -2147483648 : i32
    %reduce_min3A_1089 = vector.broadcast %reduce_min3A_1088 : i32 to vector<16xi32>
    %reduce_min3A_1090 = arith.xori %select_n3A_1085, %reduce_min3A_1089 : vector<16xi32>
    %reduce_min3A_1091 = tpu.scan <min>, %reduce_min3A_1090 masked %reduce_min3A_1087 : vector<16xi32>, vector<16xi1> -> vector<16xi32>
    %reduce_min3A_1092 = arith.xori %reduce_min3A_1091, %reduce_min3A_1089 : vector<16xi32>
    %reduce_min3A_1093 = vector.extract %reduce_min3A_1092[15] : i32 from vector<16xi32>
    %min3A_1094 = arith.minsi %min3A_1077, %reduce_min3A_1093 : i32
    %eq3A_1095 = vector.broadcast %max3A_1059 : f32 to vector<16xf32>
    %eq3A_1096 = arith.cmpf oeq, %get3A_1036, %eq3A_1095 : vector<16xf32>
    %add3A_1097 = arith.constant 32 : i32
    %add3A_1098 = vector.broadcast %add3A_1097 : i32 to vector<16xi32>
    %add3A_1099 = arith.addi %iota3A, %add3A_1098 : vector<16xi32>
    %jit3A_1100 = arith.constant 64 : i32
    %broadcast_in_dim3A_1101 = vector.broadcast %jit3A_1100 : i32 to vector<16xi32>
    %select_n3A_1102 = arith.select %eq3A_1096, %add3A_1099, %broadcast_in_dim3A_1101 : vector<16xi1>, vector<16xi32>
    %reduce_min3A_1103 = arith.constant true
    %reduce_min3A_1104 = vector.broadcast %reduce_min3A_1103 : i1 to vector<16xi1>
    %reduce_min3A_1105 = arith.constant -2147483648 : i32
    %reduce_min3A_1106 = vector.broadcast %reduce_min3A_1105 : i32 to vector<16xi32>
    %reduce_min3A_1107 = arith.xori %select_n3A_1102, %reduce_min3A_1106 : vector<16xi32>
    %reduce_min3A_1108 = tpu.scan <min>, %reduce_min3A_1107 masked %reduce_min3A_1104 : vector<16xi32>, vector<16xi1> -> vector<16xi32>
    %reduce_min3A_1109 = arith.xori %reduce_min3A_1108, %reduce_min3A_1106 : vector<16xi32>
    %reduce_min3A_1110 = vector.extract %reduce_min3A_1109[15] : i32 from vector<16xi32>
    %min3A_1111 = arith.minsi %min3A_1094, %reduce_min3A_1110 : i32
    %eq3A_1112 = vector.broadcast %max3A_1059 : f32 to vector<16xf32>
    %eq3A_1113 = arith.cmpf oeq, %get3A_1040, %eq3A_1112 : vector<16xf32>
    %add3A_1114 = arith.constant 48 : i32
    %add3A_1115 = vector.broadcast %add3A_1114 : i32 to vector<16xi32>
    %add3A_1116 = arith.addi %iota3A, %add3A_1115 : vector<16xi32>
    %jit3A_1117 = arith.constant 64 : i32
    %broadcast_in_dim3A_1118 = vector.broadcast %jit3A_1117 : i32 to vector<16xi32>
    %select_n3A_1119 = arith.select %eq3A_1113, %add3A_1116, %broadcast_in_dim3A_1118 : vector<16xi1>, vector<16xi32>
    %reduce_min3A_1120 = arith.constant true
    %reduce_min3A_1121 = vector.broadcast %reduce_min3A_1120 : i1 to vector<16xi1>
    %reduce_min3A_1122 = arith.constant -2147483648 : i32
    %reduce_min3A_1123 = vector.broadcast %reduce_min3A_1122 : i32 to vector<16xi32>
    %reduce_min3A_1124 = arith.xori %select_n3A_1119, %reduce_min3A_1123 : vector<16xi32>
    %reduce_min3A_1125 = tpu.scan <min>, %reduce_min3A_1124 masked %reduce_min3A_1121 : vector<16xi32>, vector<16xi1> -> vector<16xi32>
    %reduce_min3A_1126 = arith.xori %reduce_min3A_1125, %reduce_min3A_1123 : vector<16xi32>
    %reduce_min3A_1127 = vector.extract %reduce_min3A_1126[15] : i32 from vector<16xi32>
    %min3A_1128 = arith.minsi %min3A_1111, %reduce_min3A_1127 : i32
    %add3A_1129 = arith.constant 0 : i32
    %add3A_1130 = vector.broadcast %add3A_1129 : i32 to vector<16xi32>
    %add3A_1131 = arith.addi %iota3A, %add3A_1130 : vector<16xi32>
    %eq3A_1132 = vector.broadcast %min3A_1128 : i32 to vector<16xi32>
    %eq3A_1133 = arith.cmpi eq, %add3A_1131, %eq3A_1132 : vector<16xi32>
    %jit3A_1134 = arith.constant -1.000000e+30 : f32
    %broadcast_in_dim3A_1135 = vector.broadcast %jit3A_1134 : f32 to vector<16xf32>
    %select_n3A_1136 = arith.select %eq3A_1133, %broadcast_in_dim3A_1135, %get3A_1028 : vector<16xi1>, vector<16xf32>
    %reduce_max3A_1137 = arith.constant true
    %reduce_max3A_1138 = vector.broadcast %reduce_max3A_1137 : i1 to vector<16xi1>
    %reduce_max3A_1139 = tpu.scan <max>, %select_n3A_1136 masked %reduce_max3A_1138 : vector<16xf32>, vector<16xi1> -> vector<16xf32>
    %reduce_max3A_1140 = vector.extract %reduce_max3A_1139[15] : f32 from vector<16xf32>
    %max3A_1141 = arith.constant -1.000000e+30 : f32
    %max3A_1142 = arith.maximumf %max3A_1141, %reduce_max3A_1140 : f32
    %add3A_1143 = arith.constant 16 : i32
    %add3A_1144 = vector.broadcast %add3A_1143 : i32 to vector<16xi32>
    %add3A_1145 = arith.addi %iota3A, %add3A_1144 : vector<16xi32>
    %eq3A_1146 = vector.broadcast %min3A_1128 : i32 to vector<16xi32>
    %eq3A_1147 = arith.cmpi eq, %add3A_1145, %eq3A_1146 : vector<16xi32>
    %jit3A_1148 = arith.constant -1.000000e+30 : f32
    %broadcast_in_dim3A_1149 = vector.broadcast %jit3A_1148 : f32 to vector<16xf32>
    %select_n3A_1150 = arith.select %eq3A_1147, %broadcast_in_dim3A_1149, %get3A_1032 : vector<16xi1>, vector<16xf32>
    %reduce_max3A_1151 = arith.constant true
    %reduce_max3A_1152 = vector.broadcast %reduce_max3A_1151 : i1 to vector<16xi1>
    %reduce_max3A_1153 = tpu.scan <max>, %select_n3A_1150 masked %reduce_max3A_1152 : vector<16xf32>, vector<16xi1> -> vector<16xf32>
    %reduce_max3A_1154 = vector.extract %reduce_max3A_1153[15] : f32 from vector<16xf32>
    %max3A_1155 = arith.maximumf %max3A_1142, %reduce_max3A_1154 : f32
    %add3A_1156 = arith.constant 32 : i32
    %add3A_1157 = vector.broadcast %add3A_1156 : i32 to vector<16xi32>
    %add3A_1158 = arith.addi %iota3A, %add3A_1157 : vector<16xi32>
    %eq3A_1159 = vector.broadcast %min3A_1128 : i32 to vector<16xi32>
    %eq3A_1160 = arith.cmpi eq, %add3A_1158, %eq3A_1159 : vector<16xi32>
    %jit3A_1161 = arith.constant -1.000000e+30 : f32
    %broadcast_in_dim3A_1162 = vector.broadcast %jit3A_1161 : f32 to vector<16xf32>
    %select_n3A_1163 = arith.select %eq3A_1160, %broadcast_in_dim3A_1162, %get3A_1036 : vector<16xi1>, vector<16xf32>
    %reduce_max3A_1164 = arith.constant true
    %reduce_max3A_1165 = vector.broadcast %reduce_max3A_1164 : i1 to vector<16xi1>
    %reduce_max3A_1166 = tpu.scan <max>, %select_n3A_1163 masked %reduce_max3A_1165 : vector<16xf32>, vector<16xi1> -> vector<16xf32>
    %reduce_max3A_1167 = vector.extract %reduce_max3A_1166[15] : f32 from vector<16xf32>
    %max3A_1168 = arith.maximumf %max3A_1155, %reduce_max3A_1167 : f32
    %add3A_1169 = arith.constant 48 : i32
    %add3A_1170 = vector.broadcast %add3A_1169 : i32 to vector<16xi32>
    %add3A_1171 = arith.addi %iota3A, %add3A_1170 : vector<16xi32>
    %eq3A_1172 = vector.broadcast %min3A_1128 : i32 to vector<16xi32>
    %eq3A_1173 = arith.cmpi eq, %add3A_1171, %eq3A_1172 : vector<16xi32>
    %jit3A_1174 = arith.constant -1.000000e+30 : f32
    %broadcast_in_dim3A_1175 = vector.broadcast %jit3A_1174 : f32 to vector<16xf32>
    %select_n3A_1176 = arith.select %eq3A_1173, %broadcast_in_dim3A_1175, %get3A_1040 : vector<16xi1>, vector<16xf32>
    %reduce_max3A_1177 = arith.constant true
    %reduce_max3A_1178 = vector.broadcast %reduce_max3A_1177 : i1 to vector<16xi1>
    %reduce_max3A_1179 = tpu.scan <max>, %select_n3A_1176 masked %reduce_max3A_1178 : vector<16xf32>, vector<16xi1> -> vector<16xf32>
    %reduce_max3A_1180 = vector.extract %reduce_max3A_1179[15] : f32 from vector<16xf32>
    %max3A_1181 = arith.maximumf %max3A_1168, %reduce_max3A_1180 : f32
    %eq3A_1182 = vector.broadcast %max3A_1181 : f32 to vector<16xf32>
    %eq3A_1183 = arith.cmpf oeq, %select_n3A_1136, %eq3A_1182 : vector<16xf32>
    %add3A_1184 = arith.constant 0 : i32
    %add3A_1185 = vector.broadcast %add3A_1184 : i32 to vector<16xi32>
    %add3A_1186 = arith.addi %iota3A, %add3A_1185 : vector<16xi32>
    %jit3A_1187 = arith.constant 64 : i32
    %broadcast_in_dim3A_1188 = vector.broadcast %jit3A_1187 : i32 to vector<16xi32>
    %select_n3A_1189 = arith.select %eq3A_1183, %add3A_1186, %broadcast_in_dim3A_1188 : vector<16xi1>, vector<16xi32>
    %reduce_min3A_1190 = arith.constant true
    %reduce_min3A_1191 = vector.broadcast %reduce_min3A_1190 : i1 to vector<16xi1>
    %reduce_min3A_1192 = arith.constant -2147483648 : i32
    %reduce_min3A_1193 = vector.broadcast %reduce_min3A_1192 : i32 to vector<16xi32>
    %reduce_min3A_1194 = arith.xori %select_n3A_1189, %reduce_min3A_1193 : vector<16xi32>
    %reduce_min3A_1195 = tpu.scan <min>, %reduce_min3A_1194 masked %reduce_min3A_1191 : vector<16xi32>, vector<16xi1> -> vector<16xi32>
    %reduce_min3A_1196 = arith.xori %reduce_min3A_1195, %reduce_min3A_1193 : vector<16xi32>
    %reduce_min3A_1197 = vector.extract %reduce_min3A_1196[15] : i32 from vector<16xi32>
    %min3A_1198 = arith.constant 64 : i32
    %min3A_1199 = arith.minsi %min3A_1198, %reduce_min3A_1197 : i32
    %eq3A_1200 = vector.broadcast %max3A_1181 : f32 to vector<16xf32>
    %eq3A_1201 = arith.cmpf oeq, %select_n3A_1150, %eq3A_1200 : vector<16xf32>
    %add3A_1202 = arith.constant 16 : i32
    %add3A_1203 = vector.broadcast %add3A_1202 : i32 to vector<16xi32>
    %add3A_1204 = arith.addi %iota3A, %add3A_1203 : vector<16xi32>
    %jit3A_1205 = arith.constant 64 : i32
    %broadcast_in_dim3A_1206 = vector.broadcast %jit3A_1205 : i32 to vector<16xi32>
    %select_n3A_1207 = arith.select %eq3A_1201, %add3A_1204, %broadcast_in_dim3A_1206 : vector<16xi1>, vector<16xi32>
    %reduce_min3A_1208 = arith.constant true
    %reduce_min3A_1209 = vector.broadcast %reduce_min3A_1208 : i1 to vector<16xi1>
    %reduce_min3A_1210 = arith.constant -2147483648 : i32
    %reduce_min3A_1211 = vector.broadcast %reduce_min3A_1210 : i32 to vector<16xi32>
    %reduce_min3A_1212 = arith.xori %select_n3A_1207, %reduce_min3A_1211 : vector<16xi32>
    %reduce_min3A_1213 = tpu.scan <min>, %reduce_min3A_1212 masked %reduce_min3A_1209 : vector<16xi32>, vector<16xi1> -> vector<16xi32>
    %reduce_min3A_1214 = arith.xori %reduce_min3A_1213, %reduce_min3A_1211 : vector<16xi32>
    %reduce_min3A_1215 = vector.extract %reduce_min3A_1214[15] : i32 from vector<16xi32>
    %min3A_1216 = arith.minsi %min3A_1199, %reduce_min3A_1215 : i32
    %eq3A_1217 = vector.broadcast %max3A_1181 : f32 to vector<16xf32>
    %eq3A_1218 = arith.cmpf oeq, %select_n3A_1163, %eq3A_1217 : vector<16xf32>
    %add3A_1219 = arith.constant 32 : i32
    %add3A_1220 = vector.broadcast %add3A_1219 : i32 to vector<16xi32>
    %add3A_1221 = arith.addi %iota3A, %add3A_1220 : vector<16xi32>
    %jit3A_1222 = arith.constant 64 : i32
    %broadcast_in_dim3A_1223 = vector.broadcast %jit3A_1222 : i32 to vector<16xi32>
    %select_n3A_1224 = arith.select %eq3A_1218, %add3A_1221, %broadcast_in_dim3A_1223 : vector<16xi1>, vector<16xi32>
    %reduce_min3A_1225 = arith.constant true
    %reduce_min3A_1226 = vector.broadcast %reduce_min3A_1225 : i1 to vector<16xi1>
    %reduce_min3A_1227 = arith.constant -2147483648 : i32
    %reduce_min3A_1228 = vector.broadcast %reduce_min3A_1227 : i32 to vector<16xi32>
    %reduce_min3A_1229 = arith.xori %select_n3A_1224, %reduce_min3A_1228 : vector<16xi32>
    %reduce_min3A_1230 = tpu.scan <min>, %reduce_min3A_1229 masked %reduce_min3A_1226 : vector<16xi32>, vector<16xi1> -> vector<16xi32>
    %reduce_min3A_1231 = arith.xori %reduce_min3A_1230, %reduce_min3A_1228 : vector<16xi32>
    %reduce_min3A_1232 = vector.extract %reduce_min3A_1231[15] : i32 from vector<16xi32>
    %min3A_1233 = arith.minsi %min3A_1216, %reduce_min3A_1232 : i32
    %eq3A_1234 = vector.broadcast %max3A_1181 : f32 to vector<16xf32>
    %eq3A_1235 = arith.cmpf oeq, %select_n3A_1176, %eq3A_1234 : vector<16xf32>
    %add3A_1236 = arith.constant 48 : i32
    %add3A_1237 = vector.broadcast %add3A_1236 : i32 to vector<16xi32>
    %add3A_1238 = arith.addi %iota3A, %add3A_1237 : vector<16xi32>
    %jit3A_1239 = arith.constant 64 : i32
    %broadcast_in_dim3A_1240 = vector.broadcast %jit3A_1239 : i32 to vector<16xi32>
    %select_n3A_1241 = arith.select %eq3A_1235, %add3A_1238, %broadcast_in_dim3A_1240 : vector<16xi1>, vector<16xi32>
    %reduce_min3A_1242 = arith.constant true
    %reduce_min3A_1243 = vector.broadcast %reduce_min3A_1242 : i1 to vector<16xi1>
    %reduce_min3A_1244 = arith.constant -2147483648 : i32
    %reduce_min3A_1245 = vector.broadcast %reduce_min3A_1244 : i32 to vector<16xi32>
    %reduce_min3A_1246 = arith.xori %select_n3A_1241, %reduce_min3A_1245 : vector<16xi32>
    %reduce_min3A_1247 = tpu.scan <min>, %reduce_min3A_1246 masked %reduce_min3A_1243 : vector<16xi32>, vector<16xi1> -> vector<16xi32>
    %reduce_min3A_1248 = arith.xori %reduce_min3A_1247, %reduce_min3A_1245 : vector<16xi32>
    %reduce_min3A_1249 = vector.extract %reduce_min3A_1248[15] : i32 from vector<16xi32>
    %min3A_1250 = arith.minsi %min3A_1233, %reduce_min3A_1249 : i32
    %eq3A_1251 = arith.constant 0 : i32
    %eq3A_1252 = vector.broadcast %eq3A_1251 : i32 to vector<16xi32>
    %eq3A_1253 = arith.cmpi eq, %iota3A, %eq3A_1252 : vector<16xi32>
    %eq3A_1254 = arith.constant 1 : i32
    %eq3A_1255 = vector.broadcast %eq3A_1254 : i32 to vector<16xi32>
    %eq3A_1256 = arith.cmpi eq, %iota3A, %eq3A_1255 : vector<16xi32>
    %jit3A_1257 = arith.constant 0 : i32
    %broadcast_in_dim3A_1258 = vector.broadcast %min3A_1250 : i32 to vector<16xi32>
    %broadcast_in_dim3A_1259 = vector.broadcast %jit3A_1257 : i32 to vector<16xi32>
    %select_n3A_1260 = arith.select %eq3A_1256, %broadcast_in_dim3A_1258, %broadcast_in_dim3A_1259 : vector<16xi1>, vector<16xi32>
    %broadcast_in_dim3A_1261 = vector.broadcast %min3A_1128 : i32 to vector<16xi32>
    %select_n3A_1262 = arith.select %eq3A_1253, %broadcast_in_dim3A_1261, %select_n3A_1260 : vector<16xi1>, vector<16xi32>
    %swap3A_1263 = arith.constant 4 : i32
    %swap3A_1264 = arith.index_cast %swap3A_1263 : i32 to index
    %swap3A_1265 = arith.constant 0 : index
    %swap3A_1266 = tpu.vector_load %arg6[%swap3A_1264, %swap3A_1265] {strides = array<i32>} : memref<8x16xi32, #tpu.memory_space<vmem>>, vector<16xi32>,
    tpu.vector_store %arg6[%swap3A_1264, %swap3A_1265], %select_n3A_1262 {strides = array<i32>} : memref<8x16xi32, #tpu.memory_space<vmem>>, vector<16xi32>,
    %eq3A_1267 = arith.constant 0 : i32
    %eq3A_1268 = vector.broadcast %eq3A_1267 : i32 to vector<16xi32>
    %eq3A_1269 = arith.cmpi eq, %iota3A, %eq3A_1268 : vector<16xi32>
    %eq3A_1270 = arith.constant 1 : i32
    %eq3A_1271 = vector.broadcast %eq3A_1270 : i32 to vector<16xi32>
    %eq3A_1272 = arith.cmpi eq, %iota3A, %eq3A_1271 : vector<16xi32>
    %jit3A_1273 = arith.constant 0.000000e+00 : f32
    %broadcast_in_dim3A_1274 = vector.broadcast %max3A_1181 : f32 to vector<16xf32>
    %broadcast_in_dim3A_1275 = vector.broadcast %jit3A_1273 : f32 to vector<16xf32>
    %select_n3A_1276 = arith.select %eq3A_1272, %broadcast_in_dim3A_1274, %broadcast_in_dim3A_1275 : vector<16xi1>, vector<16xf32>
    %broadcast_in_dim3A_1277 = vector.broadcast %max3A_1059 : f32 to vector<16xf32>
    %select_n3A_1278 = arith.select %eq3A_1269, %broadcast_in_dim3A_1277, %select_n3A_1276 : vector<16xi1>, vector<16xf32>
    %swap3A_1279 = arith.constant 4 : i32
    %swap3A_1280 = arith.index_cast %swap3A_1279 : i32 to index
    %swap3A_1281 = arith.constant 0 : index
    %swap3A_1282 = tpu.vector_load %arg7[%swap3A_1280, %swap3A_1281] {strides = array<i32>} : memref<8x16xf32, #tpu.memory_space<vmem>>, vector<16xf32>,
    tpu.vector_store %arg7[%swap3A_1280, %swap3A_1281], %select_n3A_1278 {strides = array<i32>} : memref<8x16xf32, #tpu.memory_space<vmem>>, vector<16xf32>,
    %get3A_1283 = arith.constant 5 : i32
    %get3A_1284 = arith.index_cast %get3A_1283 : i32 to index
    %get3A_1285 = arith.constant 0 : index
    %get3A_1286 = tpu.vector_load %arg5[%get3A_1284, %get3A_1285] {strides = array<i32>} : memref<8x64xf32, #tpu.memory_space<vmem>>, vector<16xf32>,
    %get3A_1287 = arith.constant 5 : i32
    %get3A_1288 = arith.index_cast %get3A_1287 : i32 to index
    %get3A_1289 = arith.constant 16 : index
    %get3A_1290 = tpu.vector_load %arg5[%get3A_1288, %get3A_1289] {strides = array<i32>} : memref<8x64xf32, #tpu.memory_space<vmem>>, vector<16xf32>,
    %get3A_1291 = arith.constant 5 : i32
    %get3A_1292 = arith.index_cast %get3A_1291 : i32 to index
    %get3A_1293 = arith.constant 32 : index
    %get3A_1294 = tpu.vector_load %arg5[%get3A_1292, %get3A_1293] {strides = array<i32>} : memref<8x64xf32, #tpu.memory_space<vmem>>, vector<16xf32>,
    %get3A_1295 = arith.constant 5 : i32
    %get3A_1296 = arith.index_cast %get3A_1295 : i32 to index
    %get3A_1297 = arith.constant 48 : index
    %get3A_1298 = tpu.vector_load %arg5[%get3A_1296, %get3A_1297] {strides = array<i32>} : memref<8x64xf32, #tpu.memory_space<vmem>>, vector<16xf32>,
    %reduce_max3A_1299 = arith.constant true
    %reduce_max3A_1300 = vector.broadcast %reduce_max3A_1299 : i1 to vector<16xi1>
    %reduce_max3A_1301 = tpu.scan <max>, %get3A_1286 masked %reduce_max3A_1300 : vector<16xf32>, vector<16xi1> -> vector<16xf32>
    %reduce_max3A_1302 = vector.extract %reduce_max3A_1301[15] : f32 from vector<16xf32>
    %reduce_max3A_1303 = arith.constant true
    %reduce_max3A_1304 = vector.broadcast %reduce_max3A_1303 : i1 to vector<16xi1>
    %reduce_max3A_1305 = tpu.scan <max>, %get3A_1290 masked %reduce_max3A_1304 : vector<16xf32>, vector<16xi1> -> vector<16xf32>
    %reduce_max3A_1306 = vector.extract %reduce_max3A_1305[15] : f32 from vector<16xf32>
    %max3A_1307 = arith.maximumf %reduce_max3A_1302, %reduce_max3A_1306 : f32
    %reduce_max3A_1308 = arith.constant true
    %reduce_max3A_1309 = vector.broadcast %reduce_max3A_1308 : i1 to vector<16xi1>
    %reduce_max3A_1310 = tpu.scan <max>, %get3A_1294 masked %reduce_max3A_1309 : vector<16xf32>, vector<16xi1> -> vector<16xf32>
    %reduce_max3A_1311 = vector.extract %reduce_max3A_1310[15] : f32 from vector<16xf32>
    %max3A_1312 = arith.maximumf %max3A_1307, %reduce_max3A_1311 : f32
    %reduce_max3A_1313 = arith.constant true
    %reduce_max3A_1314 = vector.broadcast %reduce_max3A_1313 : i1 to vector<16xi1>
    %reduce_max3A_1315 = tpu.scan <max>, %get3A_1298 masked %reduce_max3A_1314 : vector<16xf32>, vector<16xi1> -> vector<16xf32>
    %reduce_max3A_1316 = vector.extract %reduce_max3A_1315[15] : f32 from vector<16xf32>
    %max3A_1317 = arith.maximumf %max3A_1312, %reduce_max3A_1316 : f32
    %eq3A_1318 = vector.broadcast %max3A_1317 : f32 to vector<16xf32>
    %eq3A_1319 = arith.cmpf oeq, %get3A_1286, %eq3A_1318 : vector<16xf32>
    %add3A_1320 = arith.constant 0 : i32
    %add3A_1321 = vector.broadcast %add3A_1320 : i32 to vector<16xi32>
    %add3A_1322 = arith.addi %iota3A, %add3A_1321 : vector<16xi32>
    %jit3A_1323 = arith.constant 64 : i32
    %broadcast_in_dim3A_1324 = vector.broadcast %jit3A_1323 : i32 to vector<16xi32>
    %select_n3A_1325 = arith.select %eq3A_1319, %add3A_1322, %broadcast_in_dim3A_1324 : vector<16xi1>, vector<16xi32>
    %reduce_min3A_1326 = arith.constant true
    %reduce_min3A_1327 = vector.broadcast %reduce_min3A_1326 : i1 to vector<16xi1>
    %reduce_min3A_1328 = arith.constant -2147483648 : i32
    %reduce_min3A_1329 = vector.broadcast %reduce_min3A_1328 : i32 to vector<16xi32>
    %reduce_min3A_1330 = arith.xori %select_n3A_1325, %reduce_min3A_1329 : vector<16xi32>
    %reduce_min3A_1331 = tpu.scan <min>, %reduce_min3A_1330 masked %reduce_min3A_1327 : vector<16xi32>, vector<16xi1> -> vector<16xi32>
    %reduce_min3A_1332 = arith.xori %reduce_min3A_1331, %reduce_min3A_1329 : vector<16xi32>
    %reduce_min3A_1333 = vector.extract %reduce_min3A_1332[15] : i32 from vector<16xi32>
    %min3A_1334 = arith.constant 64 : i32
    %min3A_1335 = arith.minsi %min3A_1334, %reduce_min3A_1333 : i32
    %eq3A_1336 = vector.broadcast %max3A_1317 : f32 to vector<16xf32>
    %eq3A_1337 = arith.cmpf oeq, %get3A_1290, %eq3A_1336 : vector<16xf32>
    %add3A_1338 = arith.constant 16 : i32
    %add3A_1339 = vector.broadcast %add3A_1338 : i32 to vector<16xi32>
    %add3A_1340 = arith.addi %iota3A, %add3A_1339 : vector<16xi32>
    %jit3A_1341 = arith.constant 64 : i32
    %broadcast_in_dim3A_1342 = vector.broadcast %jit3A_1341 : i32 to vector<16xi32>
    %select_n3A_1343 = arith.select %eq3A_1337, %add3A_1340, %broadcast_in_dim3A_1342 : vector<16xi1>, vector<16xi32>
    %reduce_min3A_1344 = arith.constant true
    %reduce_min3A_1345 = vector.broadcast %reduce_min3A_1344 : i1 to vector<16xi1>
    %reduce_min3A_1346 = arith.constant -2147483648 : i32
    %reduce_min3A_1347 = vector.broadcast %reduce_min3A_1346 : i32 to vector<16xi32>
    %reduce_min3A_1348 = arith.xori %select_n3A_1343, %reduce_min3A_1347 : vector<16xi32>
    %reduce_min3A_1349 = tpu.scan <min>, %reduce_min3A_1348 masked %reduce_min3A_1345 : vector<16xi32>, vector<16xi1> -> vector<16xi32>
    %reduce_min3A_1350 = arith.xori %reduce_min3A_1349, %reduce_min3A_1347 : vector<16xi32>
    %reduce_min3A_1351 = vector.extract %reduce_min3A_1350[15] : i32 from vector<16xi32>
    %min3A_1352 = arith.minsi %min3A_1335, %reduce_min3A_1351 : i32
    %eq3A_1353 = vector.broadcast %max3A_1317 : f32 to vector<16xf32>
    %eq3A_1354 = arith.cmpf oeq, %get3A_1294, %eq3A_1353 : vector<16xf32>
    %add3A_1355 = arith.constant 32 : i32
    %add3A_1356 = vector.broadcast %add3A_1355 : i32 to vector<16xi32>
    %add3A_1357 = arith.addi %iota3A, %add3A_1356 : vector<16xi32>
    %jit3A_1358 = arith.constant 64 : i32
    %broadcast_in_dim3A_1359 = vector.broadcast %jit3A_1358 : i32 to vector<16xi32>
    %select_n3A_1360 = arith.select %eq3A_1354, %add3A_1357, %broadcast_in_dim3A_1359 : vector<16xi1>, vector<16xi32>
    %reduce_min3A_1361 = arith.constant true
    %reduce_min3A_1362 = vector.broadcast %reduce_min3A_1361 : i1 to vector<16xi1>
    %reduce_min3A_1363 = arith.constant -2147483648 : i32
    %reduce_min3A_1364 = vector.broadcast %reduce_min3A_1363 : i32 to vector<16xi32>
    %reduce_min3A_1365 = arith.xori %select_n3A_1360, %reduce_min3A_1364 : vector<16xi32>
    %reduce_min3A_1366 = tpu.scan <min>, %reduce_min3A_1365 masked %reduce_min3A_1362 : vector<16xi32>, vector<16xi1> -> vector<16xi32>
    %reduce_min3A_1367 = arith.xori %reduce_min3A_1366, %reduce_min3A_1364 : vector<16xi32>
    %reduce_min3A_1368 = vector.extract %reduce_min3A_1367[15] : i32 from vector<16xi32>
    %min3A_1369 = arith.minsi %min3A_1352, %reduce_min3A_1368 : i32
    %eq3A_1370 = vector.broadcast %max3A_1317 : f32 to vector<16xf32>
    %eq3A_1371 = arith.cmpf oeq, %get3A_1298, %eq3A_1370 : vector<16xf32>
    %add3A_1372 = arith.constant 48 : i32
    %add3A_1373 = vector.broadcast %add3A_1372 : i32 to vector<16xi32>
    %add3A_1374 = arith.addi %iota3A, %add3A_1373 : vector<16xi32>
    %jit3A_1375 = arith.constant 64 : i32
    %broadcast_in_dim3A_1376 = vector.broadcast %jit3A_1375 : i32 to vector<16xi32>
    %select_n3A_1377 = arith.select %eq3A_1371, %add3A_1374, %broadcast_in_dim3A_1376 : vector<16xi1>, vector<16xi32>
    %reduce_min3A_1378 = arith.constant true
    %reduce_min3A_1379 = vector.broadcast %reduce_min3A_1378 : i1 to vector<16xi1>
    %reduce_min3A_1380 = arith.constant -2147483648 : i32
    %reduce_min3A_1381 = vector.broadcast %reduce_min3A_1380 : i32 to vector<16xi32>
    %reduce_min3A_1382 = arith.xori %select_n3A_1377, %reduce_min3A_1381 : vector<16xi32>
    %reduce_min3A_1383 = tpu.scan <min>, %reduce_min3A_1382 masked %reduce_min3A_1379 : vector<16xi32>, vector<16xi1> -> vector<16xi32>
    %reduce_min3A_1384 = arith.xori %reduce_min3A_1383, %reduce_min3A_1381 : vector<16xi32>
    %reduce_min3A_1385 = vector.extract %reduce_min3A_1384[15] : i32 from vector<16xi32>
    %min3A_1386 = arith.minsi %min3A_1369, %reduce_min3A_1385 : i32
    %add3A_1387 = arith.constant 0 : i32
    %add3A_1388 = vector.broadcast %add3A_1387 : i32 to vector<16xi32>
    %add3A_1389 = arith.addi %iota3A, %add3A_1388 : vector<16xi32>
    %eq3A_1390 = vector.broadcast %min3A_1386 : i32 to vector<16xi32>
    %eq3A_1391 = arith.cmpi eq, %add3A_1389, %eq3A_1390 : vector<16xi32>
    %jit3A_1392 = arith.constant -1.000000e+30 : f32
    %broadcast_in_dim3A_1393 = vector.broadcast %jit3A_1392 : f32 to vector<16xf32>
    %select_n3A_1394 = arith.select %eq3A_1391, %broadcast_in_dim3A_1393, %get3A_1286 : vector<16xi1>, vector<16xf32>
    %reduce_max3A_1395 = arith.constant true
    %reduce_max3A_1396 = vector.broadcast %reduce_max3A_1395 : i1 to vector<16xi1>
    %reduce_max3A_1397 = tpu.scan <max>, %select_n3A_1394 masked %reduce_max3A_1396 : vector<16xf32>, vector<16xi1> -> vector<16xf32>
    %reduce_max3A_1398 = vector.extract %reduce_max3A_1397[15] : f32 from vector<16xf32>
    %max3A_1399 = arith.constant -1.000000e+30 : f32
    %max3A_1400 = arith.maximumf %max3A_1399, %reduce_max3A_1398 : f32
    %add3A_1401 = arith.constant 16 : i32
    %add3A_1402 = vector.broadcast %add3A_1401 : i32 to vector<16xi32>
    %add3A_1403 = arith.addi %iota3A, %add3A_1402 : vector<16xi32>
    %eq3A_1404 = vector.broadcast %min3A_1386 : i32 to vector<16xi32>
    %eq3A_1405 = arith.cmpi eq, %add3A_1403, %eq3A_1404 : vector<16xi32>
    %jit3A_1406 = arith.constant -1.000000e+30 : f32
    %broadcast_in_dim3A_1407 = vector.broadcast %jit3A_1406 : f32 to vector<16xf32>
    %select_n3A_1408 = arith.select %eq3A_1405, %broadcast_in_dim3A_1407, %get3A_1290 : vector<16xi1>, vector<16xf32>
    %reduce_max3A_1409 = arith.constant true
    %reduce_max3A_1410 = vector.broadcast %reduce_max3A_1409 : i1 to vector<16xi1>
    %reduce_max3A_1411 = tpu.scan <max>, %select_n3A_1408 masked %reduce_max3A_1410 : vector<16xf32>, vector<16xi1> -> vector<16xf32>
    %reduce_max3A_1412 = vector.extract %reduce_max3A_1411[15] : f32 from vector<16xf32>
    %max3A_1413 = arith.maximumf %max3A_1400, %reduce_max3A_1412 : f32
    %add3A_1414 = arith.constant 32 : i32
    %add3A_1415 = vector.broadcast %add3A_1414 : i32 to vector<16xi32>
    %add3A_1416 = arith.addi %iota3A, %add3A_1415 : vector<16xi32>
    %eq3A_1417 = vector.broadcast %min3A_1386 : i32 to vector<16xi32>
    %eq3A_1418 = arith.cmpi eq, %add3A_1416, %eq3A_1417 : vector<16xi32>
    %jit3A_1419 = arith.constant -1.000000e+30 : f32
    %broadcast_in_dim3A_1420 = vector.broadcast %jit3A_1419 : f32 to vector<16xf32>
    %select_n3A_1421 = arith.select %eq3A_1418, %broadcast_in_dim3A_1420, %get3A_1294 : vector<16xi1>, vector<16xf32>
    %reduce_max3A_1422 = arith.constant true
    %reduce_max3A_1423 = vector.broadcast %reduce_max3A_1422 : i1 to vector<16xi1>
    %reduce_max3A_1424 = tpu.scan <max>, %select_n3A_1421 masked %reduce_max3A_1423 : vector<16xf32>, vector<16xi1> -> vector<16xf32>
    %reduce_max3A_1425 = vector.extract %reduce_max3A_1424[15] : f32 from vector<16xf32>
    %max3A_1426 = arith.maximumf %max3A_1413, %reduce_max3A_1425 : f32
    %add3A_1427 = arith.constant 48 : i32
    %add3A_1428 = vector.broadcast %add3A_1427 : i32 to vector<16xi32>
    %add3A_1429 = arith.addi %iota3A, %add3A_1428 : vector<16xi32>
    %eq3A_1430 = vector.broadcast %min3A_1386 : i32 to vector<16xi32>
    %eq3A_1431 = arith.cmpi eq, %add3A_1429, %eq3A_1430 : vector<16xi32>
    %jit3A_1432 = arith.constant -1.000000e+30 : f32
    %broadcast_in_dim3A_1433 = vector.broadcast %jit3A_1432 : f32 to vector<16xf32>
    %select_n3A_1434 = arith.select %eq3A_1431, %broadcast_in_dim3A_1433, %get3A_1298 : vector<16xi1>, vector<16xf32>
    %reduce_max3A_1435 = arith.constant true
    %reduce_max3A_1436 = vector.broadcast %reduce_max3A_1435 : i1 to vector<16xi1>
    %reduce_max3A_1437 = tpu.scan <max>, %select_n3A_1434 masked %reduce_max3A_1436 : vector<16xf32>, vector<16xi1> -> vector<16xf32>
    %reduce_max3A_1438 = vector.extract %reduce_max3A_1437[15] : f32 from vector<16xf32>
    %max3A_1439 = arith.maximumf %max3A_1426, %reduce_max3A_1438 : f32
    %eq3A_1440 = vector.broadcast %max3A_1439 : f32 to vector<16xf32>
    %eq3A_1441 = arith.cmpf oeq, %select_n3A_1394, %eq3A_1440 : vector<16xf32>
    %add3A_1442 = arith.constant 0 : i32
    %add3A_1443 = vector.broadcast %add3A_1442 : i32 to vector<16xi32>
    %add3A_1444 = arith.addi %iota3A, %add3A_1443 : vector<16xi32>
    %jit3A_1445 = arith.constant 64 : i32
    %broadcast_in_dim3A_1446 = vector.broadcast %jit3A_1445 : i32 to vector<16xi32>
    %select_n3A_1447 = arith.select %eq3A_1441, %add3A_1444, %broadcast_in_dim3A_1446 : vector<16xi1>, vector<16xi32>
    %reduce_min3A_1448 = arith.constant true
    %reduce_min3A_1449 = vector.broadcast %reduce_min3A_1448 : i1 to vector<16xi1>
    %reduce_min3A_1450 = arith.constant -2147483648 : i32
    %reduce_min3A_1451 = vector.broadcast %reduce_min3A_1450 : i32 to vector<16xi32>
    %reduce_min3A_1452 = arith.xori %select_n3A_1447, %reduce_min3A_1451 : vector<16xi32>
    %reduce_min3A_1453 = tpu.scan <min>, %reduce_min3A_1452 masked %reduce_min3A_1449 : vector<16xi32>, vector<16xi1> -> vector<16xi32>
    %reduce_min3A_1454 = arith.xori %reduce_min3A_1453, %reduce_min3A_1451 : vector<16xi32>
    %reduce_min3A_1455 = vector.extract %reduce_min3A_1454[15] : i32 from vector<16xi32>
    %min3A_1456 = arith.constant 64 : i32
    %min3A_1457 = arith.minsi %min3A_1456, %reduce_min3A_1455 : i32
    %eq3A_1458 = vector.broadcast %max3A_1439 : f32 to vector<16xf32>
    %eq3A_1459 = arith.cmpf oeq, %select_n3A_1408, %eq3A_1458 : vector<16xf32>
    %add3A_1460 = arith.constant 16 : i32
    %add3A_1461 = vector.broadcast %add3A_1460 : i32 to vector<16xi32>
    %add3A_1462 = arith.addi %iota3A, %add3A_1461 : vector<16xi32>
    %jit3A_1463 = arith.constant 64 : i32
    %broadcast_in_dim3A_1464 = vector.broadcast %jit3A_1463 : i32 to vector<16xi32>
    %select_n3A_1465 = arith.select %eq3A_1459, %add3A_1462, %broadcast_in_dim3A_1464 : vector<16xi1>, vector<16xi32>
    %reduce_min3A_1466 = arith.constant true
    %reduce_min3A_1467 = vector.broadcast %reduce_min3A_1466 : i1 to vector<16xi1>
    %reduce_min3A_1468 = arith.constant -2147483648 : i32
    %reduce_min3A_1469 = vector.broadcast %reduce_min3A_1468 : i32 to vector<16xi32>
    %reduce_min3A_1470 = arith.xori %select_n3A_1465, %reduce_min3A_1469 : vector<16xi32>
    %reduce_min3A_1471 = tpu.scan <min>, %reduce_min3A_1470 masked %reduce_min3A_1467 : vector<16xi32>, vector<16xi1> -> vector<16xi32>
    %reduce_min3A_1472 = arith.xori %reduce_min3A_1471, %reduce_min3A_1469 : vector<16xi32>
    %reduce_min3A_1473 = vector.extract %reduce_min3A_1472[15] : i32 from vector<16xi32>
    %min3A_1474 = arith.minsi %min3A_1457, %reduce_min3A_1473 : i32
    %eq3A_1475 = vector.broadcast %max3A_1439 : f32 to vector<16xf32>
    %eq3A_1476 = arith.cmpf oeq, %select_n3A_1421, %eq3A_1475 : vector<16xf32>
    %add3A_1477 = arith.constant 32 : i32
    %add3A_1478 = vector.broadcast %add3A_1477 : i32 to vector<16xi32>
    %add3A_1479 = arith.addi %iota3A, %add3A_1478 : vector<16xi32>
    %jit3A_1480 = arith.constant 64 : i32
    %broadcast_in_dim3A_1481 = vector.broadcast %jit3A_1480 : i32 to vector<16xi32>
    %select_n3A_1482 = arith.select %eq3A_1476, %add3A_1479, %broadcast_in_dim3A_1481 : vector<16xi1>, vector<16xi32>
    %reduce_min3A_1483 = arith.constant true
    %reduce_min3A_1484 = vector.broadcast %reduce_min3A_1483 : i1 to vector<16xi1>
    %reduce_min3A_1485 = arith.constant -2147483648 : i32
    %reduce_min3A_1486 = vector.broadcast %reduce_min3A_1485 : i32 to vector<16xi32>
    %reduce_min3A_1487 = arith.xori %select_n3A_1482, %reduce_min3A_1486 : vector<16xi32>
    %reduce_min3A_1488 = tpu.scan <min>, %reduce_min3A_1487 masked %reduce_min3A_1484 : vector<16xi32>, vector<16xi1> -> vector<16xi32>
    %reduce_min3A_1489 = arith.xori %reduce_min3A_1488, %reduce_min3A_1486 : vector<16xi32>
    %reduce_min3A_1490 = vector.extract %reduce_min3A_1489[15] : i32 from vector<16xi32>
    %min3A_1491 = arith.minsi %min3A_1474, %reduce_min3A_1490 : i32
    %eq3A_1492 = vector.broadcast %max3A_1439 : f32 to vector<16xf32>
    %eq3A_1493 = arith.cmpf oeq, %select_n3A_1434, %eq3A_1492 : vector<16xf32>
    %add3A_1494 = arith.constant 48 : i32
    %add3A_1495 = vector.broadcast %add3A_1494 : i32 to vector<16xi32>
    %add3A_1496 = arith.addi %iota3A, %add3A_1495 : vector<16xi32>
    %jit3A_1497 = arith.constant 64 : i32
    %broadcast_in_dim3A_1498 = vector.broadcast %jit3A_1497 : i32 to vector<16xi32>
    %select_n3A_1499 = arith.select %eq3A_1493, %add3A_1496, %broadcast_in_dim3A_1498 : vector<16xi1>, vector<16xi32>
    %reduce_min3A_1500 = arith.constant true
    %reduce_min3A_1501 = vector.broadcast %reduce_min3A_1500 : i1 to vector<16xi1>
    %reduce_min3A_1502 = arith.constant -2147483648 : i32
    %reduce_min3A_1503 = vector.broadcast %reduce_min3A_1502 : i32 to vector<16xi32>
    %reduce_min3A_1504 = arith.xori %select_n3A_1499, %reduce_min3A_1503 : vector<16xi32>
    %reduce_min3A_1505 = tpu.scan <min>, %reduce_min3A_1504 masked %reduce_min3A_1501 : vector<16xi32>, vector<16xi1> -> vector<16xi32>
    %reduce_min3A_1506 = arith.xori %reduce_min3A_1505, %reduce_min3A_1503 : vector<16xi32>
    %reduce_min3A_1507 = vector.extract %reduce_min3A_1506[15] : i32 from vector<16xi32>
    %min3A_1508 = arith.minsi %min3A_1491, %reduce_min3A_1507 : i32
    %eq3A_1509 = arith.constant 0 : i32
    %eq3A_1510 = vector.broadcast %eq3A_1509 : i32 to vector<16xi32>
    %eq3A_1511 = arith.cmpi eq, %iota3A, %eq3A_1510 : vector<16xi32>
    %eq3A_1512 = arith.constant 1 : i32
    %eq3A_1513 = vector.broadcast %eq3A_1512 : i32 to vector<16xi32>
    %eq3A_1514 = arith.cmpi eq, %iota3A, %eq3A_1513 : vector<16xi32>
    %jit3A_1515 = arith.constant 0 : i32
    %broadcast_in_dim3A_1516 = vector.broadcast %min3A_1508 : i32 to vector<16xi32>
    %broadcast_in_dim3A_1517 = vector.broadcast %jit3A_1515 : i32 to vector<16xi32>
    %select_n3A_1518 = arith.select %eq3A_1514, %broadcast_in_dim3A_1516, %broadcast_in_dim3A_1517 : vector<16xi1>, vector<16xi32>
    %broadcast_in_dim3A_1519 = vector.broadcast %min3A_1386 : i32 to vector<16xi32>
    %select_n3A_1520 = arith.select %eq3A_1511, %broadcast_in_dim3A_1519, %select_n3A_1518 : vector<16xi1>, vector<16xi32>
    %swap3A_1521 = arith.constant 5 : i32
    %swap3A_1522 = arith.index_cast %swap3A_1521 : i32 to index
    %swap3A_1523 = arith.constant 0 : index
    %swap3A_1524 = tpu.vector_load %arg6[%swap3A_1522, %swap3A_1523] {strides = array<i32>} : memref<8x16xi32, #tpu.memory_space<vmem>>, vector<16xi32>,
    tpu.vector_store %arg6[%swap3A_1522, %swap3A_1523], %select_n3A_1520 {strides = array<i32>} : memref<8x16xi32, #tpu.memory_space<vmem>>, vector<16xi32>,
    %eq3A_1525 = arith.constant 0 : i32
    %eq3A_1526 = vector.broadcast %eq3A_1525 : i32 to vector<16xi32>
    %eq3A_1527 = arith.cmpi eq, %iota3A, %eq3A_1526 : vector<16xi32>
    %eq3A_1528 = arith.constant 1 : i32
    %eq3A_1529 = vector.broadcast %eq3A_1528 : i32 to vector<16xi32>
    %eq3A_1530 = arith.cmpi eq, %iota3A, %eq3A_1529 : vector<16xi32>
    %jit3A_1531 = arith.constant 0.000000e+00 : f32
    %broadcast_in_dim3A_1532 = vector.broadcast %max3A_1439 : f32 to vector<16xf32>
    %broadcast_in_dim3A_1533 = vector.broadcast %jit3A_1531 : f32 to vector<16xf32>
    %select_n3A_1534 = arith.select %eq3A_1530, %broadcast_in_dim3A_1532, %broadcast_in_dim3A_1533 : vector<16xi1>, vector<16xf32>
    %broadcast_in_dim3A_1535 = vector.broadcast %max3A_1317 : f32 to vector<16xf32>
    %select_n3A_1536 = arith.select %eq3A_1527, %broadcast_in_dim3A_1535, %select_n3A_1534 : vector<16xi1>, vector<16xf32>
    %swap3A_1537 = arith.constant 5 : i32
    %swap3A_1538 = arith.index_cast %swap3A_1537 : i32 to index
    %swap3A_1539 = arith.constant 0 : index
    %swap3A_1540 = tpu.vector_load %arg7[%swap3A_1538, %swap3A_1539] {strides = array<i32>} : memref<8x16xf32, #tpu.memory_space<vmem>>, vector<16xf32>,
    tpu.vector_store %arg7[%swap3A_1538, %swap3A_1539], %select_n3A_1536 {strides = array<i32>} : memref<8x16xf32, #tpu.memory_space<vmem>>, vector<16xf32>,
    %get3A_1541 = arith.constant 6 : i32
    %get3A_1542 = arith.index_cast %get3A_1541 : i32 to index
    %get3A_1543 = arith.constant 0 : index
    %get3A_1544 = tpu.vector_load %arg5[%get3A_1542, %get3A_1543] {strides = array<i32>} : memref<8x64xf32, #tpu.memory_space<vmem>>, vector<16xf32>,
    %get3A_1545 = arith.constant 6 : i32
    %get3A_1546 = arith.index_cast %get3A_1545 : i32 to index
    %get3A_1547 = arith.constant 16 : index
    %get3A_1548 = tpu.vector_load %arg5[%get3A_1546, %get3A_1547] {strides = array<i32>} : memref<8x64xf32, #tpu.memory_space<vmem>>, vector<16xf32>,
    %get3A_1549 = arith.constant 6 : i32
    %get3A_1550 = arith.index_cast %get3A_1549 : i32 to index
    %get3A_1551 = arith.constant 32 : index
    %get3A_1552 = tpu.vector_load %arg5[%get3A_1550, %get3A_1551] {strides = array<i32>} : memref<8x64xf32, #tpu.memory_space<vmem>>, vector<16xf32>,
    %get3A_1553 = arith.constant 6 : i32
    %get3A_1554 = arith.index_cast %get3A_1553 : i32 to index
    %get3A_1555 = arith.constant 48 : index
    %get3A_1556 = tpu.vector_load %arg5[%get3A_1554, %get3A_1555] {strides = array<i32>} : memref<8x64xf32, #tpu.memory_space<vmem>>, vector<16xf32>,
    %reduce_max3A_1557 = arith.constant true
    %reduce_max3A_1558 = vector.broadcast %reduce_max3A_1557 : i1 to vector<16xi1>
    %reduce_max3A_1559 = tpu.scan <max>, %get3A_1544 masked %reduce_max3A_1558 : vector<16xf32>, vector<16xi1> -> vector<16xf32>
    %reduce_max3A_1560 = vector.extract %reduce_max3A_1559[15] : f32 from vector<16xf32>
    %reduce_max3A_1561 = arith.constant true
    %reduce_max3A_1562 = vector.broadcast %reduce_max3A_1561 : i1 to vector<16xi1>
    %reduce_max3A_1563 = tpu.scan <max>, %get3A_1548 masked %reduce_max3A_1562 : vector<16xf32>, vector<16xi1> -> vector<16xf32>
    %reduce_max3A_1564 = vector.extract %reduce_max3A_1563[15] : f32 from vector<16xf32>
    %max3A_1565 = arith.maximumf %reduce_max3A_1560, %reduce_max3A_1564 : f32
    %reduce_max3A_1566 = arith.constant true
    %reduce_max3A_1567 = vector.broadcast %reduce_max3A_1566 : i1 to vector<16xi1>
    %reduce_max3A_1568 = tpu.scan <max>, %get3A_1552 masked %reduce_max3A_1567 : vector<16xf32>, vector<16xi1> -> vector<16xf32>
    %reduce_max3A_1569 = vector.extract %reduce_max3A_1568[15] : f32 from vector<16xf32>
    %max3A_1570 = arith.maximumf %max3A_1565, %reduce_max3A_1569 : f32
    %reduce_max3A_1571 = arith.constant true
    %reduce_max3A_1572 = vector.broadcast %reduce_max3A_1571 : i1 to vector<16xi1>
    %reduce_max3A_1573 = tpu.scan <max>, %get3A_1556 masked %reduce_max3A_1572 : vector<16xf32>, vector<16xi1> -> vector<16xf32>
    %reduce_max3A_1574 = vector.extract %reduce_max3A_1573[15] : f32 from vector<16xf32>
    %max3A_1575 = arith.maximumf %max3A_1570, %reduce_max3A_1574 : f32
    %eq3A_1576 = vector.broadcast %max3A_1575 : f32 to vector<16xf32>
    %eq3A_1577 = arith.cmpf oeq, %get3A_1544, %eq3A_1576 : vector<16xf32>
    %add3A_1578 = arith.constant 0 : i32
    %add3A_1579 = vector.broadcast %add3A_1578 : i32 to vector<16xi32>
    %add3A_1580 = arith.addi %iota3A, %add3A_1579 : vector<16xi32>
    %jit3A_1581 = arith.constant 64 : i32
    %broadcast_in_dim3A_1582 = vector.broadcast %jit3A_1581 : i32 to vector<16xi32>
    %select_n3A_1583 = arith.select %eq3A_1577, %add3A_1580, %broadcast_in_dim3A_1582 : vector<16xi1>, vector<16xi32>
    %reduce_min3A_1584 = arith.constant true
    %reduce_min3A_1585 = vector.broadcast %reduce_min3A_1584 : i1 to vector<16xi1>
    %reduce_min3A_1586 = arith.constant -2147483648 : i32
    %reduce_min3A_1587 = vector.broadcast %reduce_min3A_1586 : i32 to vector<16xi32>
    %reduce_min3A_1588 = arith.xori %select_n3A_1583, %reduce_min3A_1587 : vector<16xi32>
    %reduce_min3A_1589 = tpu.scan <min>, %reduce_min3A_1588 masked %reduce_min3A_1585 : vector<16xi32>, vector<16xi1> -> vector<16xi32>
    %reduce_min3A_1590 = arith.xori %reduce_min3A_1589, %reduce_min3A_1587 : vector<16xi32>
    %reduce_min3A_1591 = vector.extract %reduce_min3A_1590[15] : i32 from vector<16xi32>
    %min3A_1592 = arith.constant 64 : i32
    %min3A_1593 = arith.minsi %min3A_1592, %reduce_min3A_1591 : i32
    %eq3A_1594 = vector.broadcast %max3A_1575 : f32 to vector<16xf32>
    %eq3A_1595 = arith.cmpf oeq, %get3A_1548, %eq3A_1594 : vector<16xf32>
    %add3A_1596 = arith.constant 16 : i32
    %add3A_1597 = vector.broadcast %add3A_1596 : i32 to vector<16xi32>
    %add3A_1598 = arith.addi %iota3A, %add3A_1597 : vector<16xi32>
    %jit3A_1599 = arith.constant 64 : i32
    %broadcast_in_dim3A_1600 = vector.broadcast %jit3A_1599 : i32 to vector<16xi32>
    %select_n3A_1601 = arith.select %eq3A_1595, %add3A_1598, %broadcast_in_dim3A_1600 : vector<16xi1>, vector<16xi32>
    %reduce_min3A_1602 = arith.constant true
    %reduce_min3A_1603 = vector.broadcast %reduce_min3A_1602 : i1 to vector<16xi1>
    %reduce_min3A_1604 = arith.constant -2147483648 : i32
    %reduce_min3A_1605 = vector.broadcast %reduce_min3A_1604 : i32 to vector<16xi32>
    %reduce_min3A_1606 = arith.xori %select_n3A_1601, %reduce_min3A_1605 : vector<16xi32>
    %reduce_min3A_1607 = tpu.scan <min>, %reduce_min3A_1606 masked %reduce_min3A_1603 : vector<16xi32>, vector<16xi1> -> vector<16xi32>
    %reduce_min3A_1608 = arith.xori %reduce_min3A_1607, %reduce_min3A_1605 : vector<16xi32>
    %reduce_min3A_1609 = vector.extract %reduce_min3A_1608[15] : i32 from vector<16xi32>
    %min3A_1610 = arith.minsi %min3A_1593, %reduce_min3A_1609 : i32
    %eq3A_1611 = vector.broadcast %max3A_1575 : f32 to vector<16xf32>
    %eq3A_1612 = arith.cmpf oeq, %get3A_1552, %eq3A_1611 : vector<16xf32>
    %add3A_1613 = arith.constant 32 : i32
    %add3A_1614 = vector.broadcast %add3A_1613 : i32 to vector<16xi32>
    %add3A_1615 = arith.addi %iota3A, %add3A_1614 : vector<16xi32>
    %jit3A_1616 = arith.constant 64 : i32
    %broadcast_in_dim3A_1617 = vector.broadcast %jit3A_1616 : i32 to vector<16xi32>
    %select_n3A_1618 = arith.select %eq3A_1612, %add3A_1615, %broadcast_in_dim3A_1617 : vector<16xi1>, vector<16xi32>
    %reduce_min3A_1619 = arith.constant true
    %reduce_min3A_1620 = vector.broadcast %reduce_min3A_1619 : i1 to vector<16xi1>
    %reduce_min3A_1621 = arith.constant -2147483648 : i32
    %reduce_min3A_1622 = vector.broadcast %reduce_min3A_1621 : i32 to vector<16xi32>
    %reduce_min3A_1623 = arith.xori %select_n3A_1618, %reduce_min3A_1622 : vector<16xi32>
    %reduce_min3A_1624 = tpu.scan <min>, %reduce_min3A_1623 masked %reduce_min3A_1620 : vector<16xi32>, vector<16xi1> -> vector<16xi32>
    %reduce_min3A_1625 = arith.xori %reduce_min3A_1624, %reduce_min3A_1622 : vector<16xi32>
    %reduce_min3A_1626 = vector.extract %reduce_min3A_1625[15] : i32 from vector<16xi32>
    %min3A_1627 = arith.minsi %min3A_1610, %reduce_min3A_1626 : i32
    %eq3A_1628 = vector.broadcast %max3A_1575 : f32 to vector<16xf32>
    %eq3A_1629 = arith.cmpf oeq, %get3A_1556, %eq3A_1628 : vector<16xf32>
    %add3A_1630 = arith.constant 48 : i32
    %add3A_1631 = vector.broadcast %add3A_1630 : i32 to vector<16xi32>
    %add3A_1632 = arith.addi %iota3A, %add3A_1631 : vector<16xi32>
    %jit3A_1633 = arith.constant 64 : i32
    %broadcast_in_dim3A_1634 = vector.broadcast %jit3A_1633 : i32 to vector<16xi32>
    %select_n3A_1635 = arith.select %eq3A_1629, %add3A_1632, %broadcast_in_dim3A_1634 : vector<16xi1>, vector<16xi32>
    %reduce_min3A_1636 = arith.constant true
    %reduce_min3A_1637 = vector.broadcast %reduce_min3A_1636 : i1 to vector<16xi1>
    %reduce_min3A_1638 = arith.constant -2147483648 : i32
    %reduce_min3A_1639 = vector.broadcast %reduce_min3A_1638 : i32 to vector<16xi32>
    %reduce_min3A_1640 = arith.xori %select_n3A_1635, %reduce_min3A_1639 : vector<16xi32>
    %reduce_min3A_1641 = tpu.scan <min>, %reduce_min3A_1640 masked %reduce_min3A_1637 : vector<16xi32>, vector<16xi1> -> vector<16xi32>
    %reduce_min3A_1642 = arith.xori %reduce_min3A_1641, %reduce_min3A_1639 : vector<16xi32>
    %reduce_min3A_1643 = vector.extract %reduce_min3A_1642[15] : i32 from vector<16xi32>
    %min3A_1644 = arith.minsi %min3A_1627, %reduce_min3A_1643 : i32
    %add3A_1645 = arith.constant 0 : i32
    %add3A_1646 = vector.broadcast %add3A_1645 : i32 to vector<16xi32>
    %add3A_1647 = arith.addi %iota3A, %add3A_1646 : vector<16xi32>
    %eq3A_1648 = vector.broadcast %min3A_1644 : i32 to vector<16xi32>
    %eq3A_1649 = arith.cmpi eq, %add3A_1647, %eq3A_1648 : vector<16xi32>
    %jit3A_1650 = arith.constant -1.000000e+30 : f32
    %broadcast_in_dim3A_1651 = vector.broadcast %jit3A_1650 : f32 to vector<16xf32>
    %select_n3A_1652 = arith.select %eq3A_1649, %broadcast_in_dim3A_1651, %get3A_1544 : vector<16xi1>, vector<16xf32>
    %reduce_max3A_1653 = arith.constant true
    %reduce_max3A_1654 = vector.broadcast %reduce_max3A_1653 : i1 to vector<16xi1>
    %reduce_max3A_1655 = tpu.scan <max>, %select_n3A_1652 masked %reduce_max3A_1654 : vector<16xf32>, vector<16xi1> -> vector<16xf32>
    %reduce_max3A_1656 = vector.extract %reduce_max3A_1655[15] : f32 from vector<16xf32>
    %max3A_1657 = arith.constant -1.000000e+30 : f32
    %max3A_1658 = arith.maximumf %max3A_1657, %reduce_max3A_1656 : f32
    %add3A_1659 = arith.constant 16 : i32
    %add3A_1660 = vector.broadcast %add3A_1659 : i32 to vector<16xi32>
    %add3A_1661 = arith.addi %iota3A, %add3A_1660 : vector<16xi32>
    %eq3A_1662 = vector.broadcast %min3A_1644 : i32 to vector<16xi32>
    %eq3A_1663 = arith.cmpi eq, %add3A_1661, %eq3A_1662 : vector<16xi32>
    %jit3A_1664 = arith.constant -1.000000e+30 : f32
    %broadcast_in_dim3A_1665 = vector.broadcast %jit3A_1664 : f32 to vector<16xf32>
    %select_n3A_1666 = arith.select %eq3A_1663, %broadcast_in_dim3A_1665, %get3A_1548 : vector<16xi1>, vector<16xf32>
    %reduce_max3A_1667 = arith.constant true
    %reduce_max3A_1668 = vector.broadcast %reduce_max3A_1667 : i1 to vector<16xi1>
    %reduce_max3A_1669 = tpu.scan <max>, %select_n3A_1666 masked %reduce_max3A_1668 : vector<16xf32>, vector<16xi1> -> vector<16xf32>
    %reduce_max3A_1670 = vector.extract %reduce_max3A_1669[15] : f32 from vector<16xf32>
    %max3A_1671 = arith.maximumf %max3A_1658, %reduce_max3A_1670 : f32
    %add3A_1672 = arith.constant 32 : i32
    %add3A_1673 = vector.broadcast %add3A_1672 : i32 to vector<16xi32>
    %add3A_1674 = arith.addi %iota3A, %add3A_1673 : vector<16xi32>
    %eq3A_1675 = vector.broadcast %min3A_1644 : i32 to vector<16xi32>
    %eq3A_1676 = arith.cmpi eq, %add3A_1674, %eq3A_1675 : vector<16xi32>
    %jit3A_1677 = arith.constant -1.000000e+30 : f32
    %broadcast_in_dim3A_1678 = vector.broadcast %jit3A_1677 : f32 to vector<16xf32>
    %select_n3A_1679 = arith.select %eq3A_1676, %broadcast_in_dim3A_1678, %get3A_1552 : vector<16xi1>, vector<16xf32>
    %reduce_max3A_1680 = arith.constant true
    %reduce_max3A_1681 = vector.broadcast %reduce_max3A_1680 : i1 to vector<16xi1>
    %reduce_max3A_1682 = tpu.scan <max>, %select_n3A_1679 masked %reduce_max3A_1681 : vector<16xf32>, vector<16xi1> -> vector<16xf32>
    %reduce_max3A_1683 = vector.extract %reduce_max3A_1682[15] : f32 from vector<16xf32>
    %max3A_1684 = arith.maximumf %max3A_1671, %reduce_max3A_1683 : f32
    %add3A_1685 = arith.constant 48 : i32
    %add3A_1686 = vector.broadcast %add3A_1685 : i32 to vector<16xi32>
    %add3A_1687 = arith.addi %iota3A, %add3A_1686 : vector<16xi32>
    %eq3A_1688 = vector.broadcast %min3A_1644 : i32 to vector<16xi32>
    %eq3A_1689 = arith.cmpi eq, %add3A_1687, %eq3A_1688 : vector<16xi32>
    %jit3A_1690 = arith.constant -1.000000e+30 : f32
    %broadcast_in_dim3A_1691 = vector.broadcast %jit3A_1690 : f32 to vector<16xf32>
    %select_n3A_1692 = arith.select %eq3A_1689, %broadcast_in_dim3A_1691, %get3A_1556 : vector<16xi1>, vector<16xf32>
    %reduce_max3A_1693 = arith.constant true
    %reduce_max3A_1694 = vector.broadcast %reduce_max3A_1693 : i1 to vector<16xi1>
    %reduce_max3A_1695 = tpu.scan <max>, %select_n3A_1692 masked %reduce_max3A_1694 : vector<16xf32>, vector<16xi1> -> vector<16xf32>
    %reduce_max3A_1696 = vector.extract %reduce_max3A_1695[15] : f32 from vector<16xf32>
    %max3A_1697 = arith.maximumf %max3A_1684, %reduce_max3A_1696 : f32
    %eq3A_1698 = vector.broadcast %max3A_1697 : f32 to vector<16xf32>
    %eq3A_1699 = arith.cmpf oeq, %select_n3A_1652, %eq3A_1698 : vector<16xf32>
    %add3A_1700 = arith.constant 0 : i32
    %add3A_1701 = vector.broadcast %add3A_1700 : i32 to vector<16xi32>
    %add3A_1702 = arith.addi %iota3A, %add3A_1701 : vector<16xi32>
    %jit3A_1703 = arith.constant 64 : i32
    %broadcast_in_dim3A_1704 = vector.broadcast %jit3A_1703 : i32 to vector<16xi32>
    %select_n3A_1705 = arith.select %eq3A_1699, %add3A_1702, %broadcast_in_dim3A_1704 : vector<16xi1>, vector<16xi32>
    %reduce_min3A_1706 = arith.constant true
    %reduce_min3A_1707 = vector.broadcast %reduce_min3A_1706 : i1 to vector<16xi1>
    %reduce_min3A_1708 = arith.constant -2147483648 : i32
    %reduce_min3A_1709 = vector.broadcast %reduce_min3A_1708 : i32 to vector<16xi32>
    %reduce_min3A_1710 = arith.xori %select_n3A_1705, %reduce_min3A_1709 : vector<16xi32>
    %reduce_min3A_1711 = tpu.scan <min>, %reduce_min3A_1710 masked %reduce_min3A_1707 : vector<16xi32>, vector<16xi1> -> vector<16xi32>
    %reduce_min3A_1712 = arith.xori %reduce_min3A_1711, %reduce_min3A_1709 : vector<16xi32>
    %reduce_min3A_1713 = vector.extract %reduce_min3A_1712[15] : i32 from vector<16xi32>
    %min3A_1714 = arith.constant 64 : i32
    %min3A_1715 = arith.minsi %min3A_1714, %reduce_min3A_1713 : i32
    %eq3A_1716 = vector.broadcast %max3A_1697 : f32 to vector<16xf32>
    %eq3A_1717 = arith.cmpf oeq, %select_n3A_1666, %eq3A_1716 : vector<16xf32>
    %add3A_1718 = arith.constant 16 : i32
    %add3A_1719 = vector.broadcast %add3A_1718 : i32 to vector<16xi32>
    %add3A_1720 = arith.addi %iota3A, %add3A_1719 : vector<16xi32>
    %jit3A_1721 = arith.constant 64 : i32
    %broadcast_in_dim3A_1722 = vector.broadcast %jit3A_1721 : i32 to vector<16xi32>
    %select_n3A_1723 = arith.select %eq3A_1717, %add3A_1720, %broadcast_in_dim3A_1722 : vector<16xi1>, vector<16xi32>
    %reduce_min3A_1724 = arith.constant true
    %reduce_min3A_1725 = vector.broadcast %reduce_min3A_1724 : i1 to vector<16xi1>
    %reduce_min3A_1726 = arith.constant -2147483648 : i32
    %reduce_min3A_1727 = vector.broadcast %reduce_min3A_1726 : i32 to vector<16xi32>
    %reduce_min3A_1728 = arith.xori %select_n3A_1723, %reduce_min3A_1727 : vector<16xi32>
    %reduce_min3A_1729 = tpu.scan <min>, %reduce_min3A_1728 masked %reduce_min3A_1725 : vector<16xi32>, vector<16xi1> -> vector<16xi32>
    %reduce_min3A_1730 = arith.xori %reduce_min3A_1729, %reduce_min3A_1727 : vector<16xi32>
    %reduce_min3A_1731 = vector.extract %reduce_min3A_1730[15] : i32 from vector<16xi32>
    %min3A_1732 = arith.minsi %min3A_1715, %reduce_min3A_1731 : i32
    %eq3A_1733 = vector.broadcast %max3A_1697 : f32 to vector<16xf32>
    %eq3A_1734 = arith.cmpf oeq, %select_n3A_1679, %eq3A_1733 : vector<16xf32>
    %add3A_1735 = arith.constant 32 : i32
    %add3A_1736 = vector.broadcast %add3A_1735 : i32 to vector<16xi32>
    %add3A_1737 = arith.addi %iota3A, %add3A_1736 : vector<16xi32>
    %jit3A_1738 = arith.constant 64 : i32
    %broadcast_in_dim3A_1739 = vector.broadcast %jit3A_1738 : i32 to vector<16xi32>
    %select_n3A_1740 = arith.select %eq3A_1734, %add3A_1737, %broadcast_in_dim3A_1739 : vector<16xi1>, vector<16xi32>
    %reduce_min3A_1741 = arith.constant true
    %reduce_min3A_1742 = vector.broadcast %reduce_min3A_1741 : i1 to vector<16xi1>
    %reduce_min3A_1743 = arith.constant -2147483648 : i32
    %reduce_min3A_1744 = vector.broadcast %reduce_min3A_1743 : i32 to vector<16xi32>
    %reduce_min3A_1745 = arith.xori %select_n3A_1740, %reduce_min3A_1744 : vector<16xi32>
    %reduce_min3A_1746 = tpu.scan <min>, %reduce_min3A_1745 masked %reduce_min3A_1742 : vector<16xi32>, vector<16xi1> -> vector<16xi32>
    %reduce_min3A_1747 = arith.xori %reduce_min3A_1746, %reduce_min3A_1744 : vector<16xi32>
    %reduce_min3A_1748 = vector.extract %reduce_min3A_1747[15] : i32 from vector<16xi32>
    %min3A_1749 = arith.minsi %min3A_1732, %reduce_min3A_1748 : i32
    %eq3A_1750 = vector.broadcast %max3A_1697 : f32 to vector<16xf32>
    %eq3A_1751 = arith.cmpf oeq, %select_n3A_1692, %eq3A_1750 : vector<16xf32>
    %add3A_1752 = arith.constant 48 : i32
    %add3A_1753 = vector.broadcast %add3A_1752 : i32 to vector<16xi32>
    %add3A_1754 = arith.addi %iota3A, %add3A_1753 : vector<16xi32>
    %jit3A_1755 = arith.constant 64 : i32
    %broadcast_in_dim3A_1756 = vector.broadcast %jit3A_1755 : i32 to vector<16xi32>
    %select_n3A_1757 = arith.select %eq3A_1751, %add3A_1754, %broadcast_in_dim3A_1756 : vector<16xi1>, vector<16xi32>
    %reduce_min3A_1758 = arith.constant true
    %reduce_min3A_1759 = vector.broadcast %reduce_min3A_1758 : i1 to vector<16xi1>
    %reduce_min3A_1760 = arith.constant -2147483648 : i32
    %reduce_min3A_1761 = vector.broadcast %reduce_min3A_1760 : i32 to vector<16xi32>
    %reduce_min3A_1762 = arith.xori %select_n3A_1757, %reduce_min3A_1761 : vector<16xi32>
    %reduce_min3A_1763 = tpu.scan <min>, %reduce_min3A_1762 masked %reduce_min3A_1759 : vector<16xi32>, vector<16xi1> -> vector<16xi32>
    %reduce_min3A_1764 = arith.xori %reduce_min3A_1763, %reduce_min3A_1761 : vector<16xi32>
    %reduce_min3A_1765 = vector.extract %reduce_min3A_1764[15] : i32 from vector<16xi32>
    %min3A_1766 = arith.minsi %min3A_1749, %reduce_min3A_1765 : i32
    %eq3A_1767 = arith.constant 0 : i32
    %eq3A_1768 = vector.broadcast %eq3A_1767 : i32 to vector<16xi32>
    %eq3A_1769 = arith.cmpi eq, %iota3A, %eq3A_1768 : vector<16xi32>
    %eq3A_1770 = arith.constant 1 : i32
    %eq3A_1771 = vector.broadcast %eq3A_1770 : i32 to vector<16xi32>
    %eq3A_1772 = arith.cmpi eq, %iota3A, %eq3A_1771 : vector<16xi32>
    %jit3A_1773 = arith.constant 0 : i32
    %broadcast_in_dim3A_1774 = vector.broadcast %min3A_1766 : i32 to vector<16xi32>
    %broadcast_in_dim3A_1775 = vector.broadcast %jit3A_1773 : i32 to vector<16xi32>
    %select_n3A_1776 = arith.select %eq3A_1772, %broadcast_in_dim3A_1774, %broadcast_in_dim3A_1775 : vector<16xi1>, vector<16xi32>
    %broadcast_in_dim3A_1777 = vector.broadcast %min3A_1644 : i32 to vector<16xi32>
    %select_n3A_1778 = arith.select %eq3A_1769, %broadcast_in_dim3A_1777, %select_n3A_1776 : vector<16xi1>, vector<16xi32>
    %swap3A_1779 = arith.constant 6 : i32
    %swap3A_1780 = arith.index_cast %swap3A_1779 : i32 to index
    %swap3A_1781 = arith.constant 0 : index
    %swap3A_1782 = tpu.vector_load %arg6[%swap3A_1780, %swap3A_1781] {strides = array<i32>} : memref<8x16xi32, #tpu.memory_space<vmem>>, vector<16xi32>,
    tpu.vector_store %arg6[%swap3A_1780, %swap3A_1781], %select_n3A_1778 {strides = array<i32>} : memref<8x16xi32, #tpu.memory_space<vmem>>, vector<16xi32>,
    %eq3A_1783 = arith.constant 0 : i32
    %eq3A_1784 = vector.broadcast %eq3A_1783 : i32 to vector<16xi32>
    %eq3A_1785 = arith.cmpi eq, %iota3A, %eq3A_1784 : vector<16xi32>
    %eq3A_1786 = arith.constant 1 : i32
    %eq3A_1787 = vector.broadcast %eq3A_1786 : i32 to vector<16xi32>
    %eq3A_1788 = arith.cmpi eq, %iota3A, %eq3A_1787 : vector<16xi32>
    %jit3A_1789 = arith.constant 0.000000e+00 : f32
    %broadcast_in_dim3A_1790 = vector.broadcast %max3A_1697 : f32 to vector<16xf32>
    %broadcast_in_dim3A_1791 = vector.broadcast %jit3A_1789 : f32 to vector<16xf32>
    %select_n3A_1792 = arith.select %eq3A_1788, %broadcast_in_dim3A_1790, %broadcast_in_dim3A_1791 : vector<16xi1>, vector<16xf32>
    %broadcast_in_dim3A_1793 = vector.broadcast %max3A_1575 : f32 to vector<16xf32>
    %select_n3A_1794 = arith.select %eq3A_1785, %broadcast_in_dim3A_1793, %select_n3A_1792 : vector<16xi1>, vector<16xf32>
    %swap3A_1795 = arith.constant 6 : i32
    %swap3A_1796 = arith.index_cast %swap3A_1795 : i32 to index
    %swap3A_1797 = arith.constant 0 : index
    %swap3A_1798 = tpu.vector_load %arg7[%swap3A_1796, %swap3A_1797] {strides = array<i32>} : memref<8x16xf32, #tpu.memory_space<vmem>>, vector<16xf32>,
    tpu.vector_store %arg7[%swap3A_1796, %swap3A_1797], %select_n3A_1794 {strides = array<i32>} : memref<8x16xf32, #tpu.memory_space<vmem>>, vector<16xf32>,
    %get3A_1799 = arith.constant 7 : i32
    %get3A_1800 = arith.index_cast %get3A_1799 : i32 to index
    %get3A_1801 = arith.constant 0 : index
    %get3A_1802 = tpu.vector_load %arg5[%get3A_1800, %get3A_1801] {strides = array<i32>} : memref<8x64xf32, #tpu.memory_space<vmem>>, vector<16xf32>,
    %get3A_1803 = arith.constant 7 : i32
    %get3A_1804 = arith.index_cast %get3A_1803 : i32 to index
    %get3A_1805 = arith.constant 16 : index
    %get3A_1806 = tpu.vector_load %arg5[%get3A_1804, %get3A_1805] {strides = array<i32>} : memref<8x64xf32, #tpu.memory_space<vmem>>, vector<16xf32>,
    %get3A_1807 = arith.constant 7 : i32
    %get3A_1808 = arith.index_cast %get3A_1807 : i32 to index
    %get3A_1809 = arith.constant 32 : index
    %get3A_1810 = tpu.vector_load %arg5[%get3A_1808, %get3A_1809] {strides = array<i32>} : memref<8x64xf32, #tpu.memory_space<vmem>>, vector<16xf32>,
    %get3A_1811 = arith.constant 7 : i32
    %get3A_1812 = arith.index_cast %get3A_1811 : i32 to index
    %get3A_1813 = arith.constant 48 : index
    %get3A_1814 = tpu.vector_load %arg5[%get3A_1812, %get3A_1813] {strides = array<i32>} : memref<8x64xf32, #tpu.memory_space<vmem>>, vector<16xf32>,
    %reduce_max3A_1815 = arith.constant true
    %reduce_max3A_1816 = vector.broadcast %reduce_max3A_1815 : i1 to vector<16xi1>
    %reduce_max3A_1817 = tpu.scan <max>, %get3A_1802 masked %reduce_max3A_1816 : vector<16xf32>, vector<16xi1> -> vector<16xf32>
    %reduce_max3A_1818 = vector.extract %reduce_max3A_1817[15] : f32 from vector<16xf32>
    %reduce_max3A_1819 = arith.constant true
    %reduce_max3A_1820 = vector.broadcast %reduce_max3A_1819 : i1 to vector<16xi1>
    %reduce_max3A_1821 = tpu.scan <max>, %get3A_1806 masked %reduce_max3A_1820 : vector<16xf32>, vector<16xi1> -> vector<16xf32>
    %reduce_max3A_1822 = vector.extract %reduce_max3A_1821[15] : f32 from vector<16xf32>
    %max3A_1823 = arith.maximumf %reduce_max3A_1818, %reduce_max3A_1822 : f32
    %reduce_max3A_1824 = arith.constant true
    %reduce_max3A_1825 = vector.broadcast %reduce_max3A_1824 : i1 to vector<16xi1>
    %reduce_max3A_1826 = tpu.scan <max>, %get3A_1810 masked %reduce_max3A_1825 : vector<16xf32>, vector<16xi1> -> vector<16xf32>
    %reduce_max3A_1827 = vector.extract %reduce_max3A_1826[15] : f32 from vector<16xf32>
    %max3A_1828 = arith.maximumf %max3A_1823, %reduce_max3A_1827 : f32
    %reduce_max3A_1829 = arith.constant true
    %reduce_max3A_1830 = vector.broadcast %reduce_max3A_1829 : i1 to vector<16xi1>
    %reduce_max3A_1831 = tpu.scan <max>, %get3A_1814 masked %reduce_max3A_1830 : vector<16xf32>, vector<16xi1> -> vector<16xf32>
    %reduce_max3A_1832 = vector.extract %reduce_max3A_1831[15] : f32 from vector<16xf32>
    %max3A_1833 = arith.maximumf %max3A_1828, %reduce_max3A_1832 : f32
    %eq3A_1834 = vector.broadcast %max3A_1833 : f32 to vector<16xf32>
    %eq3A_1835 = arith.cmpf oeq, %get3A_1802, %eq3A_1834 : vector<16xf32>
    %add3A_1836 = arith.constant 0 : i32
    %add3A_1837 = vector.broadcast %add3A_1836 : i32 to vector<16xi32>
    %add3A_1838 = arith.addi %iota3A, %add3A_1837 : vector<16xi32>
    %jit3A_1839 = arith.constant 64 : i32
    %broadcast_in_dim3A_1840 = vector.broadcast %jit3A_1839 : i32 to vector<16xi32>
    %select_n3A_1841 = arith.select %eq3A_1835, %add3A_1838, %broadcast_in_dim3A_1840 : vector<16xi1>, vector<16xi32>
    %reduce_min3A_1842 = arith.constant true
    %reduce_min3A_1843 = vector.broadcast %reduce_min3A_1842 : i1 to vector<16xi1>
    %reduce_min3A_1844 = arith.constant -2147483648 : i32
    %reduce_min3A_1845 = vector.broadcast %reduce_min3A_1844 : i32 to vector<16xi32>
    %reduce_min3A_1846 = arith.xori %select_n3A_1841, %reduce_min3A_1845 : vector<16xi32>
    %reduce_min3A_1847 = tpu.scan <min>, %reduce_min3A_1846 masked %reduce_min3A_1843 : vector<16xi32>, vector<16xi1> -> vector<16xi32>
    %reduce_min3A_1848 = arith.xori %reduce_min3A_1847, %reduce_min3A_1845 : vector<16xi32>
    %reduce_min3A_1849 = vector.extract %reduce_min3A_1848[15] : i32 from vector<16xi32>
    %min3A_1850 = arith.constant 64 : i32
    %min3A_1851 = arith.minsi %min3A_1850, %reduce_min3A_1849 : i32
    %eq3A_1852 = vector.broadcast %max3A_1833 : f32 to vector<16xf32>
    %eq3A_1853 = arith.cmpf oeq, %get3A_1806, %eq3A_1852 : vector<16xf32>
    %add3A_1854 = arith.constant 16 : i32
    %add3A_1855 = vector.broadcast %add3A_1854 : i32 to vector<16xi32>
    %add3A_1856 = arith.addi %iota3A, %add3A_1855 : vector<16xi32>
    %jit3A_1857 = arith.constant 64 : i32
    %broadcast_in_dim3A_1858 = vector.broadcast %jit3A_1857 : i32 to vector<16xi32>
    %select_n3A_1859 = arith.select %eq3A_1853, %add3A_1856, %broadcast_in_dim3A_1858 : vector<16xi1>, vector<16xi32>
    %reduce_min3A_1860 = arith.constant true
    %reduce_min3A_1861 = vector.broadcast %reduce_min3A_1860 : i1 to vector<16xi1>
    %reduce_min3A_1862 = arith.constant -2147483648 : i32
    %reduce_min3A_1863 = vector.broadcast %reduce_min3A_1862 : i32 to vector<16xi32>
    %reduce_min3A_1864 = arith.xori %select_n3A_1859, %reduce_min3A_1863 : vector<16xi32>
    %reduce_min3A_1865 = tpu.scan <min>, %reduce_min3A_1864 masked %reduce_min3A_1861 : vector<16xi32>, vector<16xi1> -> vector<16xi32>
    %reduce_min3A_1866 = arith.xori %reduce_min3A_1865, %reduce_min3A_1863 : vector<16xi32>
    %reduce_min3A_1867 = vector.extract %reduce_min3A_1866[15] : i32 from vector<16xi32>
    %min3A_1868 = arith.minsi %min3A_1851, %reduce_min3A_1867 : i32
    %eq3A_1869 = vector.broadcast %max3A_1833 : f32 to vector<16xf32>
    %eq3A_1870 = arith.cmpf oeq, %get3A_1810, %eq3A_1869 : vector<16xf32>
    %add3A_1871 = arith.constant 32 : i32
    %add3A_1872 = vector.broadcast %add3A_1871 : i32 to vector<16xi32>
    %add3A_1873 = arith.addi %iota3A, %add3A_1872 : vector<16xi32>
    %jit3A_1874 = arith.constant 64 : i32
    %broadcast_in_dim3A_1875 = vector.broadcast %jit3A_1874 : i32 to vector<16xi32>
    %select_n3A_1876 = arith.select %eq3A_1870, %add3A_1873, %broadcast_in_dim3A_1875 : vector<16xi1>, vector<16xi32>
    %reduce_min3A_1877 = arith.constant true
    %reduce_min3A_1878 = vector.broadcast %reduce_min3A_1877 : i1 to vector<16xi1>
    %reduce_min3A_1879 = arith.constant -2147483648 : i32
    %reduce_min3A_1880 = vector.broadcast %reduce_min3A_1879 : i32 to vector<16xi32>
    %reduce_min3A_1881 = arith.xori %select_n3A_1876, %reduce_min3A_1880 : vector<16xi32>
    %reduce_min3A_1882 = tpu.scan <min>, %reduce_min3A_1881 masked %reduce_min3A_1878 : vector<16xi32>, vector<16xi1> -> vector<16xi32>
    %reduce_min3A_1883 = arith.xori %reduce_min3A_1882, %reduce_min3A_1880 : vector<16xi32>
    %reduce_min3A_1884 = vector.extract %reduce_min3A_1883[15] : i32 from vector<16xi32>
    %min3A_1885 = arith.minsi %min3A_1868, %reduce_min3A_1884 : i32
    %eq3A_1886 = vector.broadcast %max3A_1833 : f32 to vector<16xf32>
    %eq3A_1887 = arith.cmpf oeq, %get3A_1814, %eq3A_1886 : vector<16xf32>
    %add3A_1888 = arith.constant 48 : i32
    %add3A_1889 = vector.broadcast %add3A_1888 : i32 to vector<16xi32>
    %add3A_1890 = arith.addi %iota3A, %add3A_1889 : vector<16xi32>
    %jit3A_1891 = arith.constant 64 : i32
    %broadcast_in_dim3A_1892 = vector.broadcast %jit3A_1891 : i32 to vector<16xi32>
    %select_n3A_1893 = arith.select %eq3A_1887, %add3A_1890, %broadcast_in_dim3A_1892 : vector<16xi1>, vector<16xi32>
    %reduce_min3A_1894 = arith.constant true
    %reduce_min3A_1895 = vector.broadcast %reduce_min3A_1894 : i1 to vector<16xi1>
    %reduce_min3A_1896 = arith.constant -2147483648 : i32
    %reduce_min3A_1897 = vector.broadcast %reduce_min3A_1896 : i32 to vector<16xi32>
    %reduce_min3A_1898 = arith.xori %select_n3A_1893, %reduce_min3A_1897 : vector<16xi32>
    %reduce_min3A_1899 = tpu.scan <min>, %reduce_min3A_1898 masked %reduce_min3A_1895 : vector<16xi32>, vector<16xi1> -> vector<16xi32>
    %reduce_min3A_1900 = arith.xori %reduce_min3A_1899, %reduce_min3A_1897 : vector<16xi32>
    %reduce_min3A_1901 = vector.extract %reduce_min3A_1900[15] : i32 from vector<16xi32>
    %min3A_1902 = arith.minsi %min3A_1885, %reduce_min3A_1901 : i32
    %add3A_1903 = arith.constant 0 : i32
    %add3A_1904 = vector.broadcast %add3A_1903 : i32 to vector<16xi32>
    %add3A_1905 = arith.addi %iota3A, %add3A_1904 : vector<16xi32>
    %eq3A_1906 = vector.broadcast %min3A_1902 : i32 to vector<16xi32>
    %eq3A_1907 = arith.cmpi eq, %add3A_1905, %eq3A_1906 : vector<16xi32>
    %jit3A_1908 = arith.constant -1.000000e+30 : f32
    %broadcast_in_dim3A_1909 = vector.broadcast %jit3A_1908 : f32 to vector<16xf32>
    %select_n3A_1910 = arith.select %eq3A_1907, %broadcast_in_dim3A_1909, %get3A_1802 : vector<16xi1>, vector<16xf32>
    %reduce_max3A_1911 = arith.constant true
    %reduce_max3A_1912 = vector.broadcast %reduce_max3A_1911 : i1 to vector<16xi1>
    %reduce_max3A_1913 = tpu.scan <max>, %select_n3A_1910 masked %reduce_max3A_1912 : vector<16xf32>, vector<16xi1> -> vector<16xf32>
    %reduce_max3A_1914 = vector.extract %reduce_max3A_1913[15] : f32 from vector<16xf32>
    %max3A_1915 = arith.constant -1.000000e+30 : f32
    %max3A_1916 = arith.maximumf %max3A_1915, %reduce_max3A_1914 : f32
    %add3A_1917 = arith.constant 16 : i32
    %add3A_1918 = vector.broadcast %add3A_1917 : i32 to vector<16xi32>
    %add3A_1919 = arith.addi %iota3A, %add3A_1918 : vector<16xi32>
    %eq3A_1920 = vector.broadcast %min3A_1902 : i32 to vector<16xi32>
    %eq3A_1921 = arith.cmpi eq, %add3A_1919, %eq3A_1920 : vector<16xi32>
    %jit3A_1922 = arith.constant -1.000000e+30 : f32
    %broadcast_in_dim3A_1923 = vector.broadcast %jit3A_1922 : f32 to vector<16xf32>
    %select_n3A_1924 = arith.select %eq3A_1921, %broadcast_in_dim3A_1923, %get3A_1806 : vector<16xi1>, vector<16xf32>
    %reduce_max3A_1925 = arith.constant true
    %reduce_max3A_1926 = vector.broadcast %reduce_max3A_1925 : i1 to vector<16xi1>
    %reduce_max3A_1927 = tpu.scan <max>, %select_n3A_1924 masked %reduce_max3A_1926 : vector<16xf32>, vector<16xi1> -> vector<16xf32>
    %reduce_max3A_1928 = vector.extract %reduce_max3A_1927[15] : f32 from vector<16xf32>
    %max3A_1929 = arith.maximumf %max3A_1916, %reduce_max3A_1928 : f32
    %add3A_1930 = arith.constant 32 : i32
    %add3A_1931 = vector.broadcast %add3A_1930 : i32 to vector<16xi32>
    %add3A_1932 = arith.addi %iota3A, %add3A_1931 : vector<16xi32>
    %eq3A_1933 = vector.broadcast %min3A_1902 : i32 to vector<16xi32>
    %eq3A_1934 = arith.cmpi eq, %add3A_1932, %eq3A_1933 : vector<16xi32>
    %jit3A_1935 = arith.constant -1.000000e+30 : f32
    %broadcast_in_dim3A_1936 = vector.broadcast %jit3A_1935 : f32 to vector<16xf32>
    %select_n3A_1937 = arith.select %eq3A_1934, %broadcast_in_dim3A_1936, %get3A_1810 : vector<16xi1>, vector<16xf32>
    %reduce_max3A_1938 = arith.constant true
    %reduce_max3A_1939 = vector.broadcast %reduce_max3A_1938 : i1 to vector<16xi1>
    %reduce_max3A_1940 = tpu.scan <max>, %select_n3A_1937 masked %reduce_max3A_1939 : vector<16xf32>, vector<16xi1> -> vector<16xf32>
    %reduce_max3A_1941 = vector.extract %reduce_max3A_1940[15] : f32 from vector<16xf32>
    %max3A_1942 = arith.maximumf %max3A_1929, %reduce_max3A_1941 : f32
    %add3A_1943 = arith.constant 48 : i32
    %add3A_1944 = vector.broadcast %add3A_1943 : i32 to vector<16xi32>
    %add3A_1945 = arith.addi %iota3A, %add3A_1944 : vector<16xi32>
    %eq3A_1946 = vector.broadcast %min3A_1902 : i32 to vector<16xi32>
    %eq3A_1947 = arith.cmpi eq, %add3A_1945, %eq3A_1946 : vector<16xi32>
    %jit3A_1948 = arith.constant -1.000000e+30 : f32
    %broadcast_in_dim3A_1949 = vector.broadcast %jit3A_1948 : f32 to vector<16xf32>
    %select_n3A_1950 = arith.select %eq3A_1947, %broadcast_in_dim3A_1949, %get3A_1814 : vector<16xi1>, vector<16xf32>
    %reduce_max3A_1951 = arith.constant true
    %reduce_max3A_1952 = vector.broadcast %reduce_max3A_1951 : i1 to vector<16xi1>
    %reduce_max3A_1953 = tpu.scan <max>, %select_n3A_1950 masked %reduce_max3A_1952 : vector<16xf32>, vector<16xi1> -> vector<16xf32>
    %reduce_max3A_1954 = vector.extract %reduce_max3A_1953[15] : f32 from vector<16xf32>
    %max3A_1955 = arith.maximumf %max3A_1942, %reduce_max3A_1954 : f32
    %eq3A_1956 = vector.broadcast %max3A_1955 : f32 to vector<16xf32>
    %eq3A_1957 = arith.cmpf oeq, %select_n3A_1910, %eq3A_1956 : vector<16xf32>
    %add3A_1958 = arith.constant 0 : i32
    %add3A_1959 = vector.broadcast %add3A_1958 : i32 to vector<16xi32>
    %add3A_1960 = arith.addi %iota3A, %add3A_1959 : vector<16xi32>
    %jit3A_1961 = arith.constant 64 : i32
    %broadcast_in_dim3A_1962 = vector.broadcast %jit3A_1961 : i32 to vector<16xi32>
    %select_n3A_1963 = arith.select %eq3A_1957, %add3A_1960, %broadcast_in_dim3A_1962 : vector<16xi1>, vector<16xi32>
    %reduce_min3A_1964 = arith.constant true
    %reduce_min3A_1965 = vector.broadcast %reduce_min3A_1964 : i1 to vector<16xi1>
    %reduce_min3A_1966 = arith.constant -2147483648 : i32
    %reduce_min3A_1967 = vector.broadcast %reduce_min3A_1966 : i32 to vector<16xi32>
    %reduce_min3A_1968 = arith.xori %select_n3A_1963, %reduce_min3A_1967 : vector<16xi32>
    %reduce_min3A_1969 = tpu.scan <min>, %reduce_min3A_1968 masked %reduce_min3A_1965 : vector<16xi32>, vector<16xi1> -> vector<16xi32>
    %reduce_min3A_1970 = arith.xori %reduce_min3A_1969, %reduce_min3A_1967 : vector<16xi32>
    %reduce_min3A_1971 = vector.extract %reduce_min3A_1970[15] : i32 from vector<16xi32>
    %min3A_1972 = arith.constant 64 : i32
    %min3A_1973 = arith.minsi %min3A_1972, %reduce_min3A_1971 : i32
    %eq3A_1974 = vector.broadcast %max3A_1955 : f32 to vector<16xf32>
    %eq3A_1975 = arith.cmpf oeq, %select_n3A_1924, %eq3A_1974 : vector<16xf32>
    %add3A_1976 = arith.constant 16 : i32
    %add3A_1977 = vector.broadcast %add3A_1976 : i32 to vector<16xi32>
    %add3A_1978 = arith.addi %iota3A, %add3A_1977 : vector<16xi32>
    %jit3A_1979 = arith.constant 64 : i32
    %broadcast_in_dim3A_1980 = vector.broadcast %jit3A_1979 : i32 to vector<16xi32>
    %select_n3A_1981 = arith.select %eq3A_1975, %add3A_1978, %broadcast_in_dim3A_1980 : vector<16xi1>, vector<16xi32>
    %reduce_min3A_1982 = arith.constant true
    %reduce_min3A_1983 = vector.broadcast %reduce_min3A_1982 : i1 to vector<16xi1>
    %reduce_min3A_1984 = arith.constant -2147483648 : i32
    %reduce_min3A_1985 = vector.broadcast %reduce_min3A_1984 : i32 to vector<16xi32>
    %reduce_min3A_1986 = arith.xori %select_n3A_1981, %reduce_min3A_1985 : vector<16xi32>
    %reduce_min3A_1987 = tpu.scan <min>, %reduce_min3A_1986 masked %reduce_min3A_1983 : vector<16xi32>, vector<16xi1> -> vector<16xi32>
    %reduce_min3A_1988 = arith.xori %reduce_min3A_1987, %reduce_min3A_1985 : vector<16xi32>
    %reduce_min3A_1989 = vector.extract %reduce_min3A_1988[15] : i32 from vector<16xi32>
    %min3A_1990 = arith.minsi %min3A_1973, %reduce_min3A_1989 : i32
    %eq3A_1991 = vector.broadcast %max3A_1955 : f32 to vector<16xf32>
    %eq3A_1992 = arith.cmpf oeq, %select_n3A_1937, %eq3A_1991 : vector<16xf32>
    %add3A_1993 = arith.constant 32 : i32
    %add3A_1994 = vector.broadcast %add3A_1993 : i32 to vector<16xi32>
    %add3A_1995 = arith.addi %iota3A, %add3A_1994 : vector<16xi32>
    %jit3A_1996 = arith.constant 64 : i32
    %broadcast_in_dim3A_1997 = vector.broadcast %jit3A_1996 : i32 to vector<16xi32>
    %select_n3A_1998 = arith.select %eq3A_1992, %add3A_1995, %broadcast_in_dim3A_1997 : vector<16xi1>, vector<16xi32>
    %reduce_min3A_1999 = arith.constant true
    %reduce_min3A_2000 = vector.broadcast %reduce_min3A_1999 : i1 to vector<16xi1>
    %reduce_min3A_2001 = arith.constant -2147483648 : i32
    %reduce_min3A_2002 = vector.broadcast %reduce_min3A_2001 : i32 to vector<16xi32>
    %reduce_min3A_2003 = arith.xori %select_n3A_1998, %reduce_min3A_2002 : vector<16xi32>
    %reduce_min3A_2004 = tpu.scan <min>, %reduce_min3A_2003 masked %reduce_min3A_2000 : vector<16xi32>, vector<16xi1> -> vector<16xi32>
    %reduce_min3A_2005 = arith.xori %reduce_min3A_2004, %reduce_min3A_2002 : vector<16xi32>
    %reduce_min3A_2006 = vector.extract %reduce_min3A_2005[15] : i32 from vector<16xi32>
    %min3A_2007 = arith.minsi %min3A_1990, %reduce_min3A_2006 : i32
    %eq3A_2008 = vector.broadcast %max3A_1955 : f32 to vector<16xf32>
    %eq3A_2009 = arith.cmpf oeq, %select_n3A_1950, %eq3A_2008 : vector<16xf32>
    %add3A_2010 = arith.constant 48 : i32
    %add3A_2011 = vector.broadcast %add3A_2010 : i32 to vector<16xi32>
    %add3A_2012 = arith.addi %iota3A, %add3A_2011 : vector<16xi32>
    %jit3A_2013 = arith.constant 64 : i32
    %broadcast_in_dim3A_2014 = vector.broadcast %jit3A_2013 : i32 to vector<16xi32>
    %select_n3A_2015 = arith.select %eq3A_2009, %add3A_2012, %broadcast_in_dim3A_2014 : vector<16xi1>, vector<16xi32>
    %reduce_min3A_2016 = arith.constant true
    %reduce_min3A_2017 = vector.broadcast %reduce_min3A_2016 : i1 to vector<16xi1>
    %reduce_min3A_2018 = arith.constant -2147483648 : i32
    %reduce_min3A_2019 = vector.broadcast %reduce_min3A_2018 : i32 to vector<16xi32>
    %reduce_min3A_2020 = arith.xori %select_n3A_2015, %reduce_min3A_2019 : vector<16xi32>
    %reduce_min3A_2021 = tpu.scan <min>, %reduce_min3A_2020 masked %reduce_min3A_2017 : vector<16xi32>, vector<16xi1> -> vector<16xi32>
    %reduce_min3A_2022 = arith.xori %reduce_min3A_2021, %reduce_min3A_2019 : vector<16xi32>
    %reduce_min3A_2023 = vector.extract %reduce_min3A_2022[15] : i32 from vector<16xi32>
    %min3A_2024 = arith.minsi %min3A_2007, %reduce_min3A_2023 : i32
    %eq3A_2025 = arith.constant 0 : i32
    %eq3A_2026 = vector.broadcast %eq3A_2025 : i32 to vector<16xi32>
    %eq3A_2027 = arith.cmpi eq, %iota3A, %eq3A_2026 : vector<16xi32>
    %eq3A_2028 = arith.constant 1 : i32
    %eq3A_2029 = vector.broadcast %eq3A_2028 : i32 to vector<16xi32>
    %eq3A_2030 = arith.cmpi eq, %iota3A, %eq3A_2029 : vector<16xi32>
    %jit3A_2031 = arith.constant 0 : i32
    %broadcast_in_dim3A_2032 = vector.broadcast %min3A_2024 : i32 to vector<16xi32>
    %broadcast_in_dim3A_2033 = vector.broadcast %jit3A_2031 : i32 to vector<16xi32>
    %select_n3A_2034 = arith.select %eq3A_2030, %broadcast_in_dim3A_2032, %broadcast_in_dim3A_2033 : vector<16xi1>, vector<16xi32>
    %broadcast_in_dim3A_2035 = vector.broadcast %min3A_1902 : i32 to vector<16xi32>
    %select_n3A_2036 = arith.select %eq3A_2027, %broadcast_in_dim3A_2035, %select_n3A_2034 : vector<16xi1>, vector<16xi32>
    %swap3A_2037 = arith.constant 7 : i32
    %swap3A_2038 = arith.index_cast %swap3A_2037 : i32 to index
    %swap3A_2039 = arith.constant 0 : index
    %swap3A_2040 = tpu.vector_load %arg6[%swap3A_2038, %swap3A_2039] {strides = array<i32>} : memref<8x16xi32, #tpu.memory_space<vmem>>, vector<16xi32>,
    tpu.vector_store %arg6[%swap3A_2038, %swap3A_2039], %select_n3A_2036 {strides = array<i32>} : memref<8x16xi32, #tpu.memory_space<vmem>>, vector<16xi32>,
    %eq3A_2041 = arith.constant 0 : i32
    %eq3A_2042 = vector.broadcast %eq3A_2041 : i32 to vector<16xi32>
    %eq3A_2043 = arith.cmpi eq, %iota3A, %eq3A_2042 : vector<16xi32>
    %eq3A_2044 = arith.constant 1 : i32
    %eq3A_2045 = vector.broadcast %eq3A_2044 : i32 to vector<16xi32>
    %eq3A_2046 = arith.cmpi eq, %iota3A, %eq3A_2045 : vector<16xi32>
    %jit3A_2047 = arith.constant 0.000000e+00 : f32
    %broadcast_in_dim3A_2048 = vector.broadcast %max3A_1955 : f32 to vector<16xf32>
    %broadcast_in_dim3A_2049 = vector.broadcast %jit3A_2047 : f32 to vector<16xf32>
    %select_n3A_2050 = arith.select %eq3A_2046, %broadcast_in_dim3A_2048, %broadcast_in_dim3A_2049 : vector<16xi1>, vector<16xf32>
    %broadcast_in_dim3A_2051 = vector.broadcast %max3A_1833 : f32 to vector<16xf32>
    %select_n3A_2052 = arith.select %eq3A_2043, %broadcast_in_dim3A_2051, %select_n3A_2050 : vector<16xi1>, vector<16xf32>
    %swap3A_2053 = arith.constant 7 : i32
    %swap3A_2054 = arith.index_cast %swap3A_2053 : i32 to index
    %swap3A_2055 = arith.constant 0 : index
    %swap3A_2056 = tpu.vector_load %arg7[%swap3A_2054, %swap3A_2055] {strides = array<i32>} : memref<8x16xf32, #tpu.memory_space<vmem>>, vector<16xf32>,
    tpu.vector_store %arg7[%swap3A_2054, %swap3A_2055], %select_n3A_2052 {strides = array<i32>} : memref<8x16xf32, #tpu.memory_space<vmem>>, vector<16xf32>,
    "tpu.region"() ({
      %run_scoped3A = tpu.sem_alloc : memref<!tpu.dma_semaphore, #tpu.memory_space<semaphore_mem>>
      %dma_start3A = arith.constant 0 : i32
      %dma_start3A_2057 = tpu.memref_slice %arg3[%mul3A_2, %dma_start3A] : memref<128x16xi32, #tpu.memory_space<hbm>> -> memref<8x16xi32, #tpu.memory_space<hbm>>
      %dma_start3A_2058 = arith.constant 0 : i32
      %dma_start3A_2059 = tpu.memref_slice %arg3[%mul3A_2, %dma_start3A_2058] : memref<128x16xi32, #tpu.memory_space<hbm>> -> memref<8x16xi32, #tpu.memory_space<hbm>>
      tpu.enqueue_dma source(%arg6 : memref<8x16xi32, #tpu.memory_space<vmem>>) target(%dma_start3A_2059 : memref<8x16xi32, #tpu.memory_space<hbm>>) target_semaphore(%run_scoped3A : memref<!tpu.dma_semaphore, #tpu.memory_space<semaphore_mem>>)
      %dma_wait3A = arith.constant 0 : i32
      %dma_wait3A_2060 = tpu.memref_slice %arg3[%mul3A_2, %dma_wait3A] : memref<128x16xi32, #tpu.memory_space<hbm>> -> memref<8x16xi32, #tpu.memory_space<hbm>>
      %dma_wait3A_2061 = arith.constant 0 : i32
      %dma_wait3A_2062 = tpu.memref_slice %arg3[%mul3A_2, %dma_wait3A_2061] : memref<128x16xi32, #tpu.memory_space<hbm>> -> memref<8x16xi32, #tpu.memory_space<hbm>>
      tpu.wait_dma2 semaphore(%run_scoped3A : memref<!tpu.dma_semaphore, #tpu.memory_space<semaphore_mem>>) src(%arg6 : memref<8x16xi32, #tpu.memory_space<vmem>>) dst(%dma_wait3A_2062 : memref<8x16xi32, #tpu.memory_space<hbm>>)
      tpu.yield
    }) : () -> ()
    "tpu.region"() ({
      %run_scoped3A = tpu.sem_alloc : memref<!tpu.dma_semaphore, #tpu.memory_space<semaphore_mem>>
      %dma_start3A = arith.constant 0 : i32
      %dma_start3A_2057 = tpu.memref_slice %arg4[%mul3A_2, %dma_start3A] : memref<128x16xf32, #tpu.memory_space<hbm>> -> memref<8x16xf32, #tpu.memory_space<hbm>>
      %dma_start3A_2058 = arith.constant 0 : i32
      %dma_start3A_2059 = tpu.memref_slice %arg4[%mul3A_2, %dma_start3A_2058] : memref<128x16xf32, #tpu.memory_space<hbm>> -> memref<8x16xf32, #tpu.memory_space<hbm>>
      tpu.enqueue_dma source(%arg7 : memref<8x16xf32, #tpu.memory_space<vmem>>) target(%dma_start3A_2059 : memref<8x16xf32, #tpu.memory_space<hbm>>) target_semaphore(%run_scoped3A : memref<!tpu.dma_semaphore, #tpu.memory_space<semaphore_mem>>)
      %dma_wait3A = arith.constant 0 : i32
      %dma_wait3A_2060 = tpu.memref_slice %arg4[%mul3A_2, %dma_wait3A] : memref<128x16xf32, #tpu.memory_space<hbm>> -> memref<8x16xf32, #tpu.memory_space<hbm>>
      %dma_wait3A_2061 = arith.constant 0 : i32
      %dma_wait3A_2062 = tpu.memref_slice %arg4[%mul3A_2, %dma_wait3A_2061] : memref<128x16xf32, #tpu.memory_space<hbm>> -> memref<8x16xf32, #tpu.memory_space<hbm>>
      tpu.wait_dma2 semaphore(%run_scoped3A : memref<!tpu.dma_semaphore, #tpu.memory_space<semaphore_mem>>) src(%arg7 : memref<8x16xf32, #tpu.memory_space<vmem>>) dst(%dma_wait3A_2062 : memref<8x16xf32, #tpu.memory_space<hbm>>)
      tpu.yield
    }) : () -> ()
    return
  }
}

module attributes {stable_mosaic.version = 14 : i64} {
  func.func @_moe_main_kernel(%arg0: i32, %arg1: memref<128x1024xf32, #tpu.memory_space<vmem>>, %arg2: memref<128x16xi32, #tpu.memory_space<vmem>>, %arg3: memref<128x16xf32, #tpu.memory_space<vmem>>, %arg4: memref<2x1024x512xf32, #tpu.memory_space<vmem>>, %arg5: memref<2x1024x512xf32, #tpu.memory_space<vmem>>, %arg6: memref<2x512x1024xf32, #tpu.memory_space<vmem>>, %arg7: memref<128x1024xf32, #tpu.memory_space<vmem>>) attributes {dimension_semantics = [#tpu.dimension_semantics<arbitrary>], iteration_bounds = array<i64: 32>, scalar_prefetch = 0 : i64, scratch_operands = 0 : i64, tpu.core_type = #tpu.core_type<tc>, window_params = [{pipeline_mode = #tpu.pipeline_mode<synchronous>, transform_indices = @transform_0, window_bounds = array<i64: 128, 1024>}, {pipeline_mode = #tpu.pipeline_mode<synchronous>, transform_indices = @transform_1, window_bounds = array<i64: 128, 16>}, {pipeline_mode = #tpu.pipeline_mode<synchronous>, transform_indices = @transform_2, window_bounds = array<i64: 128, 16>}, {transform_indices = @transform_3, window_bounds = array<i64: 2, 1024, 512>}, {transform_indices = @transform_4, window_bounds = array<i64: 2, 1024, 512>}, {transform_indices = @transform_5, window_bounds = array<i64: 2, 512, 1024>}, {pipeline_mode = #tpu.pipeline_mode<synchronous>, transform_indices = @transform_6, window_bounds = array<i64: 128, 1024>}]} {
    %eq3A = arith.constant 0 : i32
    %eq3A_0 = arith.cmpi eq, %arg0, %eq3A : i32
    %convert_element_type3A = arith.extui %eq3A_0 : i1 to i32
    %cond3A = arith.constant 0 : i32
    %cond3A_1 = arith.cmpi ne, %convert_element_type3A, %cond3A : i32
    scf.if %cond3A_1 {
      %broadcast_in_dim3A_117 = arith.constant 0.000000e+00 : f32
      %broadcast_in_dim3A_118 = vector.broadcast %broadcast_in_dim3A_117 : f32 to vector<128x1024xf32>
      %swap3A_119 = arith.constant 0 : index
      %swap3A_120 = arith.constant 0 : index
      %swap3A_121 = vector.load %arg7[%swap3A_119, %swap3A_120] : memref<128x1024xf32, #tpu.memory_space<vmem>>, vector<128x1024xf32>
      tpu.vector_store %arg7[%swap3A_119, %swap3A_120], %broadcast_in_dim3A_118 {strides = array<i32>} : memref<128x1024xf32, #tpu.memory_space<vmem>>, vector<128x1024xf32>,
    } else {
    }
    %get3A = arith.constant 0 : index
    %get3A_2 = arith.constant 0 : index
    %get3A_3 = vector.load %arg2[%get3A, %get3A_2] : memref<128x16xi32, #tpu.memory_space<vmem>>, vector<128x1xi32>
    %get3A_4 = arith.constant 0 : index
    %get3A_5 = arith.constant 1 : index
    %get3A_6 = vector.load %arg2[%get3A_4, %get3A_5] : memref<128x16xi32, #tpu.memory_space<vmem>>, vector<128x1xi32>
    %get3A_7 = arith.constant 0 : index
    %get3A_8 = arith.constant 0 : index
    %get3A_9 = vector.load %arg3[%get3A_7, %get3A_8] : memref<128x16xf32, #tpu.memory_space<vmem>>, vector<128x1xf32>
    %get3A_10 = arith.constant 0 : index
    %get3A_11 = arith.constant 1 : index
    %get3A_12 = vector.load %arg3[%get3A_10, %get3A_11] : memref<128x16xf32, #tpu.memory_space<vmem>>, vector<128x1xf32>
    %sub3A = arith.subf %get3A_12, %get3A_9 : vector<128x1xf32>
    %exp3A = math.exp %sub3A : vector<128x1xf32>
    %add3A = arith.constant 1.000000e+00 : f32
    %add3A_13 = vector.broadcast %add3A : f32 to vector<128x1xf32>
    %add3A_14 = arith.addf %add3A_13, %exp3A : vector<128x1xf32>
    %div3A = arith.constant 1.000000e+00 : f32
    %div3A_15 = vector.broadcast %div3A : f32 to vector<128x1xf32>
    %div3A_16 = arith.divf %div3A_15, %add3A_14 : vector<128x1xf32>
    %div3A_17 = arith.divf %exp3A, %add3A_14 : vector<128x1xf32>
    %get3A_18 = arith.constant 0 : index
    %get3A_19 = arith.constant 0 : index
    %get3A_20 = vector.load %arg1[%get3A_18, %get3A_19] : memref<128x1024xf32, #tpu.memory_space<vmem>>, vector<128x1024xf32>
    %broadcast_in_dim3A = arith.constant 0.000000e+00 : f32
    %broadcast_in_dim3A_21 = vector.broadcast %broadcast_in_dim3A : f32 to vector<128x1024xf32>
    %mul3A = arith.constant 2 : i32
    %mul3A_22 = arith.muli %arg0, %mul3A : i32
    %add3A_23 = arith.constant 0 : i32
    %add3A_24 = arith.addi %mul3A_22, %add3A_23 : i32
    %get3A_25 = arith.constant 0 : index
    %get3A_26 = arith.constant 0 : index
    %get3A_27 = arith.constant 0 : index
    %get3A_28 = vector.load %arg4[%get3A_25, %get3A_26, %get3A_27] : memref<2x1024x512xf32, #tpu.memory_space<vmem>>, vector<1x1024x512xf32>
    %get3A_29 = vector.shape_cast %get3A_28 : vector<1x1024x512xf32> to vector<1024x512xf32>
    %get3A_30 = arith.constant 0 : index
    %get3A_31 = arith.constant 0 : index
    %get3A_32 = arith.constant 0 : index
    %get3A_33 = vector.load %arg5[%get3A_30, %get3A_31, %get3A_32] : memref<2x1024x512xf32, #tpu.memory_space<vmem>>, vector<1x1024x512xf32>
    %get3A_34 = vector.shape_cast %get3A_33 : vector<1x1024x512xf32> to vector<1024x512xf32>
    %get3A_35 = arith.constant 0 : index
    %get3A_36 = arith.constant 0 : index
    %get3A_37 = arith.constant 0 : index
    %get3A_38 = vector.load %arg6[%get3A_35, %get3A_36, %get3A_37] : memref<2x512x1024xf32, #tpu.memory_space<vmem>>, vector<1x512x1024xf32>
    %get3A_39 = vector.shape_cast %get3A_38 : vector<1x512x1024xf32> to vector<512x1024xf32>
    %dot_general3A = arith.constant dense<0.000000e+00> : vector<128x512xf32>
    %dot_general3A_40 = tpu.matmul %get3A_20, %get3A_29, %dot_general3A {dimension_numbers = #tpu.dot_dimension_numbers<[1], [0], [0], [1], [0, 0, 1, 1], [], []>, transpose_lhs_hint = false} : vector<128x1024xf32>, vector<1024x512xf32>, vector<128x512xf32> -> vector<128x512xf32>
    %dot_general3A_41 = arith.constant dense<0.000000e+00> : vector<128x512xf32>
    %dot_general3A_42 = tpu.matmul %get3A_20, %get3A_34, %dot_general3A_41 {dimension_numbers = #tpu.dot_dimension_numbers<[1], [0], [0], [1], [0, 0, 1, 1], [], []>, transpose_lhs_hint = false} : vector<128x1024xf32>, vector<1024x512xf32>, vector<128x512xf32> -> vector<128x512xf32>
    %logistic3A = arith.negf %dot_general3A_40 : vector<128x512xf32>
    %logistic3A_43 = math.exp %logistic3A : vector<128x512xf32>
    %logistic3A_44 = arith.constant 1.000000e+00 : f32
    %logistic3A_45 = vector.broadcast %logistic3A_44 : f32 to vector<128x512xf32>
    %logistic3A_46 = arith.addf %logistic3A_45, %logistic3A_43 : vector<128x512xf32>
    %logistic3A_47 = arith.divf %logistic3A_45, %logistic3A_46 : vector<128x512xf32>
    %mul3A_48 = arith.mulf %dot_general3A_40, %logistic3A_47 : vector<128x512xf32>
    %mul3A_49 = arith.mulf %mul3A_48, %dot_general3A_42 : vector<128x512xf32>
    %dot_general3A_50 = arith.constant dense<0.000000e+00> : vector<128x1024xf32>
    %dot_general3A_51 = tpu.matmul %mul3A_49, %get3A_39, %dot_general3A_50 {dimension_numbers = #tpu.dot_dimension_numbers<[1], [0], [0], [1], [0, 0, 1, 1], [], []>, transpose_lhs_hint = false} : vector<128x512xf32>, vector<512x1024xf32>, vector<128x1024xf32> -> vector<128x1024xf32>
    %eq3A_52 = vector.broadcast %add3A_24 : i32 to vector<128x1xi32>
    %eq3A_53 = arith.cmpi eq, %get3A_3, %eq3A_52 : vector<128x1xi32>
    %jit3A = arith.constant 0.000000e+00 : f32
    %broadcast_in_dim3A_54 = vector.broadcast %jit3A : f32 to vector<128x1xf32>
    %select_n3A = arith.select %eq3A_53, %div3A_16, %broadcast_in_dim3A_54 : vector<128x1xi1>, vector<128x1xf32>
    %eq3A_55 = vector.broadcast %add3A_24 : i32 to vector<128x1xi32>
    %eq3A_56 = arith.cmpi eq, %get3A_6, %eq3A_55 : vector<128x1xi32>
    %jit3A_57 = arith.constant 0.000000e+00 : f32
    %broadcast_in_dim3A_58 = vector.broadcast %jit3A_57 : f32 to vector<128x1xf32>
    %select_n3A_59 = arith.select %eq3A_56, %div3A_17, %broadcast_in_dim3A_58 : vector<128x1xi1>, vector<128x1xf32>
    %add3A_60 = arith.addf %select_n3A, %select_n3A_59 : vector<128x1xf32>
    %mul3A_61 = vector.broadcast %add3A_60 : vector<128x1xf32> to vector<128x1024xf32>
    %mul3A_62 = arith.mulf %dot_general3A_51, %mul3A_61 : vector<128x1024xf32>
    %add3A_63 = arith.addf %broadcast_in_dim3A_21, %mul3A_62 : vector<128x1024xf32>
    %mul3A_64 = arith.constant 2 : i32
    %mul3A_65 = arith.muli %arg0, %mul3A_64 : i32
    %add3A_66 = arith.constant 1 : i32
    %add3A_67 = arith.addi %mul3A_65, %add3A_66 : i32
    %get3A_68 = arith.constant 1 : index
    %get3A_69 = arith.constant 0 : index
    %get3A_70 = arith.constant 0 : index
    %get3A_71 = vector.load %arg4[%get3A_68, %get3A_69, %get3A_70] : memref<2x1024x512xf32, #tpu.memory_space<vmem>>, vector<1x1024x512xf32>
    %get3A_72 = vector.shape_cast %get3A_71 : vector<1x1024x512xf32> to vector<1024x512xf32>
    %get3A_73 = arith.constant 1 : index
    %get3A_74 = arith.constant 0 : index
    %get3A_75 = arith.constant 0 : index
    %get3A_76 = vector.load %arg5[%get3A_73, %get3A_74, %get3A_75] : memref<2x1024x512xf32, #tpu.memory_space<vmem>>, vector<1x1024x512xf32>
    %get3A_77 = vector.shape_cast %get3A_76 : vector<1x1024x512xf32> to vector<1024x512xf32>
    %get3A_78 = arith.constant 1 : index
    %get3A_79 = arith.constant 0 : index
    %get3A_80 = arith.constant 0 : index
    %get3A_81 = vector.load %arg6[%get3A_78, %get3A_79, %get3A_80] : memref<2x512x1024xf32, #tpu.memory_space<vmem>>, vector<1x512x1024xf32>
    %get3A_82 = vector.shape_cast %get3A_81 : vector<1x512x1024xf32> to vector<512x1024xf32>
    %dot_general3A_83 = arith.constant dense<0.000000e+00> : vector<128x512xf32>
    %dot_general3A_84 = tpu.matmul %get3A_20, %get3A_72, %dot_general3A_83 {dimension_numbers = #tpu.dot_dimension_numbers<[1], [0], [0], [1], [0, 0, 1, 1], [], []>, transpose_lhs_hint = false} : vector<128x1024xf32>, vector<1024x512xf32>, vector<128x512xf32> -> vector<128x512xf32>
    %dot_general3A_85 = arith.constant dense<0.000000e+00> : vector<128x512xf32>
    %dot_general3A_86 = tpu.matmul %get3A_20, %get3A_77, %dot_general3A_85 {dimension_numbers = #tpu.dot_dimension_numbers<[1], [0], [0], [1], [0, 0, 1, 1], [], []>, transpose_lhs_hint = false} : vector<128x1024xf32>, vector<1024x512xf32>, vector<128x512xf32> -> vector<128x512xf32>
    %logistic3A_87 = arith.negf %dot_general3A_84 : vector<128x512xf32>
    %logistic3A_88 = math.exp %logistic3A_87 : vector<128x512xf32>
    %logistic3A_89 = arith.constant 1.000000e+00 : f32
    %logistic3A_90 = vector.broadcast %logistic3A_89 : f32 to vector<128x512xf32>
    %logistic3A_91 = arith.addf %logistic3A_90, %logistic3A_88 : vector<128x512xf32>
    %logistic3A_92 = arith.divf %logistic3A_90, %logistic3A_91 : vector<128x512xf32>
    %mul3A_93 = arith.mulf %dot_general3A_84, %logistic3A_92 : vector<128x512xf32>
    %mul3A_94 = arith.mulf %mul3A_93, %dot_general3A_86 : vector<128x512xf32>
    %dot_general3A_95 = arith.constant dense<0.000000e+00> : vector<128x1024xf32>
    %dot_general3A_96 = tpu.matmul %mul3A_94, %get3A_82, %dot_general3A_95 {dimension_numbers = #tpu.dot_dimension_numbers<[1], [0], [0], [1], [0, 0, 1, 1], [], []>, transpose_lhs_hint = false} : vector<128x512xf32>, vector<512x1024xf32>, vector<128x1024xf32> -> vector<128x1024xf32>
    %eq3A_97 = vector.broadcast %add3A_67 : i32 to vector<128x1xi32>
    %eq3A_98 = arith.cmpi eq, %get3A_3, %eq3A_97 : vector<128x1xi32>
    %jit3A_99 = arith.constant 0.000000e+00 : f32
    %broadcast_in_dim3A_100 = vector.broadcast %jit3A_99 : f32 to vector<128x1xf32>
    %select_n3A_101 = arith.select %eq3A_98, %div3A_16, %broadcast_in_dim3A_100 : vector<128x1xi1>, vector<128x1xf32>
    %eq3A_102 = vector.broadcast %add3A_67 : i32 to vector<128x1xi32>
    %eq3A_103 = arith.cmpi eq, %get3A_6, %eq3A_102 : vector<128x1xi32>
    %jit3A_104 = arith.constant 0.000000e+00 : f32
    %broadcast_in_dim3A_105 = vector.broadcast %jit3A_104 : f32 to vector<128x1xf32>
    %select_n3A_106 = arith.select %eq3A_103, %div3A_17, %broadcast_in_dim3A_105 : vector<128x1xi1>, vector<128x1xf32>
    %add3A_107 = arith.addf %select_n3A_101, %select_n3A_106 : vector<128x1xf32>
    %mul3A_108 = vector.broadcast %add3A_107 : vector<128x1xf32> to vector<128x1024xf32>
    %mul3A_109 = arith.mulf %dot_general3A_96, %mul3A_108 : vector<128x1024xf32>
    %add3A_110 = arith.addf %add3A_63, %mul3A_109 : vector<128x1024xf32>
    %get3A_111 = arith.constant 0 : index
    %get3A_112 = arith.constant 0 : index
    %get3A_113 = vector.load %arg7[%get3A_111, %get3A_112] : memref<128x1024xf32, #tpu.memory_space<vmem>>, vector<128x1024xf32>
    %add3A_114 = arith.addf %get3A_113, %add3A_110 : vector<128x1024xf32>
    %swap3A = arith.constant 0 : index
    %swap3A_115 = arith.constant 0 : index
    %swap3A_116 = vector.load %arg7[%swap3A, %swap3A_115] : memref<128x1024xf32, #tpu.memory_space<vmem>>, vector<128x1024xf32>
    tpu.vector_store %arg7[%swap3A, %swap3A_115], %add3A_114 {strides = array<i32>} : memref<128x1024xf32, #tpu.memory_space<vmem>>, vector<128x1024xf32>,
    return
  }
  func.func @transform_0(%arg0: i32) -> (i32, i32) {
    %c0_i32 = arith.constant 0 : i32
    %c0_i32_0 = arith.constant 0 : i32
    %c0_i32_1 = arith.constant 0 : i32
    return %c0_i32, %c0_i32_0 : i32, i32
  }
  func.func @transform_1(%arg0: i32) -> (i32, i32) {
    %c0_i32 = arith.constant 0 : i32
    %c0_i32_0 = arith.constant 0 : i32
    %c0_i32_1 = arith.constant 0 : i32
    return %c0_i32, %c0_i32_0 : i32, i32
  }
  func.func @transform_2(%arg0: i32) -> (i32, i32) {
    %c0_i32 = arith.constant 0 : i32
    %c0_i32_0 = arith.constant 0 : i32
    %c0_i32_1 = arith.constant 0 : i32
    return %c0_i32, %c0_i32_0 : i32, i32
  }
  func.func @transform_3(%arg0: i32) -> (i32, i32, i32) {
    %c0_i32 = arith.constant 0 : i32
    %c0_i32_0 = arith.constant 0 : i32
    %c0_i32_1 = arith.constant 0 : i32
    return %arg0, %c0_i32, %c0_i32_0 : i32, i32, i32
  }
  func.func @transform_4(%arg0: i32) -> (i32, i32, i32) {
    %c0_i32 = arith.constant 0 : i32
    %c0_i32_0 = arith.constant 0 : i32
    %c0_i32_1 = arith.constant 0 : i32
    return %arg0, %c0_i32, %c0_i32_0 : i32, i32, i32
  }
  func.func @transform_5(%arg0: i32) -> (i32, i32, i32) {
    %c0_i32 = arith.constant 0 : i32
    %c0_i32_0 = arith.constant 0 : i32
    %c0_i32_1 = arith.constant 0 : i32
    return %arg0, %c0_i32, %c0_i32_0 : i32, i32, i32
  }
  func.func @transform_6(%arg0: i32) -> (i32, i32) {
    %c0_i32 = arith.constant 0 : i32
    %c0_i32_0 = arith.constant 0 : i32
    %c0_i32_1 = arith.constant 0 : i32
    return %c0_i32, %c0_i32_0 : i32, i32
  }
}

</mosaic_0001>

<sc_bundles>
// kernel: kernel.4.cloned.1.call-start
scs
__scs_entry_jumppad:
0x0: {  	(pc) =	sbr.rel $0x88, $3  }
0x1: {  	(tag) =	ssettag $0x0;
	lr =	simm.s32 $0x1  }
0x2: {  	[smem:$0x3F9C] =	sst lr;
	_ =	strace $0xD0000000  }
0x3: {  	_ = 	snop  }
0x4: {  	_ = 	snop  }
0x5: {  	_ = 	snop  }
0x6: {  	_ = 	snop  }
0x7: {  	_ = 	snop  }
__scs_overlays_trampoline_lowered:
0x8: {  	[smem:$0x3FAB] =	sst s0  }
0x9: {  	[smem:$0x3FAC] =	sst s1  }
0xa: {  	[smem:$0x3FAD] =	sst s2  }
0xb: {  	[smem:$0x3FAE] =	sst s3  }
0xc: {  	[smem:$0x3FAF] =	sst s4  }
0xd: {  	[smem:$0x3FB0] =	sst s5  }
0xe: {  	[smem:$0x3FB1] =	sst s6  }
0xf: {  	[smem:$0x3FB2] =	sst s7  }
0x10: {  	[smem:$0x3FB3] =	sst s8  }
0x11: {  	[smem:$0x3FB4] =	sst s9;
	s0 =	simm.s32 @!p0 $0x0  }
0x12: {  	s1 =	sld [smem:$0x3F9A];
	s0 =	simm.s32 @p0 $0x1  }
0x13: {  	[smem:$0x3FB5] =	sst s0;
	s0 =	simm.s32 @!p1 $0x0  }
0x14: {  	s2 =	sld [smem:$0x3F99];
	s0 =	simm.s32 @p1 $0x1  }
0x15: {  	[smem:$0x3FB6] =	sst s0;
	s0 =	simm.s32 @!p2 $0x0  }
0x16: {  	s3 =	sld [smem:$0x3FDB];
	s0 =	simm.s32 @p2 $0x1  }
0x17: {  	s4 =	simm.s32 $0x1BF5;
	[smem:$0x3FB8] =	sst s0  }
0x18: {  	s0 =	sld [smem:$0x3F9B];
	_ =	swait.ge [sflag:s4], $0x0  }
0x19: {  	s7 =	sld [smem:$0x3F9C]  }
0x1a: {  	s8 =	sadd.s32 $0xFFFFE003, lr  }
0x1b: {  	s9 =	sadd.s32 $0xFFFFFEF7, lr;
	s5 =	simm.s32 $0xFFFFFFFF;
	p2 =	slt.u32 s8, $0xFFFFF086  }
0x1c: {  	p1 =	slt.u32 s9, $0xF7A;
	s5 =	simm.s32 @!p2 $0x0  }
0x1d: {  	s5 =	simm.s32 @p1 $0x1;
	p0 =	seq.s32 s7, s2  }
0x1e: {  	s7 =	smul.u32 @!p0 $0xF7A, s2;
	p2 =	seq.s32 @!p0 s5, $0x0  }
0x1f: {  	s9 =	smul.u32 $0xF7A, s1;
	s8 =	simm.s32 @!p0 $0x1BF5;
	p2 =	por !p2, p0  }
0x20: {  	[sflag:s8] =	ssyncset.s32 @!p0 $0xFFFFF086;
	s6 =	sadd.s32 @!p0 s3, s7;
	s7 =	simm.s32 @!p0 $0x108  }
0x21: {  	s3 =	sadd.s32 s3, s9;
	s6 =	sadd.s32 @!p0 $0x88, s6;
	s7 =	simm.s32 @p2 $0x1082  }
0x22: {  	[simem:s7], [sflag:s8] =	dma.local @!p0 [hbm:s6], $0xF7A  }
0x23: {  	s9 =	sor.u32 $0xD0000000, s2;
	s6 =	simm.s32 $0x108;
	_ =	swait.ge @!p0 [sflag:s8], $0x0  }
0x24: {  	s3 =	sadd.s32 $0x88, s3;
	s6 =	simm.s32 @!p1 $0x1082;
	[sflag:s4] =	ssyncset.s32 $0xFFFFF086  }
0x25: {  	[simem:s6], [sflag:s4] =	dma.local [hbm:s3], $0xF7A  }
0x26: {  	[smem:$0x3F9C] =	sst s1;
	(tag) =	ssettag s2;
	_ =	strace s9  }
0x27: {  	s1 =	sld [smem:$0x3FAC]  }
0x28: {  	s2 =	sld [smem:$0x3FAD]  }
0x29: {  	s4 =	sld [smem:$0x3FAF]  }
0x2a: {  	p0 =	seq.s32 s5, $0x0;
	s5 =	sld [smem:$0x3FB0]  }
0x2b: {  	s6 =	sld [smem:$0x3FB1]  }
0x2c: {  	s7 =	sld [smem:$0x3FB2]  }
0x2d: {  	s3 =	simm.s32 $0x108;
	s8 =	sld [smem:$0x3FB3]  }
0x2e: {  	s3 =	simm.s32 @!p0 $0x1082;
	s9 =	sld [smem:$0x3FB4]  }
0x2f: {  	lr =	sadd.s32 s0, s3;
	s0 =	sld [smem:$0x3FAB]  }
0x30: {  	s3 =	sld [smem:$0x3FAE]  }
0x31: {  	[smem:$0x3FB7] =	sst s10  }
0x32: {  	s10 =	sld [smem:$0x3FB5];
	_ =	sdelay $0x3  }
0x33: {  	p0 =	seq.s32 s10, $0x1;
	s10 =	sld [smem:$0x3FB7];
	_ =	sdelay $0x3  }
0x34: {  	[smem:$0x3FB7] =	sst s10  }
0x35: {  	s10 =	sld [smem:$0x3FB6];
	_ =	sdelay $0x3  }
0x36: {  	p1 =	seq.s32 s10, $0x1;
	s10 =	sld [smem:$0x3FB7];
	_ =	sdelay $0x3  }
0x37: {  	[smem:$0x3FB7] =	sst s10  }
0x38: {  	s10 =	sld [smem:$0x3FB8]  }
0x39: {  	_ = 	snop;
	(pc) =	sbr.ind lr, $3  }
0x3a: {  	_ = 	snop  }
0x3b: {  	_ = 	snop  }
0x3c: {  	p2 =	seq.s32 s10, $0x1;
	s10 =	sld [smem:$0x3FB7]  }
0x3d: {  	_ =	shalt  }
0x3e: {  	_ =	shalt  }
0x3f: {  	_ =	shalt  }
0x40: {  	_ =	shalt  }
0x41: {  	_ =	shalt  }
0x42: {  	_ =	shalt  }
0x43: {  	_ =	shalt  }
0x44: {  	_ =	shalt  }
0x45: {  	_ =	shalt  }
0x46: {  	_ =	shalt  }
0x47: {  	_ =	shalt  }
0x48: {  	_ =	shalt  }
0x49: {  	_ =	shalt  }
0x4a: {  	_ =	shalt  }
0x4b: {  	_ =	shalt  }
0x4c: {  	_ =	shalt  }
0x4d: {  	_ =	shalt  }
0x4e: {  	_ =	shalt  }
0x4f: {  	_ =	shalt  }
0x50: {  	_ =	shalt  }
0x51: {  	_ =	shalt  }
0x52: {  	_ =	shalt  }
0x53: {  	_ =	shalt  }
0x54: {  	_ =	shalt  }
0x55: {  	_ =	shalt  }
0x56: {  	_ =	shalt  }
0x57: {  	_ =	shalt  }
0x58: {  	_ =	shalt  }
0x59: {  	_ =	shalt  }
0x5a: {  	_ =	shalt  }
0x5b: {  	_ =	shalt  }
0x5c: {  	_ =	shalt  }
0x5d: {  	_ =	shalt  }
0x5e: {  	_ =	shalt  }
0x5f: {  	_ =	shalt  }
0x60: {  	_ =	shalt  }
0x61: {  	_ =	shalt  }
0x62: {  	_ =	shalt  }
0x63: {  	_ =	shalt  }
0x64: {  	_ =	shalt  }
0x65: {  	_ =	shalt  }
0x66: {  	_ =	shalt  }
0x67: {  	_ =	shalt  }
0x68: {  	_ =	shalt  }
0x69: {  	_ =	shalt  }
0x6a: {  	_ =	shalt  }
0x6b: {  	_ =	shalt  }
0x6c: {  	_ =	shalt  }
0x6d: {  	_ =	shalt  }
0x6e: {  	_ =	shalt  }
0x6f: {  	_ =	shalt  }
0x70: {  	_ =	shalt  }
0x71: {  	_ =	shalt  }
0x72: {  	_ =	shalt  }
0x73: {  	_ =	shalt  }
0x74: {  	_ =	shalt  }
0x75: {  	_ =	shalt  }
0x76: {  	_ =	shalt  }
0x77: {  	_ =	shalt  }
0x78: {  	_ =	shalt  }
0x79: {  	_ =	shalt  }
0x7a: {  	_ =	shalt  }
0x7b: {  	_ =	shalt  }
0x7c: {  	_ =	shalt  }
0x7d: {  	_ =	shalt  }
0x7e: {  	_ =	shalt  }
0x7f: {  	_ =	shalt  }
0x80: {  	_ =	shalt  }
0x81: {  	_ =	shalt  }
0x82: {  	_ =	shalt  }
0x83: {  	_ =	shalt  }
0x84: {  	_ =	shalt  }
0x85: {  	_ =	shalt  }
0x86: {  	_ =	shalt  }
0x87: {  	_ =	shalt  }
.Lfunc_end0:
.L_simem_size_0:
called_computation_lowered:
.L_overlay_start_0:
0x88: {  	s0 =	sld [smem:$0x3FD9]  }
0x89: {  	s1 =	sld [smem:$0x3FFE];
	_ =	sdelay $0x3  }
0x8a: {  	s0 =	sadd.s32 s1, s0  }
0x8b: {  	[smem:$0x3FC3] =	sst s0  }
0x8c: {  	_ = 	snop  }
0x8d: {  	s0 =	sld [smem:$0x3FD0];
	(tm) =	ssettm $0x1  }
0x8e: {  	s16 =	sld [smem:$0x3FFB];
	_ =	sdelay $0x3  }
0x8f: {  	_ =	strace s16  }
0x90: {  	s1 =	sld [smem:$0x3FFC];
	_ =	sdelay $0x3  }
0x91: {  	_ =	strace s1  }
0x92: {  	s1 =	sld [smem:$0x3FFD];
	_ =	sdelay $0x3  }
0x93: {  	_ =	strace s1  }
0x94: {  	_ =	strace $0x8FFFFFFF  }
0x95: {  	s17 =	sld [smem:$0x3FDB];
	_ =	sdelay $0x1  }
0x96: {  	s2 =	simm.s32 $_scs_section_size  }
0x97: {  	s3 =	simm.s32 $_size__tile_overlayer_lowered;
	s4 =	simm.s32 $_tile_overlayer_lowered  }
0x98: {  	s20 =	simm.s32 $0x1BFF;
	s19 =	sshll.u32 s4, $0x1;
	s1 =	sadd.s32 s2, s17  }
0x99: {  	s5 =	simm.s32 $0x0;
	s18 =	sshll.u32 s3, $0x1;
	s3 =	sadd.s32 s19, s1  }
0x9a: {  	[timem:s5], [sflag:s20] =	dma.local [hbm:s3], s18  }
0x9b: {  	_ =	swait.ge [sflag:s20], s18  }
0x9c: {  	s2 =	ssub.s32 $0x0, s18;
	[sflag:s20] =	ssyncset.done $0x0  }
0x9d: {  	[sflag:s20] =	ssyncadd.s32 s2;
	_ =	sdelay $0x1  }
0x9e: {  	s21 =	simm.s32 $0x1B8B  }
0x9f: {  	_ =	swait.ge [sflag:s21], $0x1  }
0xa0: {  	[sflag:s21] =	ssyncset.done $0x0  }
0xa1: {  	s23 =	simm.s32 $0x1B8E;
	s22 =	sld [smem:$0x3FFE];
	[sflag:s21] =	ssyncadd.s32 $0xFFFFFFFF  }
0xa2: {  	s24 =	simm.s32 $execute0_lowered;
	[smem:$0x3FD2] =	sst s23  }
0xa3: {  	s3 =	sshll.u32 s24, $0x1;
	_ =	strace $0x80000046;
	[dreg:$0x1] =	wrdreg $0xFFFFFFFF  }
0xa4: {  	s25 =	simm.s32 $_size_execute0_lowered;
	s1 =	sadd.s32 s1, s3;
	[dreg:$0x0] =	wrdreg $0x0  }
0xa5: {  	s3 =	sshll.u32 s25, $0x1;
	[dreg:$0x2] =	wrdreg s1  }
0xa6: {  	[dreg:$0x3] =	wrdreg s3  }
0xa7: {  	[dreg:$0x4] =	wrdreg $0xC0  }
0xa8: {  	_ =	task [dreg:s5], $0x5FFFF  }
0xa9: {  	[dreg:$0x1] =	wrdreg $0xFFFFFFFF  }
0xaa: {  	[dreg:$0x0] =	wrdreg $0x60  }
0xab: {  	[dreg:$0x2] =	wrdreg s0  }
0xac: {  	[dreg:$0x3] =	wrdreg s22  }
0xad: {  	[dreg:$0x4] =	wrdreg $0x9  }
0xae: {  	_ =	task.clear_ibuf [dreg:s5], $0x5FFFF;
	_ =	strace $0x90000046  }
0xaf: {  	s26 =	simm.s32 $0x9;
	_ =	strace $0x80000048  }
0xb0: {  	_ =	swait.ge [sflag:s26], $0x1  }
0xb1: {  	[sflag:s26] =	ssyncadd.s32 $0xFFFFFFFF  }
0xb2: {  	_ =	strace $0x90000048  }
0xb3: {  	_ =	sfence  }
0xb4: {  	s28 =	sld [smem:$0x0];
	_ =	sdelay $0x1  }
0xb5: {  	s29 =	srdreg.scid  }
0xb6: {  	s30 =	sshll.u32 s29, $0xD;
	s31 =	sshrl.u32 s29, $0x2  }
0xb7: {  	s2 =	sand.u32 $0x4000, s30;
	s1 =	sand.u32 $0x1, s29;
	s0 =	sadd.s32 s31, s28  }
0xb8: {  	s1 =	sor.u32 s2, s1;
	s0 =	sshll.u32 s0, $0x11  }
0xb9: {  	s0 =	sor.u32 s0, s1  }
0xba: {  	s0 =	sadd.s32 $0x8F2B, s0  }
0xbb: {  	[sflag:s0] =	ssyncadd.remote.s32 $0x1  }
0xbc: {  	_ =	sfence.sel $0xFFFF  }
0xbd: {  	[dreg:$0x0] =	wrdreg $0xFFFFFFFF;
	(pc) =	sbr.abs _section_cstart, $3  }
0xbe: {  	[dreg:$0x1] =	wrdreg $0xFFFFFFFF  }
0xbf: {  	_ =	task.clear_ibuf [dreg:s5], $0x2FFFF;
	_ =	strace $0x9FFFFFFF  }
0xc0: {  	(tm) =	ssettm $0x7FFFFFFF  }
0xc1: {  	_ =	shalt  }
tec
execute0_lowered:
.L_overlay_start_1:
0x0: {  	(tag) =	ssettag $0x1  }
0x1: {  	s0 =	rddreg [dreg:$0x0];
	s2 =	simm.s32 $0x0;
	s1 =	stileid.u32  }
0x2: {  	[smem:$0x7FF] =	sst s2;
	s1 =	sshll.u32 s1, $0x7  }
0x3: {  	[dreg:$0x3] =	wrdreg s1  }
0x4: {  	s0 =	sadd.s32 s0, s1;
	_ =	strace $0x80000047  }
0x5: {  	[tilespmem:s2], [sflag:$0x1] =	stream.linear.gather [hbm4b:s0+s2], $0x400, $0x38;
	[tilespmem:$0xC00] =	vst v63  }
0x6: {  	s2 =	simm.s32 $0x1  }
0x7: {  	_ =	swait.ge [sflag:s2], $0x400  }
0x8: {  	[sflag:s2] =	ssyncset.done $0x0  }
0x9: {  	[sflag:s2] =	ssyncadd.s32 $0xFFFFFC00  }
0xa: {  	v6 =	vld [tilespmem:$0x0]  }
0xb: {  	v8 =	vld [tilespmem:$0x10]  }
0xc: {  	v10 =	vld [tilespmem:$0x20]  }
0xd: {  	v11 =	vld [tilespmem:$0x30];
	_ =	sdelay $0x1  }
0xe: {  	(xrf0) =	vmax.scan.msk.f32 $0xffff, v6  }
0xf: {  	(xrf0) =	vmax.scan.msk.f32 $0xffff, v8  }
0x10: {  	(xrf0) =	vmax.scan.msk.f32 $0xffff, v10  }
0x11: {  	(xrf0) =	vmax.scan.msk.f32 $0xffff, v11;
	_ =	sdelay $0x2  }
0x12: {  	v0, _, _ =	vpop (xrf0)  }
0x13: {  	(v2sf) =	vpush v0, $0xF;
	v20, _, _ =	vpop (xrf0)  }
0x14: {  	(v2sf) =	vpush v20, $0xF;
	v21, _, _ =	vpop (xrf0)  }
0x15: {  	(v2sf) =	vpush v21, $0xF;
	v22, _, _ =	vpop (xrf0)  }
0x16: {  	(v2sf) =	vpush v22, $0xF;
	_ =	sdelay $0xb  }
0x17: {  	s3 =	spop (v2sf)  }
0x18: {  	s4 =	spop (v2sf)  }
0x19: {  	s0 =	smax.f32 s3, s4;
	s5 =	spop (v2sf)  }
0x1a: {  	s0 =	smax.f32 s0, s5;
	s6 =	spop (v2sf)  }
0x1b: {  	v0 =	vlaneseq.u32;
	s0 =	smax.f32 s0, s6  }
0x1c: {  	v5 =	vor.u32 $0x80000000, v0;
	vm0 =	veq.f32 v6, s0  }
0x1d: {  	v4 =	vor.u32 $0x80000010, v0;
	vm5 =	veq.f32 v8, s0;
	v1 =	vnsel vm0, $0x80000040, v5  }
0x1e: {  	v23 =	vnsel vm5, $0x80000040, v4;
	(xrf0) =	vmin.scan.msk.u32 $0xffff, v1  }
0x1f: {  	v3 =	vor.u32 $0x80000020, v0;
	vm6 =	veq.f32 v10, s0;
	(xrf0) =	vmin.scan.msk.u32 $0xffff, v23  }
0x20: {  	v24 =	vnsel vm6, $0x80000040, v3  }
0x21: {  	v2 =	vor.u32 $0x80000030, v0;
	vm7 =	veq.f32 v11, s0;
	(xrf0) =	vmin.scan.msk.u32 $0xffff, v24  }
0x22: {  	v25 =	vnsel vm7, $0x80000040, v2  }
0x23: {  	(xrf0) =	vmin.scan.msk.u32 $0xffff, v25  }
0x24: {  	v26, _, _ =	vpop (xrf0)  }
0x25: {  	(v2sf) =	vpush v26, $0xF;
	v27, _, _ =	vpop (xrf0)  }
0x26: {  	(v2sf) =	vpush v27, $0xF  }
0x27: {  	v28, _, _ =	vpop (xrf0)  }
0x28: {  	(v2sf) =	vpush v28, $0xF  }
0x29: {  	v29, _, _ =	vpop (xrf0)  }
0x2a: {  	(v2sf) =	vpush v29, $0xF;
	_ =	sdelay $0x9  }
0x2b: {  	s7 =	spop (v2sf)  }
0x2c: {  	s8 =	spop (v2sf)  }
0x2d: {  	[dreg:$0x4] =	wrdreg s0;
	s0 =	sxor.u32 $0x80000000, s7;
	s1 =	sxor.u32 $0x80000000, s8  }
0x2e: {  	s9 =	spop (v2sf);
	p0 =	slt.s32 s0, s1  }
0x2f: {  	s1 =	smov.u32 @p0 s0;
	s0 =	sxor.u32 $0x80000000, s9  }
0x30: {  	s10 =	spop (v2sf);
	p0 =	slt.s32 s1, s0  }
0x31: {  	s0 =	smov.u32 @p0 s1;
	s1 =	sxor.u32 $0x80000000, s10  }
0x32: {  	p0 =	slt.s32 s0, s1  }
0x33: {  	s1 =	smov.u32 @p0 s0  }
0x34: {  	p0 =	slt.s32 s1, $0x40  }
0x35: {  	s1 =	simm.s32 @!p0 $0x40  }
0x36: {  	v1 =	vmov s1  }
0x37: {  	v7 =	vor.u32 $0x10, v0;
	vm8 =	veq.s32 v1, v0  }
0x38: {  	v9 =	vor.u32 $0x20, v0;
	vm9 =	veq.s32 v1, v7;
	v6 =	vsel vm8, $0xF149F2CA, v6  }
0x39: {  	vm10 =	veq.s32 v1, v9;
	v12 =	vsel vm9, $0xF149F2CA, v8;
	v8 =	vor.u32 $0x30, v0;
	(xrf0) =	vmax.scan.msk.f32 $0xffff, v6  }
0x3a: {  	v10 =	vsel vm10, $0xF149F2CA, v10;
	vm11 =	veq.s32 v1, v8;
	(xrf0) =	vmax.scan.msk.f32 $0xffff, v12  }
0x3b: {  	v11 =	vsel vm11, $0xF149F2CA, v11;
	(xrf0) =	vmax.scan.msk.f32 $0xffff, v10  }
0x3c: {  	(xrf0) =	vmax.scan.msk.f32 $0xffff, v11;
	_ =	sdelay $0x2  }
0x3d: {  	v13, _, _ =	vpop (xrf0)  }
0x3e: {  	(v2sf) =	vpush v13, $0xF;
	v30, _, _ =	vpop (xrf0)  }
0x3f: {  	(v2sf) =	vpush v30, $0xF;
	v31, _, _ =	vpop (xrf0)  }
0x40: {  	(v2sf) =	vpush v31, $0xF;
	v32, _, _ =	vpop (xrf0)  }
0x41: {  	(v2sf) =	vpush v32, $0xF;
	_ =	sdelay $0xb  }
0x42: {  	s11 =	spop (v2sf)  }
0x43: {  	s0 =	smax.f32 s11, $-1.000000020e+30;
	s12 =	spop (v2sf)  }
0x44: {  	s0 =	smax.f32 s0, s12;
	s13 =	spop (v2sf)  }
0x45: {  	s0 =	smax.f32 s0, s13;
	s14 =	spop (v2sf)  }
0x46: {  	s31 =	smax.f32 s0, s14  }
0x47: {  	vm12 =	veq.f32 v6, s31  }
0x48: {  	vm13 =	veq.f32 v12, s31;
	v6 =	vnsel vm12, $0x80000040, v5  }
0x49: {  	vm14 =	veq.f32 v10, s31;
	v33 =	vnsel vm13, $0x80000040, v4;
	(xrf0) =	vmin.scan.msk.u32 $0xffff, v6  }
0x4a: {  	vm15 =	veq.f32 v11, s31;
	v34 =	vnsel vm14, $0x80000040, v3;
	(xrf0) =	vmin.scan.msk.u32 $0xffff, v33  }
0x4b: {  	v35 =	vnsel vm15, $0x80000040, v2;
	(xrf0) =	vmin.scan.msk.u32 $0xffff, v34  }
0x4c: {  	(xrf0) =	vmin.scan.msk.u32 $0xffff, v35;
	_ =	sdelay $0x2  }
0x4d: {  	v36, _, _ =	vpop (xrf0)  }
0x4e: {  	(v2sf) =	vpush v36, $0xF;
	v37, _, _ =	vpop (xrf0)  }
0x4f: {  	(v2sf) =	vpush v37, $0xF;
	v38, _, _ =	vpop (xrf0)  }
0x50: {  	(v2sf) =	vpush v38, $0xF;
	v39, _, _ =	vpop (xrf0)  }
0x51: {  	v40 =	vld [tilespmem:$0x80];
	(v2sf) =	vpush v39, $0xF  }
0x52: {  	v41 =	vld [tilespmem:$0x90]  }
0x53: {  	v42 =	vld [tilespmem:$0xA0]  }
0x54: {  	v43 =	vld [tilespmem:$0xB0];
	_ =	sdelay $0x1  }
0x55: {  	(xrf0) =	vmax.scan.msk.f32 $0xffff, v40  }
0x56: {  	(xrf0) =	vmax.scan.msk.f32 $0xffff, v41  }
0x57: {  	(xrf0) =	vmax.scan.msk.f32 $0xffff, v42  }
0x58: {  	(xrf0) =	vmax.scan.msk.f32 $0xffff, v43;
	_ =	sdelay $0x2  }
0x59: {  	v44, _, _ =	vpop (xrf0)  }
0x5a: {  	v45, _, _ =	vpop (xrf0);
	s3 =	spop (v2sf);
	(v2sf) =	vpush v44, $0xF  }
0x5b: {  	v46, _, _ =	vpop (xrf0);
	s6 =	spop (v2sf);
	(v2sf) =	vpush v45, $0xF  }
0x5c: {  	v47, _, _ =	vpop (xrf0);
	s5 =	spop (v2sf);
	(v2sf) =	vpush v46, $0xF  }
0x5d: {  	s4 =	spop (v2sf);
	(v2sf) =	vpush v47, $0xF;
	_ =	sdelay $0xb  }
0x5e: {  	s15 =	spop (v2sf)  }
0x5f: {  	s16 =	spop (v2sf)  }
0x60: {  	s0 =	smax.f32 s15, s16;
	s17 =	spop (v2sf)  }
0x61: {  	s0 =	smax.f32 s0, s17;
	s18 =	spop (v2sf)  }
0x62: {  	s30 =	smax.f32 s0, s18  }
0x63: {  	vm4 =	veq.f32 v40, s30  }
0x64: {  	vm5 =	veq.f32 v41, s30;
	v48 =	vnsel vm4, $0x80000040, v5  }
0x65: {  	v49 =	vnsel vm5, $0x80000040, v4;
	(xrf0) =	vmin.scan.msk.u32 $0xffff, v48  }
0x66: {  	vm6 =	veq.f32 v42, s30;
	(xrf0) =	vmin.scan.msk.u32 $0xffff, v49  }
0x67: {  	v50 =	vnsel vm6, $0x80000040, v3  }
0x68: {  	vm7 =	veq.f32 v43, s30;
	(xrf0) =	vmin.scan.msk.u32 $0xffff, v50  }
0x69: {  	v51 =	vnsel vm7, $0x80000040, v2  }
0x6a: {  	(xrf0) =	vmin.scan.msk.u32 $0xffff, v51  }
0x6b: {  	v52, _, _ =	vpop (xrf0)  }
0x6c: {  	(v2sf) =	vpush v52, $0xF;
	v53, _, _ =	vpop (xrf0)  }
0x6d: {  	(v2sf) =	vpush v53, $0xF  }
0x6e: {  	v54, _, _ =	vpop (xrf0)  }
0x6f: {  	(v2sf) =	vpush v54, $0xF  }
0x70: {  	v55, _, _ =	vpop (xrf0)  }
0x71: {  	(v2sf) =	vpush v55, $0xF;
	_ =	sdelay $0x9  }
0x72: {  	s19 =	spop (v2sf)  }
0x73: {  	s20 =	spop (v2sf)  }
0x74: {  	s0 =	sxor.u32 $0x80000000, s19;
	s1 =	sxor.u32 $0x80000000, s20  }
0x75: {  	s21 =	spop (v2sf);
	p0 =	slt.s32 s0, s1  }
0x76: {  	s1 =	smov.u32 @p0 s0;
	s0 =	sxor.u32 $0x80000000, s21  }
0x77: {  	s22 =	spop (v2sf);
	p0 =	slt.s32 s1, s0  }
0x78: {  	s0 =	smov.u32 @p0 s1;
	s1 =	sxor.u32 $0x80000000, s22  }
0x79: {  	p0 =	slt.s32 s0, s1  }
0x7a: {  	s1 =	smov.u32 @p0 s0  }
0x7b: {  	p0 =	slt.s32 s1, $0x40  }
0x7c: {  	s1 =	simm.s32 @!p0 $0x40  }
0x7d: {  	v6 =	vmov s1  }
0x7e: {  	vm8 =	veq.s32 v6, v0  }
0x7f: {  	vm9 =	veq.s32 v6, v7;
	v10 =	vsel vm8, $0xF149F2CA, v40  }
0x80: {  	vm10 =	veq.s32 v6, v9;
	v11 =	vsel vm9, $0xF149F2CA, v41;
	(xrf0) =	vmax.scan.msk.f32 $0xffff, v10  }
0x81: {  	vm11 =	veq.s32 v6, v8;
	v12 =	vsel vm10, $0xF149F2CA, v42;
	(xrf0) =	vmax.scan.msk.f32 $0xffff, v11  }
0x82: {  	v13 =	vsel vm11, $0xF149F2CA, v43;
	(xrf0) =	vmax.scan.msk.f32 $0xffff, v12  }
0x83: {  	(xrf0) =	vmax.scan.msk.f32 $0xffff, v13;
	_ =	sdelay $0x2  }
0x84: {  	v14, _, _ =	vpop (xrf0)  }
0x85: {  	(v2sf) =	vpush v14, $0xF;
	v56, _, _ =	vpop (xrf0)  }
0x86: {  	(v2sf) =	vpush v56, $0xF;
	v57, _, _ =	vpop (xrf0)  }
0x87: {  	(v2sf) =	vpush v57, $0xF;
	v58, _, _ =	vpop (xrf0)  }
0x88: {  	(v2sf) =	vpush v58, $0xF;
	_ =	sdelay $0xb  }
0x89: {  	s23 =	spop (v2sf)  }
0x8a: {  	s0 =	smax.f32 s23, $-1.000000020e+30;
	s24 =	spop (v2sf)  }
0x8b: {  	s0 =	smax.f32 s0, s24;
	s25 =	spop (v2sf)  }
0x8c: {  	s0 =	smax.f32 s0, s25;
	s26 =	spop (v2sf)  }
0x8d: {  	s25 =	smax.f32 s0, s26  }
0x8e: {  	vm12 =	veq.f32 v10, s25  }
0x8f: {  	v59 =	vld [tilespmem:$0x100];
	vm13 =	veq.f32 v11, s25;
	v10 =	vnsel vm12, $0x80000040, v5  }
0x90: {  	v61 =	vld [tilespmem:$0x110];
	vm14 =	veq.f32 v12, s25;
	v60 =	vnsel vm13, $0x80000040, v4;
	(xrf0) =	vmin.scan.msk.u32 $0xffff, v10  }
0x91: {  	v63 =	vld [tilespmem:$0x120];
	vm15 =	veq.f32 v13, s25;
	v62 =	vnsel vm14, $0x80000040, v3;
	(xrf0) =	vmin.scan.msk.u32 $0xffff, v60  }
0x92: {  	v17 =	vld [tilespmem:$0x130];
	v16 =	vnsel vm15, $0x80000040, v2;
	(xrf0) =	vmin.scan.msk.u32 $0xffff, v62  }
0x93: {  	(xrf0) =	vmin.scan.msk.u32 $0xffff, v16  }
0x94: {  	(xrf0) =	vmax.scan.msk.f32 $0xffff, v59  }
0x95: {  	(xrf0) =	vmax.scan.msk.f32 $0xffff, v61  }
0x96: {  	v18, _, _ =	vpop (xrf0);
	(xrf0) =	vmax.scan.msk.f32 $0xffff, v63  }
0x97: {  	(v2sf) =	vpush v18, $0xF;
	v19, _, _ =	vpop (xrf0);
	(xrf0) =	vmax.scan.msk.f32 $0xffff, v17  }
0x98: {  	(v2sf) =	vpush v19, $0xF;
	v20, _, _ =	vpop (xrf0)  }
0x99: {  	(v2sf) =	vpush v20, $0xF;
	v21, _, _ =	vpop (xrf0)  }
0x9a: {  	(v2sf) =	vpush v21, $0xF;
	v22, _, _ =	vpop (xrf0)  }
0x9b: {  	(v2sf) =	vpush v22, $0xF;
	v23, _, _ =	vpop (xrf0)  }
0x9c: {  	(v2sf) =	vpush v23, $0xF;
	v24, _, _ =	vpop (xrf0)  }
0x9d: {  	(v2sf) =	vpush v24, $0xF;
	v25, _, _ =	vpop (xrf0)  }
0x9e: {  	(v2sf) =	vpush v25, $0xF;
	_ =	sdelay $0x7  }
0x9f: {  	s28 =	spop (v2sf)  }
0xa0: {  	s29 =	spop (v2sf)  }
0xa1: {  	s1 =	spop (v2sf)  }
0xa2: {  	s7 =	spop (v2sf)  }
0xa3: {  	s2 =	spop (v2sf)  }
0xa4: {  	s8 =	spop (v2sf)  }
0xa5: {  	s0 =	smax.f32 s2, s8;
	s9 =	spop (v2sf)  }
0xa6: {  	s0 =	smax.f32 s0, s9;
	s10 =	spop (v2sf)  }
0xa7: {  	s23 =	smax.f32 s0, s10  }
0xa8: {  	vm4 =	veq.f32 v59, s23  }
0xa9: {  	vm5 =	veq.f32 v61, s23;
	v26 =	vnsel vm4, $0x80000040, v5  }
0xaa: {  	v27 =	vnsel vm5, $0x80000040, v4;
	(xrf0) =	vmin.scan.msk.u32 $0xffff, v26  }
0xab: {  	vm6 =	veq.f32 v63, s23;
	(xrf0) =	vmin.scan.msk.u32 $0xffff, v27  }
0xac: {  	v28 =	vnsel vm6, $0x80000040, v3  }
0xad: {  	vm7 =	veq.f32 v17, s23;
	(xrf0) =	vmin.scan.msk.u32 $0xffff, v28  }
0xae: {  	v29 =	vnsel vm7, $0x80000040, v2  }
0xaf: {  	(xrf0) =	vmin.scan.msk.u32 $0xffff, v29  }
0xb0: {  	v30, _, _ =	vpop (xrf0)  }
0xb1: {  	(v2sf) =	vpush v30, $0xF;
	v31, _, _ =	vpop (xrf0)  }
0xb2: {  	(v2sf) =	vpush v31, $0xF  }
0xb3: {  	v32, _, _ =	vpop (xrf0)  }
0xb4: {  	(v2sf) =	vpush v32, $0xF  }
0xb5: {  	v33, _, _ =	vpop (xrf0)  }
0xb6: {  	(v2sf) =	vpush v33, $0xF;
	_ =	sdelay $0x9  }
0xb7: {  	s11 =	spop (v2sf)  }
0xb8: {  	s12 =	spop (v2sf)  }
0xb9: {  	[dreg:$0x5] =	wrdreg s1;
	s0 =	sxor.u32 $0x80000000, s11;
	s1 =	sxor.u32 $0x80000000, s12  }
0xba: {  	s13 =	spop (v2sf);
	p0 =	slt.s32 s0, s1  }
0xbb: {  	s1 =	smov.u32 @p0 s0;
	s0 =	sxor.u32 $0x80000000, s13  }
0xbc: {  	s14 =	spop (v2sf);
	p0 =	slt.s32 s1, s0  }
0xbd: {  	s0 =	smov.u32 @p0 s1;
	s1 =	sxor.u32 $0x80000000, s14  }
0xbe: {  	p0 =	slt.s32 s0, s1  }
0xbf: {  	s1 =	smov.u32 @p0 s0  }
0xc0: {  	p0 =	slt.s32 s1, $0x40  }
0xc1: {  	s1 =	simm.s32 @!p0 $0x40  }
0xc2: {  	v10 =	vmov s1  }
0xc3: {  	vm8 =	veq.s32 v10, v0  }
0xc4: {  	vm9 =	veq.s32 v10, v7;
	v11 =	vsel vm8, $0xF149F2CA, v59  }
0xc5: {  	vm10 =	veq.s32 v10, v9;
	v12 =	vsel vm9, $0xF149F2CA, v61;
	(xrf0) =	vmax.scan.msk.f32 $0xffff, v11  }
0xc6: {  	vm11 =	veq.s32 v10, v8;
	v13 =	vsel vm10, $0xF149F2CA, v63;
	(xrf0) =	vmax.scan.msk.f32 $0xffff, v12  }
0xc7: {  	v14 =	vsel vm11, $0xF149F2CA, v17;
	(xrf0) =	vmax.scan.msk.f32 $0xffff, v13  }
0xc8: {  	(xrf0) =	vmax.scan.msk.f32 $0xffff, v14;
	_ =	sdelay $0x2  }
0xc9: {  	v15, _, _ =	vpop (xrf0)  }
0xca: {  	(v2sf) =	vpush v15, $0xF;
	v34, _, _ =	vpop (xrf0)  }
0xcb: {  	(v2sf) =	vpush v34, $0xF;
	v35, _, _ =	vpop (xrf0)  }
0xcc: {  	(v2sf) =	vpush v35, $0xF;
	v36, _, _ =	vpop (xrf0)  }
0xcd: {  	(v2sf) =	vpush v36, $0xF;
	_ =	sdelay $0xb  }
0xce: {  	s15 =	spop (v2sf)  }
0xcf: {  	s0 =	smax.f32 s15, $-1.000000020e+30;
	s16 =	spop (v2sf)  }
0xd0: {  	s0 =	smax.f32 s0, s16;
	s17 =	spop (v2sf)  }
0xd1: {  	s0 =	smax.f32 s0, s17;
	s18 =	spop (v2sf)  }
0xd2: {  	s22 =	smax.f32 s0, s18  }
0xd3: {  	vm12 =	veq.f32 v11, s22  }
0xd4: {  	v37 =	vld [tilespmem:$0x180];
	vm13 =	veq.f32 v12, s22;
	v11 =	vnsel vm12, $0x80000040, v5  }
0xd5: {  	v39 =	vld [tilespmem:$0x190];
	vm14 =	veq.f32 v13, s22;
	v38 =	vnsel vm13, $0x80000040, v4;
	(xrf0) =	vmin.scan.msk.u32 $0xffff, v11  }
0xd6: {  	v41 =	vld [tilespmem:$0x1A0];
	vm15 =	veq.f32 v14, s22;
	v40 =	vnsel vm14, $0x80000040, v3;
	(xrf0) =	vmin.scan.msk.u32 $0xffff, v38  }
0xd7: {  	v43 =	vld [tilespmem:$0x1B0];
	v42 =	vnsel vm15, $0x80000040, v2;
	(xrf0) =	vmin.scan.msk.u32 $0xffff, v40  }
0xd8: {  	(xrf0) =	vmin.scan.msk.u32 $0xffff, v42  }
0xd9: {  	(xrf0) =	vmax.scan.msk.f32 $0xffff, v37  }
0xda: {  	(xrf0) =	vmax.scan.msk.f32 $0xffff, v39  }
0xdb: {  	v44, _, _ =	vpop (xrf0);
	(xrf0) =	vmax.scan.msk.f32 $0xffff, v41  }
0xdc: {  	(v2sf) =	vpush v44, $0xF;
	v45, _, _ =	vpop (xrf0);
	(xrf0) =	vmax.scan.msk.f32 $0xffff, v43  }
0xdd: {  	(v2sf) =	vpush v45, $0xF;
	v46, _, _ =	vpop (xrf0)  }
0xde: {  	(v2sf) =	vpush v46, $0xF;
	v47, _, _ =	vpop (xrf0)  }
0xdf: {  	(v2sf) =	vpush v47, $0xF;
	v48, _, _ =	vpop (xrf0)  }
0xe0: {  	(v2sf) =	vpush v48, $0xF;
	v49, _, _ =	vpop (xrf0)  }
0xe1: {  	(v2sf) =	vpush v49, $0xF;
	v50, _, _ =	vpop (xrf0)  }
0xe2: {  	(v2sf) =	vpush v50, $0xF;
	v51, _, _ =	vpop (xrf0)  }
0xe3: {  	(v2sf) =	vpush v51, $0xF;
	_ =	sdelay $0x7  }
0xe4: {  	s19 =	spop (v2sf)  }
0xe5: {  	s20 =	spop (v2sf)  }
0xe6: {  	s21 =	spop (v2sf)  }
0xe7: {  	s24 =	spop (v2sf)  }
0xe8: {  	[dreg:$0x6] =	wrdreg s28;
	s26 =	spop (v2sf)  }
0xe9: {  	[dreg:$0x7] =	wrdreg s29;
	s28 =	spop (v2sf)  }
0xea: {  	s0 =	smax.f32 s26, s28;
	s29 =	spop (v2sf)  }
0xeb: {  	s0 =	smax.f32 s0, s29;
	s2 =	spop (v2sf)  }
0xec: {  	[dreg:$0xa] =	wrdreg s19;
	s19 =	smax.f32 s0, s2  }
0xed: {  	vm4 =	veq.f32 v37, s19  }
0xee: {  	vm5 =	veq.f32 v39, s19;
	v52 =	vnsel vm4, $0x80000040, v5  }
0xef: {  	v53 =	vnsel vm5, $0x80000040, v4;
	(xrf0) =	vmin.scan.msk.u32 $0xffff, v52  }
0xf0: {  	vm6 =	veq.f32 v41, s19;
	(xrf0) =	vmin.scan.msk.u32 $0xffff, v53  }
0xf1: {  	v54 =	vnsel vm6, $0x80000040, v3  }
0xf2: {  	vm7 =	veq.f32 v43, s19;
	(xrf0) =	vmin.scan.msk.u32 $0xffff, v54  }
0xf3: {  	v55 =	vnsel vm7, $0x80000040, v2  }
0xf4: {  	(xrf0) =	vmin.scan.msk.u32 $0xffff, v55  }
0xf5: {  	v56, _, _ =	vpop (xrf0)  }
0xf6: {  	(v2sf) =	vpush v56, $0xF;
	v57, _, _ =	vpop (xrf0)  }
0xf7: {  	(v2sf) =	vpush v57, $0xF  }
0xf8: {  	v58, _, _ =	vpop (xrf0)  }
0xf9: {  	(v2sf) =	vpush v58, $0xF  }
0xfa: {  	v59, _, _ =	vpop (xrf0)  }
0xfb: {  	(v2sf) =	vpush v59, $0xF;
	_ =	sdelay $0x9  }
0xfc: {  	s8 =	spop (v2sf)  }
0xfd: {  	s9 =	spop (v2sf)  }
0xfe: {  	s0 =	sxor.u32 $0x80000000, s8;
	s1 =	sxor.u32 $0x80000000, s9  }
0xff: {  	s10 =	spop (v2sf);
	p0 =	slt.s32 s0, s1  }
0x100: {  	s1 =	smov.u32 @p0 s0;
	s0 =	sxor.u32 $0x80000000, s10  }
0x101: {  	s11 =	spop (v2sf);
	p0 =	slt.s32 s1, s0  }
0x102: {  	s0 =	smov.u32 @p0 s1;
	s1 =	sxor.u32 $0x80000000, s11  }
0x103: {  	p0 =	slt.s32 s0, s1  }
0x104: {  	s1 =	smov.u32 @p0 s0  }
0x105: {  	p0 =	slt.s32 s1, $0x40  }
0x106: {  	s1 =	simm.s32 @!p0 $0x40  }
0x107: {  	v11 =	vmov s1  }
0x108: {  	vm8 =	veq.s32 v11, v0  }
0x109: {  	vm9 =	veq.s32 v11, v7;
	v12 =	vsel vm8, $0xF149F2CA, v37  }
0x10a: {  	vm10 =	veq.s32 v11, v9;
	v13 =	vsel vm9, $0xF149F2CA, v39;
	(xrf0) =	vmax.scan.msk.f32 $0xffff, v12  }
0x10b: {  	vm11 =	veq.s32 v11, v8;
	v14 =	vsel vm10, $0xF149F2CA, v41;
	(xrf0) =	vmax.scan.msk.f32 $0xffff, v13  }
0x10c: {  	v15 =	vsel vm11, $0xF149F2CA, v43;
	(xrf0) =	vmax.scan.msk.f32 $0xffff, v14  }
0x10d: {  	(xrf0) =	vmax.scan.msk.f32 $0xffff, v15;
	_ =	sdelay $0x2  }
0x10e: {  	v16, _, _ =	vpop (xrf0)  }
0x10f: {  	(v2sf) =	vpush v16, $0xF;
	v60, _, _ =	vpop (xrf0)  }
0x110: {  	(v2sf) =	vpush v60, $0xF;
	v61, _, _ =	vpop (xrf0)  }
0x111: {  	(v2sf) =	vpush v61, $0xF;
	v62, _, _ =	vpop (xrf0)  }
0x112: {  	(v2sf) =	vpush v62, $0xF;
	_ =	sdelay $0xb  }
0x113: {  	s12 =	spop (v2sf)  }
0x114: {  	s0 =	smax.f32 s12, $-1.000000020e+30;
	s13 =	spop (v2sf)  }
0x115: {  	s0 =	smax.f32 s0, s13;
	s14 =	spop (v2sf)  }
0x116: {  	s0 =	smax.f32 s0, s14;
	s15 =	spop (v2sf)  }
0x117: {  	[dreg:$0x9] =	wrdreg s21;
	s21 =	smax.f32 s0, s15  }
0x118: {  	vm12 =	veq.f32 v12, s21  }
0x119: {  	v63 =	vld [tilespmem:$0x200];
	vm13 =	veq.f32 v13, s21;
	v12 =	vnsel vm12, $0x80000040, v5  }
0x11a: {  	v21 =	vld [tilespmem:$0x210];
	vm14 =	veq.f32 v14, s21;
	v20 =	vnsel vm13, $0x80000040, v4;
	(xrf0) =	vmin.scan.msk.u32 $0xffff, v12  }
0x11b: {  	v23 =	vld [tilespmem:$0x220];
	vm15 =	veq.f32 v15, s21;
	v22 =	vnsel vm14, $0x80000040, v3;
	(xrf0) =	vmin.scan.msk.u32 $0xffff, v20  }
0x11c: {  	v25 =	vld [tilespmem:$0x230];
	v24 =	vnsel vm15, $0x80000040, v2;
	(xrf0) =	vmin.scan.msk.u32 $0xffff, v22  }
0x11d: {  	(xrf0) =	vmin.scan.msk.u32 $0xffff, v24  }
0x11e: {  	(xrf0) =	vmax.scan.msk.f32 $0xffff, v63  }
0x11f: {  	(xrf0) =	vmax.scan.msk.f32 $0xffff, v21  }
0x120: {  	v26, _, _ =	vpop (xrf0);
	(xrf0) =	vmax.scan.msk.f32 $0xffff, v23  }
0x121: {  	(v2sf) =	vpush v26, $0xF;
	v27, _, _ =	vpop (xrf0);
	(xrf0) =	vmax.scan.msk.f32 $0xffff, v25  }
0x122: {  	(v2sf) =	vpush v27, $0xF;
	v28, _, _ =	vpop (xrf0)  }
0x123: {  	(v2sf) =	vpush v28, $0xF;
	v29, _, _ =	vpop (xrf0)  }
0x124: {  	(v2sf) =	vpush v29, $0xF;
	v30, _, _ =	vpop (xrf0)  }
0x125: {  	(v2sf) =	vpush v30, $0xF;
	v31, _, _ =	vpop (xrf0)  }
0x126: {  	(v2sf) =	vpush v31, $0xF;
	v32, _, _ =	vpop (xrf0)  }
0x127: {  	(v2sf) =	vpush v32, $0xF;
	v33, _, _ =	vpop (xrf0)  }
0x128: {  	(v2sf) =	vpush v33, $0xF;
	_ =	sdelay $0x7  }
0x129: {  	s16 =	spop (v2sf)  }
0x12a: {  	s17 =	spop (v2sf)  }
0x12b: {  	s18 =	spop (v2sf)  }
0x12c: {  	[dreg:$0xb] =	wrdreg s20;
	s20 =	spop (v2sf)  }
0x12d: {  	[dreg:$0x8] =	wrdreg s24;
	s24 =	spop (v2sf)  }
0x12e: {  	s26 =	spop (v2sf)  }
0x12f: {  	s0 =	smax.f32 s24, s26;
	s28 =	spop (v2sf)  }
0x130: {  	s0 =	smax.f32 s0, s28;
	s29 =	spop (v2sf)  }
0x131: {  	s24 =	smax.f32 s0, s29  }
0x132: {  	vm4 =	veq.f32 v63, s24  }
0x133: {  	vm5 =	veq.f32 v21, s24;
	v34 =	vnsel vm4, $0x80000040, v5  }
0x134: {  	v35 =	vnsel vm5, $0x80000040, v4;
	(xrf0) =	vmin.scan.msk.u32 $0xffff, v34  }
0x135: {  	vm6 =	veq.f32 v23, s24;
	(xrf0) =	vmin.scan.msk.u32 $0xffff, v35  }
0x136: {  	v36 =	vnsel vm6, $0x80000040, v3  }
0x137: {  	vm7 =	veq.f32 v25, s24;
	(xrf0) =	vmin.scan.msk.u32 $0xffff, v36  }
0x138: {  	v37 =	vnsel vm7, $0x80000040, v2  }
0x139: {  	(xrf0) =	vmin.scan.msk.u32 $0xffff, v37  }
0x13a: {  	v38, _, _ =	vpop (xrf0)  }
0x13b: {  	(v2sf) =	vpush v38, $0xF;
	v39, _, _ =	vpop (xrf0)  }
0x13c: {  	(v2sf) =	vpush v39, $0xF  }
0x13d: {  	v40, _, _ =	vpop (xrf0)  }
0x13e: {  	(v2sf) =	vpush v40, $0xF  }
0x13f: {  	v41, _, _ =	vpop (xrf0)  }
0x140: {  	(v2sf) =	vpush v41, $0xF;
	_ =	sdelay $0x9  }
0x141: {  	s1 =	spop (v2sf)  }
0x142: {  	s2 =	spop (v2sf)  }
0x143: {  	s0 =	sxor.u32 $0x80000000, s1;
	s1 =	sxor.u32 $0x80000000, s2  }
0x144: {  	s8 =	spop (v2sf);
	p0 =	slt.s32 s0, s1  }
0x145: {  	s1 =	smov.u32 @p0 s0;
	s0 =	sxor.u32 $0x80000000, s8  }
0x146: {  	s9 =	spop (v2sf);
	p0 =	slt.s32 s1, s0  }
0x147: {  	s0 =	smov.u32 @p0 s1;
	s1 =	sxor.u32 $0x80000000, s9  }
0x148: {  	p0 =	slt.s32 s0, s1  }
0x149: {  	s1 =	smov.u32 @p0 s0  }
0x14a: {  	p0 =	slt.s32 s1, $0x40  }
0x14b: {  	s1 =	simm.s32 @!p0 $0x40  }
0x14c: {  	v12 =	vmov s1  }
0x14d: {  	vm8 =	veq.s32 v12, v0  }
0x14e: {  	vm9 =	veq.s32 v12, v7;
	v13 =	vsel vm8, $0xF149F2CA, v63  }
0x14f: {  	vm10 =	veq.s32 v12, v9;
	v14 =	vsel vm9, $0xF149F2CA, v21;
	(xrf0) =	vmax.scan.msk.f32 $0xffff, v13  }
0x150: {  	vm11 =	veq.s32 v12, v8;
	v15 =	vsel vm10, $0xF149F2CA, v23;
	(xrf0) =	vmax.scan.msk.f32 $0xffff, v14  }
0x151: {  	v16 =	vsel vm11, $0xF149F2CA, v25;
	(xrf0) =	vmax.scan.msk.f32 $0xffff, v15  }
0x152: {  	(xrf0) =	vmax.scan.msk.f32 $0xffff, v16;
	_ =	sdelay $0x2  }
0x153: {  	v17, _, _ =	vpop (xrf0)  }
0x154: {  	(v2sf) =	vpush v17, $0xF;
	v42, _, _ =	vpop (xrf0)  }
0x155: {  	(v2sf) =	vpush v42, $0xF;
	v43, _, _ =	vpop (xrf0)  }
0x156: {  	(v2sf) =	vpush v43, $0xF;
	v44, _, _ =	vpop (xrf0)  }
0x157: {  	(v2sf) =	vpush v44, $0xF;
	_ =	sdelay $0xb  }
0x158: {  	s10 =	spop (v2sf)  }
0x159: {  	s0 =	smax.f32 s10, $-1.000000020e+30;
	s11 =	spop (v2sf)  }
0x15a: {  	s0 =	smax.f32 s0, s11;
	s12 =	spop (v2sf)  }
0x15b: {  	s0 =	smax.f32 s0, s12;
	s13 =	spop (v2sf)  }
0x15c: {  	s29 =	smax.f32 s0, s13  }
0x15d: {  	vm12 =	veq.f32 v13, s29  }
0x15e: {  	v45 =	vld [tilespmem:$0x280];
	vm13 =	veq.f32 v14, s29;
	v13 =	vnsel vm12, $0x80000040, v5  }
0x15f: {  	v47 =	vld [tilespmem:$0x290];
	vm14 =	veq.f32 v15, s29;
	v46 =	vnsel vm13, $0x80000040, v4;
	(xrf0) =	vmin.scan.msk.u32 $0xffff, v13  }
0x160: {  	v49 =	vld [tilespmem:$0x2A0];
	vm15 =	veq.f32 v16, s29;
	v48 =	vnsel vm14, $0x80000040, v3;
	(xrf0) =	vmin.scan.msk.u32 $0xffff, v46  }
0x161: {  	v51 =	vld [tilespmem:$0x2B0];
	v50 =	vnsel vm15, $0x80000040, v2;
	(xrf0) =	vmin.scan.msk.u32 $0xffff, v48  }
0x162: {  	(xrf0) =	vmin.scan.msk.u32 $0xffff, v50  }
0x163: {  	(xrf0) =	vmax.scan.msk.f32 $0xffff, v45  }
0x164: {  	(xrf0) =	vmax.scan.msk.f32 $0xffff, v47  }
0x165: {  	v52, _, _ =	vpop (xrf0);
	(xrf0) =	vmax.scan.msk.f32 $0xffff, v49  }
0x166: {  	(v2sf) =	vpush v52, $0xF;
	v53, _, _ =	vpop (xrf0);
	(xrf0) =	vmax.scan.msk.f32 $0xffff, v51  }
0x167: {  	(v2sf) =	vpush v53, $0xF;
	v54, _, _ =	vpop (xrf0)  }
0x168: {  	(v2sf) =	vpush v54, $0xF;
	v55, _, _ =	vpop (xrf0)  }
0x169: {  	(v2sf) =	vpush v55, $0xF;
	v56, _, _ =	vpop (xrf0)  }
0x16a: {  	(v2sf) =	vpush v56, $0xF;
	v57, _, _ =	vpop (xrf0)  }
0x16b: {  	(v2sf) =	vpush v57, $0xF;
	v58, _, _ =	vpop (xrf0)  }
0x16c: {  	(v2sf) =	vpush v58, $0xF;
	v59, _, _ =	vpop (xrf0)  }
0x16d: {  	(v2sf) =	vpush v59, $0xF;
	_ =	sdelay $0x7  }
0x16e: {  	s14 =	spop (v2sf)  }
0x16f: {  	s15 =	spop (v2sf)  }
0x170: {  	[dreg:$0xe] =	wrdreg s16;
	s16 =	spop (v2sf)  }
0x171: {  	[dreg:$0xf] =	wrdreg s17;
	s17 =	spop (v2sf)  }
0x172: {  	[dreg:$0xd] =	wrdreg s18;
	s18 =	spop (v2sf)  }
0x173: {  	[dreg:$0xc] =	wrdreg s20;
	s20 =	spop (v2sf)  }
0x174: {  	s0 =	smax.f32 s18, s20;
	s26 =	spop (v2sf)  }
0x175: {  	s0 =	smax.f32 s0, s26;
	s28 =	spop (v2sf)  }
0x176: {  	[dreg:$0x13] =	wrdreg s15;
	s15 =	smax.f32 s0, s28  }
0x177: {  	vm4 =	veq.f32 v45, s15  }
0x178: {  	vm5 =	veq.f32 v47, s15;
	v60 =	vnsel vm4, $0x80000040, v5  }
0x179: {  	v61 =	vnsel vm5, $0x80000040, v4;
	(xrf0) =	vmin.scan.msk.u32 $0xffff, v60  }
0x17a: {  	vm6 =	veq.f32 v49, s15;
	(xrf0) =	vmin.scan.msk.u32 $0xffff, v61  }
0x17b: {  	v62 =	vnsel vm6, $0x80000040, v3  }
0x17c: {  	vm7 =	veq.f32 v51, s15;
	(xrf0) =	vmin.scan.msk.u32 $0xffff, v62  }
0x17d: {  	v63 =	vnsel vm7, $0x80000040, v2  }
0x17e: {  	(xrf0) =	vmin.scan.msk.u32 $0xffff, v63  }
0x17f: {  	v18, _, _ =	vpop (xrf0)  }
0x180: {  	(v2sf) =	vpush v18, $0xF;
	v19, _, _ =	vpop (xrf0)  }
0x181: {  	(v2sf) =	vpush v19, $0xF  }
0x182: {  	v20, _, _ =	vpop (xrf0)  }
0x183: {  	(v2sf) =	vpush v20, $0xF  }
0x184: {  	v21, _, _ =	vpop (xrf0)  }
0x185: {  	(v2sf) =	vpush v21, $0xF;
	_ =	sdelay $0x9  }
0x186: {  	s2 =	spop (v2sf)  }
0x187: {  	s8 =	spop (v2sf)  }
0x188: {  	s0 =	sxor.u32 $0x80000000, s2;
	s1 =	sxor.u32 $0x80000000, s8  }
0x189: {  	s9 =	spop (v2sf);
	p0 =	slt.s32 s0, s1  }
0x18a: {  	s1 =	smov.u32 @p0 s0;
	s0 =	sxor.u32 $0x80000000, s9  }
0x18b: {  	s10 =	spop (v2sf);
	p0 =	slt.s32 s1, s0  }
0x18c: {  	s0 =	smov.u32 @p0 s1;
	s1 =	sxor.u32 $0x80000000, s10  }
0x18d: {  	p0 =	slt.s32 s0, s1  }
0x18e: {  	s1 =	smov.u32 @p0 s0  }
0x18f: {  	p0 =	slt.s32 s1, $0x40  }
0x190: {  	s1 =	simm.s32 @!p0 $0x40  }
0x191: {  	v13 =	vmov s1  }
0x192: {  	vm8 =	veq.s32 v13, v0  }
0x193: {  	vm9 =	veq.s32 v13, v7;
	v14 =	vsel vm8, $0xF149F2CA, v45  }
0x194: {  	vm10 =	veq.s32 v13, v9;
	v15 =	vsel vm9, $0xF149F2CA, v47;
	(xrf0) =	vmax.scan.msk.f32 $0xffff, v14  }
0x195: {  	vm11 =	veq.s32 v13, v8;
	v16 =	vsel vm10, $0xF149F2CA, v49;
	(xrf0) =	vmax.scan.msk.f32 $0xffff, v15  }
0x196: {  	v17 =	vsel vm11, $0xF149F2CA, v51;
	(xrf0) =	vmax.scan.msk.f32 $0xffff, v16  }
0x197: {  	(xrf0) =	vmax.scan.msk.f32 $0xffff, v17;
	_ =	sdelay $0x2  }
0x198: {  	v18, _, _ =	vpop (xrf0)  }
0x199: {  	(v2sf) =	vpush v18, $0xF;
	v22, _, _ =	vpop (xrf0)  }
0x19a: {  	(v2sf) =	vpush v22, $0xF;
	v23, _, _ =	vpop (xrf0)  }
0x19b: {  	(v2sf) =	vpush v23, $0xF;
	v24, _, _ =	vpop (xrf0)  }
0x19c: {  	(v2sf) =	vpush v24, $0xF;
	_ =	sdelay $0xb  }
0x19d: {  	[dreg:$0x12] =	wrdreg s14;
	s11 =	spop (v2sf)  }
0x19e: {  	s0 =	smax.f32 s11, $-1.000000020e+30;
	s12 =	spop (v2sf)  }
0x19f: {  	s0 =	smax.f32 s0, s12;
	s13 =	spop (v2sf)  }
0x1a0: {  	s0 =	smax.f32 s0, s13;
	s14 =	spop (v2sf)  }
0x1a1: {  	s14 =	smax.f32 s0, s14  }
0x1a2: {  	vm12 =	veq.f32 v14, s14  }
0x1a3: {  	v25 =	vld [tilespmem:$0x300];
	vm13 =	veq.f32 v15, s14;
	v14 =	vnsel vm12, $0x80000040, v5  }
0x1a4: {  	v27 =	vld [tilespmem:$0x310];
	vm14 =	veq.f32 v16, s14;
	v26 =	vnsel vm13, $0x80000040, v4;
	(xrf0) =	vmin.scan.msk.u32 $0xffff, v14  }
0x1a5: {  	v29 =	vld [tilespmem:$0x320];
	vm15 =	veq.f32 v17, s14;
	v28 =	vnsel vm14, $0x80000040, v3;
	(xrf0) =	vmin.scan.msk.u32 $0xffff, v26  }
0x1a6: {  	v31 =	vld [tilespmem:$0x330];
	v30 =	vnsel vm15, $0x80000040, v2;
	(xrf0) =	vmin.scan.msk.u32 $0xffff, v28  }
0x1a7: {  	(xrf0) =	vmin.scan.msk.u32 $0xffff, v30  }
0x1a8: {  	(xrf0) =	vmax.scan.msk.f32 $0xffff, v25  }
0x1a9: {  	(xrf0) =	vmax.scan.msk.f32 $0xffff, v27  }
0x1aa: {  	v32, _, _ =	vpop (xrf0);
	(xrf0) =	vmax.scan.msk.f32 $0xffff, v29  }
0x1ab: {  	(v2sf) =	vpush v32, $0xF;
	v33, _, _ =	vpop (xrf0);
	(xrf0) =	vmax.scan.msk.f32 $0xffff, v31  }
0x1ac: {  	(v2sf) =	vpush v33, $0xF;
	v34, _, _ =	vpop (xrf0)  }
0x1ad: {  	(v2sf) =	vpush v34, $0xF;
	v35, _, _ =	vpop (xrf0)  }
0x1ae: {  	(v2sf) =	vpush v35, $0xF;
	v36, _, _ =	vpop (xrf0)  }
0x1af: {  	(v2sf) =	vpush v36, $0xF;
	v37, _, _ =	vpop (xrf0)  }
0x1b0: {  	(v2sf) =	vpush v37, $0xF;
	v38, _, _ =	vpop (xrf0)  }
0x1b1: {  	(v2sf) =	vpush v38, $0xF;
	v39, _, _ =	vpop (xrf0)  }
0x1b2: {  	(v2sf) =	vpush v39, $0xF;
	_ =	sdelay $0x7  }
0x1b3: {  	s13 =	spop (v2sf)  }
0x1b4: {  	s12 =	spop (v2sf)  }
0x1b5: {  	s26 =	spop (v2sf)  }
0x1b6: {  	s28 =	spop (v2sf)  }
0x1b7: {  	[dreg:$0x11] =	wrdreg s16;
	s16 =	spop (v2sf)  }
0x1b8: {  	[dreg:$0x10] =	wrdreg s17;
	s17 =	spop (v2sf)  }
0x1b9: {  	s0 =	smax.f32 s16, s17;
	s18 =	spop (v2sf)  }
0x1ba: {  	s0 =	smax.f32 s0, s18;
	s20 =	spop (v2sf)  }
0x1bb: {  	s11 =	smax.f32 s0, s20  }
0x1bc: {  	vm4 =	veq.f32 v25, s11  }
0x1bd: {  	vm5 =	veq.f32 v27, s11;
	v40 =	vnsel vm4, $0x80000040, v5  }
0x1be: {  	v41 =	vnsel vm5, $0x80000040, v4;
	(xrf0) =	vmin.scan.msk.u32 $0xffff, v40  }
0x1bf: {  	vm6 =	veq.f32 v29, s11;
	(xrf0) =	vmin.scan.msk.u32 $0xffff, v41  }
0x1c0: {  	v42 =	vnsel vm6, $0x80000040, v3  }
0x1c1: {  	vm7 =	veq.f32 v31, s11;
	(xrf0) =	vmin.scan.msk.u32 $0xffff, v42  }
0x1c2: {  	v43 =	vnsel vm7, $0x80000040, v2  }
0x1c3: {  	(xrf0) =	vmin.scan.msk.u32 $0xffff, v43  }
0x1c4: {  	v44, _, _ =	vpop (xrf0)  }
0x1c5: {  	(v2sf) =	vpush v44, $0xF;
	v45, _, _ =	vpop (xrf0)  }
0x1c6: {  	(v2sf) =	vpush v45, $0xF  }
0x1c7: {  	v46, _, _ =	vpop (xrf0)  }
0x1c8: {  	(v2sf) =	vpush v46, $0xF  }
0x1c9: {  	v47, _, _ =	vpop (xrf0)  }
0x1ca: {  	(v2sf) =	vpush v47, $0xF;
	_ =	sdelay $0x9  }
0x1cb: {  	s2 =	spop (v2sf)  }
0x1cc: {  	s8 =	spop (v2sf)  }
0x1cd: {  	s0 =	sxor.u32 $0x80000000, s2;
	s1 =	sxor.u32 $0x80000000, s8  }
0x1ce: {  	s9 =	spop (v2sf);
	p0 =	slt.s32 s0, s1  }
0x1cf: {  	s1 =	smov.u32 @p0 s0;
	s0 =	sxor.u32 $0x80000000, s9  }
0x1d0: {  	s10 =	spop (v2sf);
	p0 =	slt.s32 s1, s0  }
0x1d1: {  	s0 =	smov.u32 @p0 s1;
	s1 =	sxor.u32 $0x80000000, s10  }
0x1d2: {  	p0 =	slt.s32 s0, s1  }
0x1d3: {  	s1 =	smov.u32 @p0 s0  }
0x1d4: {  	p0 =	slt.s32 s1, $0x40  }
0x1d5: {  	s1 =	simm.s32 @!p0 $0x40  }
0x1d6: {  	v14 =	vmov s1  }
0x1d7: {  	vm8 =	veq.s32 v14, v0  }
0x1d8: {  	vm9 =	veq.s32 v14, v7;
	v15 =	vsel vm8, $0xF149F2CA, v25  }
0x1d9: {  	vm10 =	veq.s32 v14, v9;
	v16 =	vsel vm9, $0xF149F2CA, v27;
	(xrf0) =	vmax.scan.msk.f32 $0xffff, v15  }
0x1da: {  	vm11 =	veq.s32 v14, v8;
	v17 =	vsel vm10, $0xF149F2CA, v29;
	(xrf0) =	vmax.scan.msk.f32 $0xffff, v16  }
0x1db: {  	v18 =	vsel vm11, $0xF149F2CA, v31;
	(xrf0) =	vmax.scan.msk.f32 $0xffff, v17  }
0x1dc: {  	(xrf0) =	vmax.scan.msk.f32 $0xffff, v18;
	_ =	sdelay $0x2  }
0x1dd: {  	v19, _, _ =	vpop (xrf0)  }
0x1de: {  	(v2sf) =	vpush v19, $0xF;
	v48, _, _ =	vpop (xrf0)  }
0x1df: {  	(v2sf) =	vpush v48, $0xF;
	v49, _, _ =	vpop (xrf0)  }
0x1e0: {  	(v2sf) =	vpush v49, $0xF;
	v50, _, _ =	vpop (xrf0)  }
0x1e1: {  	(v2sf) =	vpush v50, $0xF;
	_ =	sdelay $0xb  }
0x1e2: {  	s16 =	spop (v2sf)  }
0x1e3: {  	s0 =	smax.f32 s16, $-1.000000020e+30;
	s17 =	spop (v2sf)  }
0x1e4: {  	s0 =	smax.f32 s0, s17;
	s18 =	spop (v2sf)  }
0x1e5: {  	s0 =	smax.f32 s0, s18;
	s20 =	spop (v2sf)  }
0x1e6: {  	s10 =	smax.f32 s0, s20  }
0x1e7: {  	vm12 =	veq.f32 v15, s10  }
0x1e8: {  	v51 =	vld [tilespmem:$0x380];
	vm13 =	veq.f32 v16, s10;
	v15 =	vnsel vm12, $0x80000040, v5  }
0x1e9: {  	v53 =	vld [tilespmem:$0x390];
	vm14 =	veq.f32 v17, s10;
	v52 =	vnsel vm13, $0x80000040, v4;
	(xrf0) =	vmin.scan.msk.u32 $0xffff, v15  }
0x1ea: {  	v55 =	vld [tilespmem:$0x3A0];
	vm15 =	veq.f32 v18, s10;
	v54 =	vnsel vm14, $0x80000040, v3;
	(xrf0) =	vmin.scan.msk.u32 $0xffff, v52  }
0x1eb: {  	v57 =	vld [tilespmem:$0x3B0];
	v56 =	vnsel vm15, $0x80000040, v2;
	(xrf0) =	vmin.scan.msk.u32 $0xffff, v54  }
0x1ec: {  	(xrf0) =	vmin.scan.msk.u32 $0xffff, v56  }
0x1ed: {  	(xrf0) =	vmax.scan.msk.f32 $0xffff, v51  }
0x1ee: {  	(xrf0) =	vmax.scan.msk.f32 $0xffff, v53  }
0x1ef: {  	v58, _, _ =	vpop (xrf0);
	(xrf0) =	vmax.scan.msk.f32 $0xffff, v55  }
0x1f0: {  	(v2sf) =	vpush v58, $0xF;
	v59, _, _ =	vpop (xrf0);
	(xrf0) =	vmax.scan.msk.f32 $0xffff, v57  }
0x1f1: {  	v20, _, _ =	vpop (xrf0);
	(v2sf) =	vpush v59, $0xF  }
0x1f2: {  	v60, _, _ =	vpop (xrf0);
	(v2sf) =	vpush v20, $0xF  }
0x1f3: {  	(v2sf) =	vpush v60, $0xF;
	v61, _, _ =	vpop (xrf0)  }
0x1f4: {  	(v2sf) =	vpush v61, $0xF;
	v62, _, _ =	vpop (xrf0)  }
0x1f5: {  	(v2sf) =	vpush v62, $0xF;
	v63, _, _ =	vpop (xrf0)  }
0x1f6: {  	(v2sf) =	vpush v63, $0xF;
	v20, _, _ =	vpop (xrf0)  }
0x1f7: {  	(v2sf) =	vpush v20, $0xF;
	_ =	sdelay $0x7  }
0x1f8: {  	s16 =	spop (v2sf)  }
0x1f9: {  	s17 =	spop (v2sf)  }
0x1fa: {  	s18 =	spop (v2sf)  }
0x1fb: {  	s20 =	spop (v2sf)  }
0x1fc: {  	s1 =	spop (v2sf)  }
0x1fd: {  	s2 =	spop (v2sf)  }
0x1fe: {  	s0 =	smax.f32 s1, s2;
	s8 =	spop (v2sf)  }
0x1ff: {  	s0 =	smax.f32 s0, s8;
	s9 =	spop (v2sf)  }
0x200: {  	s9 =	smax.f32 s0, s9  }
0x201: {  	vm4 =	veq.f32 v51, s9  }
0x202: {  	vm5 =	veq.f32 v53, s9;
	v21 =	vnsel vm4, $0x80000040, v5  }
0x203: {  	v22 =	vnsel vm5, $0x80000040, v4;
	(xrf0) =	vmin.scan.msk.u32 $0xffff, v21  }
0x204: {  	vm6 =	veq.f32 v55, s9;
	(xrf0) =	vmin.scan.msk.u32 $0xffff, v22  }
0x205: {  	v23 =	vnsel vm6, $0x80000040, v3  }
0x206: {  	vm7 =	veq.f32 v57, s9;
	(xrf0) =	vmin.scan.msk.u32 $0xffff, v23  }
0x207: {  	v24 =	vnsel vm7, $0x80000040, v2  }
0x208: {  	(xrf0) =	vmin.scan.msk.u32 $0xffff, v24  }
0x209: {  	v25, _, _ =	vpop (xrf0)  }
0x20a: {  	(v2sf) =	vpush v25, $0xF;
	v26, _, _ =	vpop (xrf0)  }
0x20b: {  	(v2sf) =	vpush v26, $0xF  }
0x20c: {  	v27, _, _ =	vpop (xrf0)  }
0x20d: {  	(v2sf) =	vpush v27, $0xF  }
0x20e: {  	v28, _, _ =	vpop (xrf0)  }
0x20f: {  	(v2sf) =	vpush v28, $0xF;
	_ =	sdelay $0x9  }
0x210: {  	s1 =	spop (v2sf)  }
0x211: {  	s2 =	spop (v2sf)  }
0x212: {  	s0 =	sxor.u32 $0x80000000, s1;
	s1 =	sxor.u32 $0x80000000, s2  }
0x213: {  	s8 =	spop (v2sf);
	p0 =	slt.s32 s0, s1  }
0x214: {  	s1 =	smov.u32 @p0 s0;
	s0 =	sxor.u32 $0x80000000, s8  }
0x215: {  	s8 =	spop (v2sf);
	p0 =	slt.s32 s1, s0  }
0x216: {  	s0 =	smov.u32 @p0 s1;
	s1 =	sxor.u32 $0x80000000, s8  }
0x217: {  	p0 =	slt.s32 s0, s1  }
0x218: {  	s1 =	smov.u32 @p0 s0  }
0x219: {  	p0 =	slt.s32 s1, $0x40  }
0x21a: {  	s1 =	simm.s32 @!p0 $0x40  }
0x21b: {  	v29 =	vmov s1  }
0x21c: {  	vm8 =	veq.s32 v29, v0  }
0x21d: {  	vm1 =	veq.s32 v29, v7;
	v30 =	vsel vm8, $0xF149F2CA, v51  }
0x21e: {  	vm9 =	veq.s32 v29, v9;
	v31 =	vsel vm1, $0xF149F2CA, v53;
	(xrf0) =	vmax.scan.msk.f32 $0xffff, v30  }
0x21f: {  	v32 =	vsel vm9, $0xF149F2CA, v55;
	(xrf0) =	vmax.scan.msk.f32 $0xffff, v31  }
0x220: {  	vm10 =	veq.s32 v29, v8;
	(xrf0) =	vmax.scan.msk.f32 $0xffff, v32  }
0x221: {  	v8 =	vsel vm10, $0xF149F2CA, v57  }
0x222: {  	(xrf0) =	vmax.scan.msk.f32 $0xffff, v8;
	_ =	sdelay $0x1  }
0x223: {  	v33, _, _ =	vpop (xrf0)  }
0x224: {  	(v2sf) =	vpush v33, $0xF;
	v34, _, _ =	vpop (xrf0)  }
0x225: {  	(v2sf) =	vpush v34, $0xF;
	v35, _, _ =	vpop (xrf0)  }
0x226: {  	(v2sf) =	vpush v35, $0xF  }
0x227: {  	v36, _, _ =	vpop (xrf0)  }
0x228: {  	(v2sf) =	vpush v36, $0xF;
	_ =	sdelay $0x9  }
0x229: {  	s3 =	sxor.u32 $0x80000000, s3  }
0x22a: {  	s4 =	sxor.u32 $0x80000000, s4;
	s7 =	sxor.u32 $0x80000000, s7;
	s2 =	spop (v2sf)  }
0x22b: {  	s12 =	sxor.u32 $0x80000000, s12;
	s0 =	smax.f32 s2, $-1.000000020e+30;
	s8 =	spop (v2sf)  }
0x22c: {  	s1 =	sxor.u32 $0x80000000, s6;
	s0 =	smax.f32 s0, s8;
	s2 =	spop (v2sf)  }
0x22d: {  	s6 =	rddreg [dreg:$0x7];
	p0 =	slt.s32 s3, s1;
	s0 =	smax.f32 s0, s2  }
0x22e: {  	s1 =	smov.u32 @p0 s3;
	s8 =	spop (v2sf);
	s2 =	rddreg [dreg:$0x6]  }
0x22f: {  	s8 =	smax.f32 s0, s8;
	s2 =	sxor.u32 $0x80000000, s2;
	s0 =	sxor.u32 $0x80000000, s6  }
0x230: {  	s3 =	sxor.u32 $0x80000000, s5;
	s6 =	rddreg [dreg:$0x5];
	p0 =	slt.s32 s2, s0  }
0x231: {  	s5 =	rddreg [dreg:$0xa];
	s0 =	smov.u32 @p0 s2;
	s2 =	sxor.u32 $0x80000000, s6  }
0x232: {  	vm11 =	veq.f32 v30, s8;
	p0 =	slt.s32 s1, s3;
	s6 =	rddreg [dreg:$0xb];
	p1 =	slt.s32 s0, s2  }
0x233: {  	v5 =	vnsel vm11, $0x80000040, v5;
	s3 =	smov.u32 @p0 s1;
	s1 =	sxor.u32 $0x80000000, s5;
	s5 =	rddreg [dreg:$0xe]  }
0x234: {  	vm1 =	veq.f32 v31, s8;
	(xrf0) =	vmin.scan.msk.u32 $0xffff, v5;
	s2 =	smov.u32 @p1 s0;
	s0 =	sxor.u32 $0x80000000, s6;
	p0 =	slt.s32 s3, s4  }
0x235: {  	v4 =	vnsel vm1, $0x80000040, v4;
	s5 =	sxor.u32 $0x80000000, s5;
	s6 =	rddreg [dreg:$0xf];
	p1 =	slt.s32 s1, s0  }
0x236: {  	vm12 =	veq.f32 v32, s8;
	(xrf0) =	vmin.scan.msk.u32 $0xffff, v4;
	s4 =	smov.u32 @p0 s3;
	p0 =	slt.s32 s2, s7;
	s3 =	rddreg [dreg:$0x9]  }
0x237: {  	v3 =	vnsel vm12, $0x80000040, v3;
	s0 =	smov.u32 @p1 s1;
	s1 =	sxor.u32 $0x80000000, s6;
	s6 =	rddreg [dreg:$0x8]  }
0x238: {  	vm13 =	veq.f32 v8, s8;
	(xrf0) =	vmin.scan.msk.u32 $0xffff, v3;
	s3 =	sxor.u32 $0x80000000, s3;
	s7 =	smov.u32 @p0 s2;
	s2 =	rddreg [dreg:$0x12]  }
0x239: {  	v2 =	vnsel vm13, $0x80000040, v2;
	p0 =	slt.s32 s0, s3;
	p1 =	slt.s32 s5, s1;
	s6 =	sxor.u32 $0x80000000, s6  }
0x23a: {  	s2 =	sxor.u32 $0x80000000, s2;
	s1 =	smov.u32 @p1 s5;
	s5 =	rddreg [dreg:$0x13];
	v37, _, _ =	vpop (xrf0);
	(xrf0) =	vmin.scan.msk.u32 $0xffff, v2  }
0x23b: {  	s3 =	smov.u32 @p0 s0;
	s0 =	rddreg [dreg:$0xd];
	s5 =	sxor.u32 $0x80000000, s5  }
0x23c: {  	p0 =	slt.s32 s3, s6;
	s0 =	sxor.u32 $0x80000000, s0;
	(v2sf) =	vpush v37, $0xF;
	v38, _, _ =	vpop (xrf0);
	p1 =	slt.s32 s2, s5  }
0x23d: {  	s6 =	smov.u32 @p0 s3;
	p0 =	slt.s32 s1, s0;
	s3 =	rddreg [dreg:$0x11];
	(v2sf) =	vpush v38, $0xF  }
0x23e: {  	v39, _, _ =	vpop (xrf0);
	s5 =	smov.u32 @p1 s2;
	s2 =	sxor.u32 $0x80000000, s3;
	s3 =	sxor.u32 $0x80000000, s13  }
0x23f: {  	s0 =	smov.u32 @p0 s1;
	s13 =	rddreg [dreg:$0x10];
	(v2sf) =	vpush v39, $0xF;
	p0 =	slt.s32 s5, s2  }
0x240: {  	p1 =	slt.s32 s3, s12;
	s2 =	smov.u32 @p0 s5;
	s5 =	rddreg [dreg:$0xc];
	v40, _, _ =	vpop (xrf0)  }
0x241: {  	s12 =	smov.u32 @p1 s3;
	s3 =	sxor.u32 $0x80000000, s26;
	s1 =	sxor.u32 $0x80000000, s5;
	(v2sf) =	vpush v40, $0xF  }
0x242: {  	s13 =	sxor.u32 $0x80000000, s13;
	p1 =	slt.s32 s12, s3;
	p0 =	slt.s32 s0, s1  }
0x243: {  	s3 =	smov.u32 @p1 s12;
	s12 =	sxor.u32 $0x80000000, s28;
	s1 =	smov.u32 @p0 s0  }
0x244: {  	p0 =	slt.s32 s2, s13;
	s0 =	sxor.u32 $0x80000000, s16;
	s16 =	rddreg [dreg:$0x4]  }
0x245: {  	v41 =	vmov s31;
	vm15 =	vcmask $0x704;
	s13 =	smov.u32 @p0 s2;
	p0 =	slt.s32 s4, $0x40;
	s2 =	sxor.u32 $0x80000000, s17  }
0x246: {  	vm2 =	veq.s32 v0, $0x0;
	v42 =	vmov s25;
	v2 =	vnsel vm15, $0x0, v41;
	s4 =	simm.s32 @!p0 $0x40;
	p0 =	slt.s32 s3, s12;
	p1 =	slt.s32 s0, s2  }
0x247: {  	vm14 =	vcmask $0x300;
	v44 =	vnsel vm15, $0x0, v42;
	v0 =	vsel vm2, s16, v2;
	s12 =	smov.u32 @p0 s3;
	s2 =	smov.u32 @p1 s0;
	p0 =	slt.s32 s7, $0x40  }
0x248: {  	v45 =	vmov s22;
	v1 =	vnsel vm14, $0x0, v1;
	[tilespmem:$0x800] =	vst v0;
	v0 =	vsel vm2, s30, v44;
	s3 =	sxor.u32 $0x80000000, s18;
	s7 =	simm.s32 @!p0 $0x40;
	p0 =	slt.s32 s6, $0x40  }
0x249: {  	v48 =	vmov s21;
	v43 =	vnsel vm14, $0x0, v6;
	v1 =	vsel vm15, s4, v1;
	[tilespmem:$0x880] =	vst v0;
	s6 =	simm.s32 @!p0 $0x40;
	p0 =	slt.s32 s2, s3  }
0x24a: {  	v46 =	vnsel vm14, $0x0, v10;
	v47 =	vnsel vm15, $0x0, v45;
	[tilespmem:$0x400] =	vst v1;
	v1 =	vsel vm15, s7, v43;
	s3 =	smov.u32 @p0 s2;
	p0 =	slt.s32 s1, $0x40  }
0x24b: {  	v49 =	vnsel vm14, $0x0, v11;
	v50 =	vnsel vm15, $0x0, v48;
	[tilespmem:$0x480] =	vst v1;
	v1 =	vsel vm15, s6, v46;
	s1 =	simm.s32 @!p0 $0x40;
	p0 =	slt.s32 s13, $0x40;
	s17 =	spop (v2sf)  }
0x24c: {  	v51 =	vmov s29;
	v0 =	vsel vm2, s23, v47;
	[tilespmem:$0x500] =	vst v1;
	v1 =	vsel vm15, s1, v49;
	s13 =	simm.s32 @!p0 $0x40;
	s1 =	sxor.u32 $0x80000000, s20;
	s18 =	spop (v2sf)  }
0x24d: {  	v54 =	vmov s14;
	v53 =	vnsel vm15, $0x0, v51;
	[tilespmem:$0x900] =	vst v0;
	v0 =	vsel vm2, s19, v50;
	p0 =	slt.s32 s12, $0x40;
	s0 =	sxor.u32 $0x80000000, s17;
	s4 =	sxor.u32 $0x80000000, s18  }
0x24e: {  	v56 =	vnsel vm15, $0x0, v54;
	[tilespmem:$0x980] =	vst v0;
	v0 =	vsel vm2, s24, v53;
	s12 =	simm.s32 @!p0 $0x40;
	s22 =	spop (v2sf);
	p1 =	slt.s32 s0, s4  }
0x24f: {  	[tilespmem:$0xA00] =	vst v0;
	v0 =	vsel vm2, s15, v56;
	s4 =	smov.u32 @p1 s0;
	p1 =	slt.s32 s3, s1;
	s0 =	sxor.u32 $0x80000000, s22  }
0x250: {  	v52 =	vnsel vm14, $0x0, v12;
	[tilespmem:$0xA80] =	vst v0;
	s1 =	smov.u32 @p1 s3;
	p1 =	slt.s32 s4, s0;
	s23 =	spop (v2sf)  }
0x251: {  	v55 =	vnsel vm14, $0x0, v13;
	[tilespmem:$0x580] =	vst v1;
	v1 =	vsel vm15, s13, v52;
	s0 =	smov.u32 @p1 s4;
	p0 =	slt.s32 s1, $0x40;
	s2 =	sxor.u32 $0x80000000, s23  }
0x252: {  	v58 =	vnsel vm14, $0x0, v14;
	v57 =	vmov s10;
	[tilespmem:$0x600] =	vst v1;
	v1 =	vsel vm15, s12, v55;
	s1 =	simm.s32 @!p0 $0x40;
	p1 =	slt.s32 s0, s2  }
0x253: {  	v59 =	vnsel vm15, $0x0, v57;
	v60 =	vmov s8;
	[tilespmem:$0x680] =	vst v1;
	v1 =	vsel vm15, s1, v58;
	s2 =	smov.u32 @p1 s0  }
0x254: {  	s25 =	rddreg [dreg:$0x3];
	v0 =	vsel vm2, s11, v59;
	[tilespmem:$0x700] =	vst v1;
	v1 =	vnsel vm15, $0x0, v60;
	p0 =	slt.s32 s2, $0x40  }
0x255: {  	v61 =	vnsel vm14, $0x0, v29;
	s24 =	rddreg [dreg:$0x1];
	[tilespmem:$0xB00] =	vst v0;
	v63 =	vsel vm2, s9, v1;
	s2 =	simm.s32 @!p0 $0x40  }
0x256: {  	s29 =	simm.s32 $0x1;
	s0 =	sadd.s32 s25, s24;
	[tilespmem:$0xB80] =	vst v63;
	v62 =	vsel vm15, s2, v61  }
0x257: {  	s26 =	simm.s32 $0x400;
	s28 =	simm.s32 $0x0;
	s1 =	sadd.s32 $0xE00, s0;
	[tilespmem:$0x780] =	vst v62  }
0x258: {  	[hbm4b:s1+s28] =	stream.linear.scatter [tilespmem:s26], [sflag:$0x1], $0x400, $0x38;
	[tilespmem:$0xC00] =	vst v63  }
0x259: {  	_ =	swait.ge [sflag:s29], $0x400  }
0x25a: {  	[sflag:s29] =	ssyncset.done $0x0  }
0x25b: {  	s30 =	simm.s32 $0x800;
	s0 =	sadd.s32 $0x1600, s0;
	[sflag:s29] =	ssyncadd.s32 $0xFFFFFC00  }
0x25c: {  	[hbm4b:s0+s28] =	stream.linear.scatter [tilespmem:s30], [sflag:$0x1], $0x400, $0x38;
	[tilespmem:$0xC00] =	vst v63  }
0x25d: {  	_ =	swait.ge [sflag:s29], $0x400  }
0x25e: {  	[sflag:s29] =	ssyncset.done $0x0  }
0x25f: {  	[sflag:s29] =	ssyncadd.s32 $0xFFFFFC00  }
0x260: {  	_ =	sfence.sel $0x180000  }
0x261: {  	[bflag:$0x0] =	sbarrier.arrive $0xFFFF  }
0x262: {  	_ =	strace $0x90000047  }
0x263: {  	s31 =	stileid.u32;
	[bflag:$0x2] =	sbarrier.arrive $0xFFFF  }
0x264: {  	p0 =	sne.s32 s31, $0x0;
	s0 =	rddreg [dreg:$0x2]  }
0x265: {  	s0 =	sadd.s32 @!p0 $0x100000, s0  }
0x266: {  	[sflag:s0] =	ssyncadd.tile.s32 @!p0 $0x1;
	_ =	shalt  }
.Lfunc_end2:
_tile_overlayer_lowered:
.L_overlay_start_2:
0x267: {  	(tag) =	ssettag $0x2  }
0x268: {  	s0 =	rddreg [dreg:$0x0];
	s2 =	stileid.u32  }
0x269: {  	s1 =	rddreg [dreg:$0x1];
	p0 =	sne.s32 s2, $0x0  }
0x26a: {  	s3 =	rddreg [dreg:$0x2];
	[bflag:$0x3] =	sbarrier.arrive $0xFFFF;
	s2 =	simm.s32 @!p0 $0x1C01  }
0x26b: {  	[timem:s3], [sflag:s2] =	dma.local @!p0 [hbm:s0], s1  }
0x26c: {  	s0 =	simm.s32 @!p0 $0x1  }
0x26d: {  	_ =	swait.ge @!p0 [sflag:s0], s1  }
0x26e: {  	s1 =	ssub.s32 @!p0 $0x0, s1;
	[sflag:s0] =	ssyncset.done @!p0 $0x0  }
0x26f: {  	[sflag:s0] =	ssyncadd.s32 @!p0 s1  }
0x270: {  	[bflag:$0x3] =	sbarrier.arrive $0xFFFF  }
0x271: {  	_ =	shalt  }

</sc_bundles>
